<compile_context>
chip_gen: v7x
topology: tpu7x:2x2x1
jax: 0.10.2.dev20260603
libtpu: 0.0.44.dev20260713+nightly
codegen_flags: <defaults>
</compile_context>

<pallas_src>
import functools

import jax
import jax.numpy as jnp
from jax import lax
from jax.experimental import pallas as pl
from jax.experimental.pallas import tpu as pltpu
from jax.experimental.pallas import tpu_sc as plsc

_EMBED = 64
_LANES = 16
_TILE_W = 128
_RING = 8


@functools.lru_cache(maxsize=None)
def _make_sc_kernel(batch: int, maxlen: int, vocab: int):
    info = plsc.get_sparse_core_info()
    nw = info.num_cores * info.num_subcores
    n_idx = batch * maxlen
    b_per_w = n_idx // nw
    n_grp = b_per_w // _LANES
    w_per_row = maxlen // b_per_w
    mesh = plsc.VectorSubcoreMesh(core_axis_name="c", subcore_axis_name="s")

    @functools.partial(
        pl.kernel,
        mesh=mesh,
        compiler_params=pltpu.CompilerParams(
            needs_layout_passes=False, disable_bounds_checks=True
        ),
        out_type=jax.ShapeDtypeStruct((batch, _EMBED, maxlen), jnp.float32),
        scratch_types=[
            pltpu.VMEM((1, b_per_w + _LANES), jnp.int32),
            pltpu.VMEM((_EMBED, b_per_w), jnp.float32),
            pltpu.VMEM((_RING, _EMBED, _TILE_W), jnp.float32),
            pltpu.SemaphoreType.DMA,
            [pltpu.SemaphoreType.DMA] * _RING,
        ],
    )
    def k(idx_hbm, tok_t_hbm, pos_t_hbm, out_hbm, idx_v, acc_v, col_v, sem,
          rsems):
        wid = lax.axis_index("s") * info.num_cores + lax.axis_index("c")
        b = wid // w_per_row
        t0 = pl.multiple_of(lax.rem(wid, w_per_row) * b_per_w, b_per_w)
        pltpu.sync_copy(idx_hbm.at[wid], idx_v.at[:, pl.ds(0, b_per_w)])
        pltpu.sync_copy(pos_t_hbm.at[:, pl.ds(t0, b_per_w)], acc_v)

        def fire(i, slot):
            base = pl.multiple_of((i // _TILE_W) * _TILE_W, _TILE_W)
            pltpu.async_copy(
                tok_t_hbm.at[:, pl.ds(base, _TILE_W)], col_v.at[slot],
                rsems[slot],
            )

        def extract(i, j, slot):
            o_vec = jnp.full((_LANES,), lax.rem(i, _TILE_W), jnp.int32)
            j_vec = jnp.full((_LANES,), j, jnp.int32)
            pltpu.make_async_copy(
                tok_t_hbm.at[:, pl.ds(0, _TILE_W)], col_v.at[slot],
                rsems[slot],
            ).wait()
            for c in range(_EMBED // _LANES):
                rows = lax.iota(jnp.int32, _LANES) + (c * _LANES)
                vals = plsc.load_gather(col_v.at[slot], [rows, o_vec])
                plsc.addupdate_scatter(acc_v, [rows, j_vec], vals)

        v0 = idx_v[0, pl.ds(0, _LANES)]
        for r in range(_RING):
            fire(v0[r], r)

        def group(g, carry):
            j0 = g * _LANES
            vec = idx_v[0, pl.ds(j0, _LANES)]
            vec_nxt = idx_v[0, pl.ds(j0 + _LANES, _LANES)]
            for r in range(_RING):
                extract(vec[r], j0 + r, r)
                fire(vec[_RING + r], r)

            for r in range(_RING):
                extract(vec[_RING + r], j0 + _RING + r, r)

                @pl.when(j0 + _LANES + r < b_per_w)
                def _():
                    fire(vec_nxt[r], r)

            return carry

        lax.fori_loop(0, n_grp, group, 0)
        pltpu.sync_copy(acc_v, out_hbm.at[b, :, pl.ds(t0, b_per_w)])

    return k


def kernel(inputs, token_table, pos_table):
    batch, maxlen = inputs.shape
    idx3d = inputs.reshape(32, 1, inputs.size // 32).astype(jnp.int32)
    k = _make_sc_kernel(batch, maxlen, token_table.shape[0])
    out_t = k(idx3d, token_table.T, pos_table.T)
    return out_t.transpose(0, 2, 1)

# --- scband reference (transcript-rebuilt; emitter-appended) ---
"""Pipeline reference for scband-token-and-position-embedding-7215545057422 (READ-ONLY COPY).

The authoritative reference and input builder live on the scoring server;
editing this copy changes nothing except your own understanding.
"""

import jax, jax.numpy as jnp
import numpy as np

MAXLEN = 2048
VOCAB_SIZE = 1000000
EMBED_DIM = 64
BATCH = 4


def setup_inputs(seed: int = 0) -> dict:
    key = jax.random.key(seed)
    k_inp, k_tok, k_pos = jax.random.split(key, 3)
    inputs = jax.random.randint(k_inp, (BATCH, MAXLEN), 0, VOCAB_SIZE, dtype=jnp.int64 if jax.config.jax_enable_x64 else jnp.int32)
    token_table = jax.random.normal(k_tok, (VOCAB_SIZE, EMBED_DIM), dtype=jnp.float32) * 0.02
    pos_table = jax.random.normal(k_pos, (MAXLEN, EMBED_DIM), dtype=jnp.float32) * 0.02
    return {"inputs": inputs, "token_table": token_table, "pos_table": pos_table}


def reference(inputs, token_table, pos_table):
    # maxlen = tf.shape(inputs)[-1]
    maxlen = inputs.shape[-1]
    # positions = tf.range(0, maxlen)
    positions = jnp.arange(0, maxlen)
    # pos_emb lookup: positions -> [maxlen, embed_dim]
    pos = jnp.take(pos_table, positions, axis=0)
    # token_emb lookup: inputs -> [batch, maxlen, embed_dim]
    x = jnp.take(token_table, inputs, axis=0)
    # broadcast add of position embeddings
    return x + pos

if __name__ == "__main__":
    import jax
    _d = setup_inputs()
    print(jax.jit(kernel)(*tuple(_d.values())))

</pallas_src>

<mosaic_0001>
#map = affine_map<(d0, d1) -> (0, 0, 0)>
#map1 = affine_map<(d0, d1) -> (0, 0)>
module attributes {stable_mosaic.version = 14 : i64} {
  func.func @k(%arg0: i32, %arg1: i32, %arg2: memref<32x1x256xi32, #tpu.memory_space<hbm>>, %arg3: memref<64x1000000xf32, #tpu.memory_space<hbm>>, %arg4: memref<64x2048xf32, #tpu.memory_space<hbm>>, %arg5: memref<4x64x2048xf32, #tpu.memory_space<hbm>>, %arg6: memref<1x272xi32, #tpu.memory_space<vmem>>, %arg7: memref<64x256xf32, #tpu.memory_space<vmem>>, %arg8: memref<8x64x128xf32, #tpu.memory_space<vmem>>, %arg9: memref<!tpu.dma_semaphore, #tpu.memory_space<semaphore_mem>>, %arg10: memref<!tpu.dma_semaphore, #tpu.memory_space<semaphore_mem>>, %arg11: memref<!tpu.dma_semaphore, #tpu.memory_space<semaphore_mem>>, %arg12: memref<!tpu.dma_semaphore, #tpu.memory_space<semaphore_mem>>, %arg13: memref<!tpu.dma_semaphore, #tpu.memory_space<semaphore_mem>>, %arg14: memref<!tpu.dma_semaphore, #tpu.memory_space<semaphore_mem>>, %arg15: memref<!tpu.dma_semaphore, #tpu.memory_space<semaphore_mem>>, %arg16: memref<!tpu.dma_semaphore, #tpu.memory_space<semaphore_mem>>, %arg17: memref<!tpu.dma_semaphore, #tpu.memory_space<semaphore_mem>>) attributes {dimension_semantics = [#tpu.dimension_semantics<core_parallel>, #tpu.dimension_semantics<subcore_parallel>], iteration_bounds = array<i64: 2, 16>, scalar_prefetch = 0 : i64, scratch_operands = 12 : i64, tpu.core_type = #tpu.core_type<sc_vector_subcore>, window_params = [{transform_indices = #map}, {transform_indices = #map1}, {transform_indices = #map1}, {transform_indices = #map}]} {
    %mul3A = arith.constant 2 : i32
    %mul3A_0 = arith.muli %arg1, %mul3A : i32
    %add3A = arith.addi %mul3A_0, %arg0 : i32
    %jit3A = arith.constant 8 : i32
    %div3A = arith.divsi %add3A, %jit3A : i32
    %sign3A = arith.constant 0 : i32
    %sign3A_1 = arith.cmpi sgt, %add3A, %sign3A : i32
    %sign3A_2 = arith.extui %sign3A_1 : i1 to i32
    %sign3A_3 = arith.constant 0 : i32
    %sign3A_4 = arith.cmpi slt, %add3A, %sign3A_3 : i32
    %sign3A_5 = arith.extui %sign3A_4 : i1 to i32
    %sign3A_6 = arith.subi %sign3A_2, %sign3A_5 : i32
    %sign3A_7 = arith.constant 0 : i32
    %sign3A_8 = arith.cmpi sgt, %jit3A, %sign3A_7 : i32
    %sign3A_9 = arith.extui %sign3A_8 : i1 to i32
    %sign3A_10 = arith.constant 0 : i32
    %sign3A_11 = arith.cmpi slt, %jit3A, %sign3A_10 : i32
    %sign3A_12 = arith.extui %sign3A_11 : i1 to i32
    %sign3A_13 = arith.subi %sign3A_9, %sign3A_12 : i32
    %ne3A = arith.cmpi ne, %sign3A_6, %sign3A_13 : i32
    %rem3A = arith.remsi %add3A, %jit3A : i32
    %ne3A_14 = arith.constant 0 : i32
    %ne3A_15 = arith.cmpi ne, %rem3A, %ne3A_14 : i32
    %and3A = arith.andi %ne3A, %ne3A_15 : i1
    %sub3A = arith.constant 1 : i32
    %sub3A_16 = arith.subi %div3A, %sub3A : i32
    %select_n3A = arith.select %and3A, %sub3A_16, %div3A : i32
    %rem3A_17 = arith.constant 8 : i32
    %rem3A_18 = arith.remsi %add3A, %rem3A_17 : i32
    %mul3A_19 = arith.constant 256 : i32
    %mul3A_20 = arith.muli %rem3A_18, %mul3A_19 : i32
    %multiple_of3A = tpu.assume_multiple %mul3A_20, 256 : i32
    "tpu.region"() ({
      %run_scoped3A = tpu.sem_alloc : memref<!tpu.dma_semaphore, #tpu.memory_space<semaphore_mem>>
      %dma_start3A_362 = arith.constant 0 : i32
      %dma_start3A_363 = arith.constant 0 : i32
      %dma_start3A_364 = tpu.memref_slice %arg6[%dma_start3A_362, %dma_start3A_363] : memref<1x272xi32, #tpu.memory_space<vmem>> -> memref<1x256xi32, #tpu.memory_space<vmem>>
      %dma_start3A_365 = arith.constant 0 : i32
      %dma_start3A_366 = arith.constant 0 : i32
      %dma_start3A_367 = tpu.memref_slice %arg2[%add3A, %dma_start3A_365, %dma_start3A_366] : memref<32x1x256xi32, #tpu.memory_space<hbm>> -> memref<1x1x256xi32, #tpu.memory_space<hbm>>
      %dma_start3A_368 = tpu.memref_squeeze %dma_start3A_367 : memref<1x1x256xi32, #tpu.memory_space<hbm>> -> memref<1x256xi32, #tpu.memory_space<hbm>>
      %dma_start3A_369 = arith.constant 0 : i32
      %dma_start3A_370 = arith.constant 0 : i32
      %dma_start3A_371 = tpu.memref_slice %arg6[%dma_start3A_369, %dma_start3A_370] : memref<1x272xi32, #tpu.memory_space<vmem>> -> memref<1x256xi32, #tpu.memory_space<vmem>>
      %dma_start3A_372 = arith.constant 0 : i32
      %dma_start3A_373 = arith.constant 0 : i32
      %dma_start3A_374 = tpu.memref_slice %arg2[%add3A, %dma_start3A_372, %dma_start3A_373] : memref<32x1x256xi32, #tpu.memory_space<hbm>> -> memref<1x1x256xi32, #tpu.memory_space<hbm>>
      %dma_start3A_375 = tpu.memref_squeeze %dma_start3A_374 : memref<1x1x256xi32, #tpu.memory_space<hbm>> -> memref<1x256xi32, #tpu.memory_space<hbm>>
      tpu.enqueue_dma source(%dma_start3A_375 : memref<1x256xi32, #tpu.memory_space<hbm>>) target(%dma_start3A_371 : memref<1x256xi32, #tpu.memory_space<vmem>>) target_semaphore(%run_scoped3A : memref<!tpu.dma_semaphore, #tpu.memory_space<semaphore_mem>>)
      %dma_wait3A = arith.constant 0 : i32
      %dma_wait3A_376 = arith.constant 0 : i32
      %dma_wait3A_377 = tpu.memref_slice %arg6[%dma_wait3A, %dma_wait3A_376] : memref<1x272xi32, #tpu.memory_space<vmem>> -> memref<1x256xi32, #tpu.memory_space<vmem>>
      %dma_wait3A_378 = arith.constant 0 : i32
      %dma_wait3A_379 = arith.constant 0 : i32
      %dma_wait3A_380 = tpu.memref_slice %arg2[%add3A, %dma_wait3A_378, %dma_wait3A_379] : memref<32x1x256xi32, #tpu.memory_space<hbm>> -> memref<1x1x256xi32, #tpu.memory_space<hbm>>
      %dma_wait3A_381 = tpu.memref_squeeze %dma_wait3A_380 : memref<1x1x256xi32, #tpu.memory_space<hbm>> -> memref<1x256xi32, #tpu.memory_space<hbm>>
      %dma_wait3A_382 = arith.constant 0 : i32
      %dma_wait3A_383 = arith.constant 0 : i32
      %dma_wait3A_384 = tpu.memref_slice %arg6[%dma_wait3A_382, %dma_wait3A_383] : memref<1x272xi32, #tpu.memory_space<vmem>> -> memref<1x256xi32, #tpu.memory_space<vmem>>
      %dma_wait3A_385 = arith.constant 0 : i32
      %dma_wait3A_386 = arith.constant 0 : i32
      %dma_wait3A_387 = tpu.memref_slice %arg2[%add3A, %dma_wait3A_385, %dma_wait3A_386] : memref<32x1x256xi32, #tpu.memory_space<hbm>> -> memref<1x1x256xi32, #tpu.memory_space<hbm>>
      %dma_wait3A_388 = tpu.memref_squeeze %dma_wait3A_387 : memref<1x1x256xi32, #tpu.memory_space<hbm>> -> memref<1x256xi32, #tpu.memory_space<hbm>>
      tpu.wait_dma2 semaphore(%run_scoped3A : memref<!tpu.dma_semaphore, #tpu.memory_space<semaphore_mem>>) src(%dma_wait3A_388 : memref<1x256xi32, #tpu.memory_space<hbm>>) dst(%dma_wait3A_384 : memref<1x256xi32, #tpu.memory_space<vmem>>)
      tpu.yield
    }) : () -> ()
    "tpu.region"() ({
      %run_scoped3A = tpu.sem_alloc : memref<!tpu.dma_semaphore, #tpu.memory_space<semaphore_mem>>
      %dma_start3A_362 = arith.constant 0 : i32
      %dma_start3A_363 = tpu.memref_slice %arg4[%dma_start3A_362, %multiple_of3A] : memref<64x2048xf32, #tpu.memory_space<hbm>> -> memref<64x256xf32, #tpu.memory_space<hbm>>
      %dma_start3A_364 = arith.constant 0 : i32
      %dma_start3A_365 = tpu.memref_slice %arg4[%dma_start3A_364, %multiple_of3A] : memref<64x2048xf32, #tpu.memory_space<hbm>> -> memref<64x256xf32, #tpu.memory_space<hbm>>
      tpu.enqueue_dma source(%dma_start3A_365 : memref<64x256xf32, #tpu.memory_space<hbm>>) target(%arg7 : memref<64x256xf32, #tpu.memory_space<vmem>>) target_semaphore(%run_scoped3A : memref<!tpu.dma_semaphore, #tpu.memory_space<semaphore_mem>>)
      %dma_wait3A = arith.constant 0 : i32
      %dma_wait3A_366 = tpu.memref_slice %arg4[%dma_wait3A, %multiple_of3A] : memref<64x2048xf32, #tpu.memory_space<hbm>> -> memref<64x256xf32, #tpu.memory_space<hbm>>
      %dma_wait3A_367 = arith.constant 0 : i32
      %dma_wait3A_368 = tpu.memref_slice %arg4[%dma_wait3A_367, %multiple_of3A] : memref<64x2048xf32, #tpu.memory_space<hbm>> -> memref<64x256xf32, #tpu.memory_space<hbm>>
      tpu.wait_dma2 semaphore(%run_scoped3A : memref<!tpu.dma_semaphore, #tpu.memory_space<semaphore_mem>>) src(%dma_wait3A_368 : memref<64x256xf32, #tpu.memory_space<hbm>>) dst(%arg7 : memref<64x256xf32, #tpu.memory_space<vmem>>)
      tpu.yield
    }) : () -> ()
    %get3A = arith.constant 0 : i32
    %get3A_21 = arith.index_cast %get3A : i32 to index
    %get3A_22 = arith.constant 0 : index
    %get3A_23 = tpu.vector_load %arg6[%get3A_21, %get3A_22] {strides = array<i32>} : memref<1x272xi32, #tpu.memory_space<vmem>>, vector<16xi32>,
    %slice3A = vector.extract_strided_slice %get3A_23 {offsets = [0], sizes = [1], strides = [1]} : vector<16xi32> to vector<1xi32>
    %squeeze3A = vector.extract %slice3A[0] : i32 from vector<1xi32>
    %jit3A_24 = arith.constant 128 : i32
    %div3A_25 = arith.divsi %squeeze3A, %jit3A_24 : i32
    %sign3A_26 = arith.constant 0 : i32
    %sign3A_27 = arith.cmpi sgt, %squeeze3A, %sign3A_26 : i32
    %sign3A_28 = arith.extui %sign3A_27 : i1 to i32
    %sign3A_29 = arith.constant 0 : i32
    %sign3A_30 = arith.cmpi slt, %squeeze3A, %sign3A_29 : i32
    %sign3A_31 = arith.extui %sign3A_30 : i1 to i32
    %sign3A_32 = arith.subi %sign3A_28, %sign3A_31 : i32
    %sign3A_33 = arith.constant 0 : i32
    %sign3A_34 = arith.cmpi sgt, %jit3A_24, %sign3A_33 : i32
    %sign3A_35 = arith.extui %sign3A_34 : i1 to i32
    %sign3A_36 = arith.constant 0 : i32
    %sign3A_37 = arith.cmpi slt, %jit3A_24, %sign3A_36 : i32
    %sign3A_38 = arith.extui %sign3A_37 : i1 to i32
    %sign3A_39 = arith.subi %sign3A_35, %sign3A_38 : i32
    %ne3A_40 = arith.cmpi ne, %sign3A_32, %sign3A_39 : i32
    %rem3A_41 = arith.remsi %squeeze3A, %jit3A_24 : i32
    %ne3A_42 = arith.constant 0 : i32
    %ne3A_43 = arith.cmpi ne, %rem3A_41, %ne3A_42 : i32
    %and3A_44 = arith.andi %ne3A_40, %ne3A_43 : i1
    %sub3A_45 = arith.constant 1 : i32
    %sub3A_46 = arith.subi %div3A_25, %sub3A_45 : i32
    %select_n3A_47 = arith.select %and3A_44, %sub3A_46, %div3A_25 : i32
    %mul3A_48 = arith.constant 128 : i32
    %mul3A_49 = arith.muli %select_n3A_47, %mul3A_48 : i32
    %multiple_of3A_50 = tpu.assume_multiple %mul3A_49, 128 : i32
    %dma_start3A = arith.constant 0 : i32
    %dma_start3A_51 = arith.constant 0 : i32
    %dma_start3A_52 = arith.constant 0 : i32
    %dma_start3A_53 = tpu.memref_slice %arg8[%dma_start3A, %dma_start3A_51, %dma_start3A_52] : memref<8x64x128xf32, #tpu.memory_space<vmem>> -> memref<1x64x128xf32, #tpu.memory_space<vmem>>
    %dma_start3A_54 = tpu.memref_squeeze %dma_start3A_53 : memref<1x64x128xf32, #tpu.memory_space<vmem>> -> memref<64x128xf32, #tpu.memory_space<vmem>>
    %dma_start3A_55 = arith.constant 0 : i32
    %dma_start3A_56 = tpu.memref_slice %arg3[%dma_start3A_55, %multiple_of3A_50] : memref<64x1000000xf32, #tpu.memory_space<hbm>> -> memref<64x128xf32, #tpu.memory_space<hbm>>
    %dma_start3A_57 = arith.constant 0 : i32
    %dma_start3A_58 = arith.constant 0 : i32
    %dma_start3A_59 = tpu.memref_slice %arg8[%dma_start3A, %dma_start3A_57, %dma_start3A_58] : memref<8x64x128xf32, #tpu.memory_space<vmem>> -> memref<1x64x128xf32, #tpu.memory_space<vmem>>
    %dma_start3A_60 = tpu.memref_squeeze %dma_start3A_59 : memref<1x64x128xf32, #tpu.memory_space<vmem>> -> memref<64x128xf32, #tpu.memory_space<vmem>>
    %dma_start3A_61 = arith.constant 0 : i32
    %dma_start3A_62 = tpu.memref_slice %arg3[%dma_start3A_61, %multiple_of3A_50] : memref<64x1000000xf32, #tpu.memory_space<hbm>> -> memref<64x128xf32, #tpu.memory_space<hbm>>
    tpu.enqueue_dma source(%dma_start3A_62 : memref<64x128xf32, #tpu.memory_space<hbm>>) target(%dma_start3A_60 : memref<64x128xf32, #tpu.memory_space<vmem>>) target_semaphore(%arg10 : memref<!tpu.dma_semaphore, #tpu.memory_space<semaphore_mem>>)
    %slice3A_63 = vector.extract_strided_slice %get3A_23 {offsets = [1], sizes = [1], strides = [1]} : vector<16xi32> to vector<1xi32>
    %squeeze3A_64 = vector.extract %slice3A_63[0] : i32 from vector<1xi32>
    %jit3A_65 = arith.constant 128 : i32
    %div3A_66 = arith.divsi %squeeze3A_64, %jit3A_65 : i32
    %sign3A_67 = arith.constant 0 : i32
    %sign3A_68 = arith.cmpi sgt, %squeeze3A_64, %sign3A_67 : i32
    %sign3A_69 = arith.extui %sign3A_68 : i1 to i32
    %sign3A_70 = arith.constant 0 : i32
    %sign3A_71 = arith.cmpi slt, %squeeze3A_64, %sign3A_70 : i32
    %sign3A_72 = arith.extui %sign3A_71 : i1 to i32
    %sign3A_73 = arith.subi %sign3A_69, %sign3A_72 : i32
    %sign3A_74 = arith.constant 0 : i32
    %sign3A_75 = arith.cmpi sgt, %jit3A_65, %sign3A_74 : i32
    %sign3A_76 = arith.extui %sign3A_75 : i1 to i32
    %sign3A_77 = arith.constant 0 : i32
    %sign3A_78 = arith.cmpi slt, %jit3A_65, %sign3A_77 : i32
    %sign3A_79 = arith.extui %sign3A_78 : i1 to i32
    %sign3A_80 = arith.subi %sign3A_76, %sign3A_79 : i32
    %ne3A_81 = arith.cmpi ne, %sign3A_73, %sign3A_80 : i32
    %rem3A_82 = arith.remsi %squeeze3A_64, %jit3A_65 : i32
    %ne3A_83 = arith.constant 0 : i32
    %ne3A_84 = arith.cmpi ne, %rem3A_82, %ne3A_83 : i32
    %and3A_85 = arith.andi %ne3A_81, %ne3A_84 : i1
    %sub3A_86 = arith.constant 1 : i32
    %sub3A_87 = arith.subi %div3A_66, %sub3A_86 : i32
    %select_n3A_88 = arith.select %and3A_85, %sub3A_87, %div3A_66 : i32
    %mul3A_89 = arith.constant 128 : i32
    %mul3A_90 = arith.muli %select_n3A_88, %mul3A_89 : i32
    %multiple_of3A_91 = tpu.assume_multiple %mul3A_90, 128 : i32
    %dma_start3A_92 = arith.constant 1 : i32
    %dma_start3A_93 = arith.constant 0 : i32
    %dma_start3A_94 = arith.constant 0 : i32
    %dma_start3A_95 = tpu.memref_slice %arg8[%dma_start3A_92, %dma_start3A_93, %dma_start3A_94] : memref<8x64x128xf32, #tpu.memory_space<vmem>> -> memref<1x64x128xf32, #tpu.memory_space<vmem>>
    %dma_start3A_96 = tpu.memref_squeeze %dma_start3A_95 : memref<1x64x128xf32, #tpu.memory_space<vmem>> -> memref<64x128xf32, #tpu.memory_space<vmem>>
    %dma_start3A_97 = arith.constant 0 : i32
    %dma_start3A_98 = tpu.memref_slice %arg3[%dma_start3A_97, %multiple_of3A_91] : memref<64x1000000xf32, #tpu.memory_space<hbm>> -> memref<64x128xf32, #tpu.memory_space<hbm>>
    %dma_start3A_99 = arith.constant 0 : i32
    %dma_start3A_100 = arith.constant 0 : i32
    %dma_start3A_101 = tpu.memref_slice %arg8[%dma_start3A_92, %dma_start3A_99, %dma_start3A_100] : memref<8x64x128xf32, #tpu.memory_space<vmem>> -> memref<1x64x128xf32, #tpu.memory_space<vmem>>
    %dma_start3A_102 = tpu.memref_squeeze %dma_start3A_101 : memref<1x64x128xf32, #tpu.memory_space<vmem>> -> memref<64x128xf32, #tpu.memory_space<vmem>>
    %dma_start3A_103 = arith.constant 0 : i32
    %dma_start3A_104 = tpu.memref_slice %arg3[%dma_start3A_103, %multiple_of3A_91] : memref<64x1000000xf32, #tpu.memory_space<hbm>> -> memref<64x128xf32, #tpu.memory_space<hbm>>
    tpu.enqueue_dma source(%dma_start3A_104 : memref<64x128xf32, #tpu.memory_space<hbm>>) target(%dma_start3A_102 : memref<64x128xf32, #tpu.memory_space<vmem>>) target_semaphore(%arg11 : memref<!tpu.dma_semaphore, #tpu.memory_space<semaphore_mem>>)
    %slice3A_105 = vector.extract_strided_slice %get3A_23 {offsets = [2], sizes = [1], strides = [1]} : vector<16xi32> to vector<1xi32>
    %squeeze3A_106 = vector.extract %slice3A_105[0] : i32 from vector<1xi32>
    %jit3A_107 = arith.constant 128 : i32
    %div3A_108 = arith.divsi %squeeze3A_106, %jit3A_107 : i32
    %sign3A_109 = arith.constant 0 : i32
    %sign3A_110 = arith.cmpi sgt, %squeeze3A_106, %sign3A_109 : i32
    %sign3A_111 = arith.extui %sign3A_110 : i1 to i32
    %sign3A_112 = arith.constant 0 : i32
    %sign3A_113 = arith.cmpi slt, %squeeze3A_106, %sign3A_112 : i32
    %sign3A_114 = arith.extui %sign3A_113 : i1 to i32
    %sign3A_115 = arith.subi %sign3A_111, %sign3A_114 : i32
    %sign3A_116 = arith.constant 0 : i32
    %sign3A_117 = arith.cmpi sgt, %jit3A_107, %sign3A_116 : i32
    %sign3A_118 = arith.extui %sign3A_117 : i1 to i32
    %sign3A_119 = arith.constant 0 : i32
    %sign3A_120 = arith.cmpi slt, %jit3A_107, %sign3A_119 : i32
    %sign3A_121 = arith.extui %sign3A_120 : i1 to i32
    %sign3A_122 = arith.subi %sign3A_118, %sign3A_121 : i32
    %ne3A_123 = arith.cmpi ne, %sign3A_115, %sign3A_122 : i32
    %rem3A_124 = arith.remsi %squeeze3A_106, %jit3A_107 : i32
    %ne3A_125 = arith.constant 0 : i32
    %ne3A_126 = arith.cmpi ne, %rem3A_124, %ne3A_125 : i32
    %and3A_127 = arith.andi %ne3A_123, %ne3A_126 : i1
    %sub3A_128 = arith.constant 1 : i32
    %sub3A_129 = arith.subi %div3A_108, %sub3A_128 : i32
    %select_n3A_130 = arith.select %and3A_127, %sub3A_129, %div3A_108 : i32
    %mul3A_131 = arith.constant 128 : i32
    %mul3A_132 = arith.muli %select_n3A_130, %mul3A_131 : i32
    %multiple_of3A_133 = tpu.assume_multiple %mul3A_132, 128 : i32
    %dma_start3A_134 = arith.constant 2 : i32
    %dma_start3A_135 = arith.constant 0 : i32
    %dma_start3A_136 = arith.constant 0 : i32
    %dma_start3A_137 = tpu.memref_slice %arg8[%dma_start3A_134, %dma_start3A_135, %dma_start3A_136] : memref<8x64x128xf32, #tpu.memory_space<vmem>> -> memref<1x64x128xf32, #tpu.memory_space<vmem>>
    %dma_start3A_138 = tpu.memref_squeeze %dma_start3A_137 : memref<1x64x128xf32, #tpu.memory_space<vmem>> -> memref<64x128xf32, #tpu.memory_space<vmem>>
    %dma_start3A_139 = arith.constant 0 : i32
    %dma_start3A_140 = tpu.memref_slice %arg3[%dma_start3A_139, %multiple_of3A_133] : memref<64x1000000xf32, #tpu.memory_space<hbm>> -> memref<64x128xf32, #tpu.memory_space<hbm>>
    %dma_start3A_141 = arith.constant 0 : i32
    %dma_start3A_142 = arith.constant 0 : i32
    %dma_start3A_143 = tpu.memref_slice %arg8[%dma_start3A_134, %dma_start3A_141, %dma_start3A_142] : memref<8x64x128xf32, #tpu.memory_space<vmem>> -> memref<1x64x128xf32, #tpu.memory_space<vmem>>
    %dma_start3A_144 = tpu.memref_squeeze %dma_start3A_143 : memref<1x64x128xf32, #tpu.memory_space<vmem>> -> memref<64x128xf32, #tpu.memory_space<vmem>>
    %dma_start3A_145 = arith.constant 0 : i32
    %dma_start3A_146 = tpu.memref_slice %arg3[%dma_start3A_145, %multiple_of3A_133] : memref<64x1000000xf32, #tpu.memory_space<hbm>> -> memref<64x128xf32, #tpu.memory_space<hbm>>
    tpu.enqueue_dma source(%dma_start3A_146 : memref<64x128xf32, #tpu.memory_space<hbm>>) target(%dma_start3A_144 : memref<64x128xf32, #tpu.memory_space<vmem>>) target_semaphore(%arg12 : memref<!tpu.dma_semaphore, #tpu.memory_space<semaphore_mem>>)
    %slice3A_147 = vector.extract_strided_slice %get3A_23 {offsets = [3], sizes = [1], strides = [1]} : vector<16xi32> to vector<1xi32>
    %squeeze3A_148 = vector.extract %slice3A_147[0] : i32 from vector<1xi32>
    %jit3A_149 = arith.constant 128 : i32
    %div3A_150 = arith.divsi %squeeze3A_148, %jit3A_149 : i32
    %sign3A_151 = arith.constant 0 : i32
    %sign3A_152 = arith.cmpi sgt, %squeeze3A_148, %sign3A_151 : i32
    %sign3A_153 = arith.extui %sign3A_152 : i1 to i32
    %sign3A_154 = arith.constant 0 : i32
    %sign3A_155 = arith.cmpi slt, %squeeze3A_148, %sign3A_154 : i32
    %sign3A_156 = arith.extui %sign3A_155 : i1 to i32
    %sign3A_157 = arith.subi %sign3A_153, %sign3A_156 : i32
    %sign3A_158 = arith.constant 0 : i32
    %sign3A_159 = arith.cmpi sgt, %jit3A_149, %sign3A_158 : i32
    %sign3A_160 = arith.extui %sign3A_159 : i1 to i32
    %sign3A_161 = arith.constant 0 : i32
    %sign3A_162 = arith.cmpi slt, %jit3A_149, %sign3A_161 : i32
    %sign3A_163 = arith.extui %sign3A_162 : i1 to i32
    %sign3A_164 = arith.subi %sign3A_160, %sign3A_163 : i32
    %ne3A_165 = arith.cmpi ne, %sign3A_157, %sign3A_164 : i32
    %rem3A_166 = arith.remsi %squeeze3A_148, %jit3A_149 : i32
    %ne3A_167 = arith.constant 0 : i32
    %ne3A_168 = arith.cmpi ne, %rem3A_166, %ne3A_167 : i32
    %and3A_169 = arith.andi %ne3A_165, %ne3A_168 : i1
    %sub3A_170 = arith.constant 1 : i32
    %sub3A_171 = arith.subi %div3A_150, %sub3A_170 : i32
    %select_n3A_172 = arith.select %and3A_169, %sub3A_171, %div3A_150 : i32
    %mul3A_173 = arith.constant 128 : i32
    %mul3A_174 = arith.muli %select_n3A_172, %mul3A_173 : i32
    %multiple_of3A_175 = tpu.assume_multiple %mul3A_174, 128 : i32
    %dma_start3A_176 = arith.constant 3 : i32
    %dma_start3A_177 = arith.constant 0 : i32
    %dma_start3A_178 = arith.constant 0 : i32
    %dma_start3A_179 = tpu.memref_slice %arg8[%dma_start3A_176, %dma_start3A_177, %dma_start3A_178] : memref<8x64x128xf32, #tpu.memory_space<vmem>> -> memref<1x64x128xf32, #tpu.memory_space<vmem>>
    %dma_start3A_180 = tpu.memref_squeeze %dma_start3A_179 : memref<1x64x128xf32, #tpu.memory_space<vmem>> -> memref<64x128xf32, #tpu.memory_space<vmem>>
    %dma_start3A_181 = arith.constant 0 : i32
    %dma_start3A_182 = tpu.memref_slice %arg3[%dma_start3A_181, %multiple_of3A_175] : memref<64x1000000xf32, #tpu.memory_space<hbm>> -> memref<64x128xf32, #tpu.memory_space<hbm>>
    %dma_start3A_183 = arith.constant 0 : i32
    %dma_start3A_184 = arith.constant 0 : i32
    %dma_start3A_185 = tpu.memref_slice %arg8[%dma_start3A_176, %dma_start3A_183, %dma_start3A_184] : memref<8x64x128xf32, #tpu.memory_space<vmem>> -> memref<1x64x128xf32, #tpu.memory_space<vmem>>
    %dma_start3A_186 = tpu.memref_squeeze %dma_start3A_185 : memref<1x64x128xf32, #tpu.memory_space<vmem>> -> memref<64x128xf32, #tpu.memory_space<vmem>>
    %dma_start3A_187 = arith.constant 0 : i32
    %dma_start3A_188 = tpu.memref_slice %arg3[%dma_start3A_187, %multiple_of3A_175] : memref<64x1000000xf32, #tpu.memory_space<hbm>> -> memref<64x128xf32, #tpu.memory_space<hbm>>
    tpu.enqueue_dma source(%dma_start3A_188 : memref<64x128xf32, #tpu.memory_space<hbm>>) target(%dma_start3A_186 : memref<64x128xf32, #tpu.memory_space<vmem>>) target_semaphore(%arg13 : memref<!tpu.dma_semaphore, #tpu.memory_space<semaphore_mem>>)
    %slice3A_189 = vector.extract_strided_slice %get3A_23 {offsets = [4], sizes = [1], strides = [1]} : vector<16xi32> to vector<1xi32>
    %squeeze3A_190 = vector.extract %slice3A_189[0] : i32 from vector<1xi32>
    %jit3A_191 = arith.constant 128 : i32
    %div3A_192 = arith.divsi %squeeze3A_190, %jit3A_191 : i32
    %sign3A_193 = arith.constant 0 : i32
    %sign3A_194 = arith.cmpi sgt, %squeeze3A_190, %sign3A_193 : i32
    %sign3A_195 = arith.extui %sign3A_194 : i1 to i32
    %sign3A_196 = arith.constant 0 : i32
    %sign3A_197 = arith.cmpi slt, %squeeze3A_190, %sign3A_196 : i32
    %sign3A_198 = arith.extui %sign3A_197 : i1 to i32
    %sign3A_199 = arith.subi %sign3A_195, %sign3A_198 : i32
    %sign3A_200 = arith.constant 0 : i32
    %sign3A_201 = arith.cmpi sgt, %jit3A_191, %sign3A_200 : i32
    %sign3A_202 = arith.extui %sign3A_201 : i1 to i32
    %sign3A_203 = arith.constant 0 : i32
    %sign3A_204 = arith.cmpi slt, %jit3A_191, %sign3A_203 : i32
    %sign3A_205 = arith.extui %sign3A_204 : i1 to i32
    %sign3A_206 = arith.subi %sign3A_202, %sign3A_205 : i32
    %ne3A_207 = arith.cmpi ne, %sign3A_199, %sign3A_206 : i32
    %rem3A_208 = arith.remsi %squeeze3A_190, %jit3A_191 : i32
    %ne3A_209 = arith.constant 0 : i32
    %ne3A_210 = arith.cmpi ne, %rem3A_208, %ne3A_209 : i32
    %and3A_211 = arith.andi %ne3A_207, %ne3A_210 : i1
    %sub3A_212 = arith.constant 1 : i32
    %sub3A_213 = arith.subi %div3A_192, %sub3A_212 : i32
    %select_n3A_214 = arith.select %and3A_211, %sub3A_213, %div3A_192 : i32
    %mul3A_215 = arith.constant 128 : i32
    %mul3A_216 = arith.muli %select_n3A_214, %mul3A_215 : i32
    %multiple_of3A_217 = tpu.assume_multiple %mul3A_216, 128 : i32
    %dma_start3A_218 = arith.constant 4 : i32
    %dma_start3A_219 = arith.constant 0 : i32
    %dma_start3A_220 = arith.constant 0 : i32
    %dma_start3A_221 = tpu.memref_slice %arg8[%dma_start3A_218, %dma_start3A_219, %dma_start3A_220] : memref<8x64x128xf32, #tpu.memory_space<vmem>> -> memref<1x64x128xf32, #tpu.memory_space<vmem>>
    %dma_start3A_222 = tpu.memref_squeeze %dma_start3A_221 : memref<1x64x128xf32, #tpu.memory_space<vmem>> -> memref<64x128xf32, #tpu.memory_space<vmem>>
    %dma_start3A_223 = arith.constant 0 : i32
    %dma_start3A_224 = tpu.memref_slice %arg3[%dma_start3A_223, %multiple_of3A_217] : memref<64x1000000xf32, #tpu.memory_space<hbm>> -> memref<64x128xf32, #tpu.memory_space<hbm>>
    %dma_start3A_225 = arith.constant 0 : i32
    %dma_start3A_226 = arith.constant 0 : i32
    %dma_start3A_227 = tpu.memref_slice %arg8[%dma_start3A_218, %dma_start3A_225, %dma_start3A_226] : memref<8x64x128xf32, #tpu.memory_space<vmem>> -> memref<1x64x128xf32, #tpu.memory_space<vmem>>
    %dma_start3A_228 = tpu.memref_squeeze %dma_start3A_227 : memref<1x64x128xf32, #tpu.memory_space<vmem>> -> memref<64x128xf32, #tpu.memory_space<vmem>>
    %dma_start3A_229 = arith.constant 0 : i32
    %dma_start3A_230 = tpu.memref_slice %arg3[%dma_start3A_229, %multiple_of3A_217] : memref<64x1000000xf32, #tpu.memory_space<hbm>> -> memref<64x128xf32, #tpu.memory_space<hbm>>
    tpu.enqueue_dma source(%dma_start3A_230 : memref<64x128xf32, #tpu.memory_space<hbm>>) target(%dma_start3A_228 : memref<64x128xf32, #tpu.memory_space<vmem>>) target_semaphore(%arg14 : memref<!tpu.dma_semaphore, #tpu.memory_space<semaphore_mem>>)
    %slice3A_231 = vector.extract_strided_slice %get3A_23 {offsets = [5], sizes = [1], strides = [1]} : vector<16xi32> to vector<1xi32>
    %squeeze3A_232 = vector.extract %slice3A_231[0] : i32 from vector<1xi32>
    %jit3A_233 = arith.constant 128 : i32
    %div3A_234 = arith.divsi %squeeze3A_232, %jit3A_233 : i32
    %sign3A_235 = arith.constant 0 : i32
    %sign3A_236 = arith.cmpi sgt, %squeeze3A_232, %sign3A_235 : i32
    %sign3A_237 = arith.extui %sign3A_236 : i1 to i32
    %sign3A_238 = arith.constant 0 : i32
    %sign3A_239 = arith.cmpi slt, %squeeze3A_232, %sign3A_238 : i32
    %sign3A_240 = arith.extui %sign3A_239 : i1 to i32
    %sign3A_241 = arith.subi %sign3A_237, %sign3A_240 : i32
    %sign3A_242 = arith.constant 0 : i32
    %sign3A_243 = arith.cmpi sgt, %jit3A_233, %sign3A_242 : i32
    %sign3A_244 = arith.extui %sign3A_243 : i1 to i32
    %sign3A_245 = arith.constant 0 : i32
    %sign3A_246 = arith.cmpi slt, %jit3A_233, %sign3A_245 : i32
    %sign3A_247 = arith.extui %sign3A_246 : i1 to i32
    %sign3A_248 = arith.subi %sign3A_244, %sign3A_247 : i32
    %ne3A_249 = arith.cmpi ne, %sign3A_241, %sign3A_248 : i32
    %rem3A_250 = arith.remsi %squeeze3A_232, %jit3A_233 : i32
    %ne3A_251 = arith.constant 0 : i32
    %ne3A_252 = arith.cmpi ne, %rem3A_250, %ne3A_251 : i32
    %and3A_253 = arith.andi %ne3A_249, %ne3A_252 : i1
    %sub3A_254 = arith.constant 1 : i32
    %sub3A_255 = arith.subi %div3A_234, %sub3A_254 : i32
    %select_n3A_256 = arith.select %and3A_253, %sub3A_255, %div3A_234 : i32
    %mul3A_257 = arith.constant 128 : i32
    %mul3A_258 = arith.muli %select_n3A_256, %mul3A_257 : i32
    %multiple_of3A_259 = tpu.assume_multiple %mul3A_258, 128 : i32
    %dma_start3A_260 = arith.constant 5 : i32
    %dma_start3A_261 = arith.constant 0 : i32
    %dma_start3A_262 = arith.constant 0 : i32
    %dma_start3A_263 = tpu.memref_slice %arg8[%dma_start3A_260, %dma_start3A_261, %dma_start3A_262] : memref<8x64x128xf32, #tpu.memory_space<vmem>> -> memref<1x64x128xf32, #tpu.memory_space<vmem>>
    %dma_start3A_264 = tpu.memref_squeeze %dma_start3A_263 : memref<1x64x128xf32, #tpu.memory_space<vmem>> -> memref<64x128xf32, #tpu.memory_space<vmem>>
    %dma_start3A_265 = arith.constant 0 : i32
    %dma_start3A_266 = tpu.memref_slice %arg3[%dma_start3A_265, %multiple_of3A_259] : memref<64x1000000xf32, #tpu.memory_space<hbm>> -> memref<64x128xf32, #tpu.memory_space<hbm>>
    %dma_start3A_267 = arith.constant 0 : i32
    %dma_start3A_268 = arith.constant 0 : i32
    %dma_start3A_269 = tpu.memref_slice %arg8[%dma_start3A_260, %dma_start3A_267, %dma_start3A_268] : memref<8x64x128xf32, #tpu.memory_space<vmem>> -> memref<1x64x128xf32, #tpu.memory_space<vmem>>
    %dma_start3A_270 = tpu.memref_squeeze %dma_start3A_269 : memref<1x64x128xf32, #tpu.memory_space<vmem>> -> memref<64x128xf32, #tpu.memory_space<vmem>>
    %dma_start3A_271 = arith.constant 0 : i32
    %dma_start3A_272 = tpu.memref_slice %arg3[%dma_start3A_271, %multiple_of3A_259] : memref<64x1000000xf32, #tpu.memory_space<hbm>> -> memref<64x128xf32, #tpu.memory_space<hbm>>
    tpu.enqueue_dma source(%dma_start3A_272 : memref<64x128xf32, #tpu.memory_space<hbm>>) target(%dma_start3A_270 : memref<64x128xf32, #tpu.memory_space<vmem>>) target_semaphore(%arg15 : memref<!tpu.dma_semaphore, #tpu.memory_space<semaphore_mem>>)
    %slice3A_273 = vector.extract_strided_slice %get3A_23 {offsets = [6], sizes = [1], strides = [1]} : vector<16xi32> to vector<1xi32>
    %squeeze3A_274 = vector.extract %slice3A_273[0] : i32 from vector<1xi32>
    %jit3A_275 = arith.constant 128 : i32
    %div3A_276 = arith.divsi %squeeze3A_274, %jit3A_275 : i32
    %sign3A_277 = arith.constant 0 : i32
    %sign3A_278 = arith.cmpi sgt, %squeeze3A_274, %sign3A_277 : i32
    %sign3A_279 = arith.extui %sign3A_278 : i1 to i32
    %sign3A_280 = arith.constant 0 : i32
    %sign3A_281 = arith.cmpi slt, %squeeze3A_274, %sign3A_280 : i32
    %sign3A_282 = arith.extui %sign3A_281 : i1 to i32
    %sign3A_283 = arith.subi %sign3A_279, %sign3A_282 : i32
    %sign3A_284 = arith.constant 0 : i32
    %sign3A_285 = arith.cmpi sgt, %jit3A_275, %sign3A_284 : i32
    %sign3A_286 = arith.extui %sign3A_285 : i1 to i32
    %sign3A_287 = arith.constant 0 : i32
    %sign3A_288 = arith.cmpi slt, %jit3A_275, %sign3A_287 : i32
    %sign3A_289 = arith.extui %sign3A_288 : i1 to i32
    %sign3A_290 = arith.subi %sign3A_286, %sign3A_289 : i32
    %ne3A_291 = arith.cmpi ne, %sign3A_283, %sign3A_290 : i32
    %rem3A_292 = arith.remsi %squeeze3A_274, %jit3A_275 : i32
    %ne3A_293 = arith.constant 0 : i32
    %ne3A_294 = arith.cmpi ne, %rem3A_292, %ne3A_293 : i32
    %and3A_295 = arith.andi %ne3A_291, %ne3A_294 : i1
    %sub3A_296 = arith.constant 1 : i32
    %sub3A_297 = arith.subi %div3A_276, %sub3A_296 : i32
    %select_n3A_298 = arith.select %and3A_295, %sub3A_297, %div3A_276 : i32
    %mul3A_299 = arith.constant 128 : i32
    %mul3A_300 = arith.muli %select_n3A_298, %mul3A_299 : i32
    %multiple_of3A_301 = tpu.assume_multiple %mul3A_300, 128 : i32
    %dma_start3A_302 = arith.constant 6 : i32
    %dma_start3A_303 = arith.constant 0 : i32
    %dma_start3A_304 = arith.constant 0 : i32
    %dma_start3A_305 = tpu.memref_slice %arg8[%dma_start3A_302, %dma_start3A_303, %dma_start3A_304] : memref<8x64x128xf32, #tpu.memory_space<vmem>> -> memref<1x64x128xf32, #tpu.memory_space<vmem>>
    %dma_start3A_306 = tpu.memref_squeeze %dma_start3A_305 : memref<1x64x128xf32, #tpu.memory_space<vmem>> -> memref<64x128xf32, #tpu.memory_space<vmem>>
    %dma_start3A_307 = arith.constant 0 : i32
    %dma_start3A_308 = tpu.memref_slice %arg3[%dma_start3A_307, %multiple_of3A_301] : memref<64x1000000xf32, #tpu.memory_space<hbm>> -> memref<64x128xf32, #tpu.memory_space<hbm>>
    %dma_start3A_309 = arith.constant 0 : i32
    %dma_start3A_310 = arith.constant 0 : i32
    %dma_start3A_311 = tpu.memref_slice %arg8[%dma_start3A_302, %dma_start3A_309, %dma_start3A_310] : memref<8x64x128xf32, #tpu.memory_space<vmem>> -> memref<1x64x128xf32, #tpu.memory_space<vmem>>
    %dma_start3A_312 = tpu.memref_squeeze %dma_start3A_311 : memref<1x64x128xf32, #tpu.memory_space<vmem>> -> memref<64x128xf32, #tpu.memory_space<vmem>>
    %dma_start3A_313 = arith.constant 0 : i32
    %dma_start3A_314 = tpu.memref_slice %arg3[%dma_start3A_313, %multiple_of3A_301] : memref<64x1000000xf32, #tpu.memory_space<hbm>> -> memref<64x128xf32, #tpu.memory_space<hbm>>
    tpu.enqueue_dma source(%dma_start3A_314 : memref<64x128xf32, #tpu.memory_space<hbm>>) target(%dma_start3A_312 : memref<64x128xf32, #tpu.memory_space<vmem>>) target_semaphore(%arg16 : memref<!tpu.dma_semaphore, #tpu.memory_space<semaphore_mem>>)
    %slice3A_315 = vector.extract_strided_slice %get3A_23 {offsets = [7], sizes = [1], strides = [1]} : vector<16xi32> to vector<1xi32>
    %squeeze3A_316 = vector.extract %slice3A_315[0] : i32 from vector<1xi32>
    %jit3A_317 = arith.constant 128 : i32
    %div3A_318 = arith.divsi %squeeze3A_316, %jit3A_317 : i32
    %sign3A_319 = arith.constant 0 : i32
    %sign3A_320 = arith.cmpi sgt, %squeeze3A_316, %sign3A_319 : i32
    %sign3A_321 = arith.extui %sign3A_320 : i1 to i32
    %sign3A_322 = arith.constant 0 : i32
    %sign3A_323 = arith.cmpi slt, %squeeze3A_316, %sign3A_322 : i32
    %sign3A_324 = arith.extui %sign3A_323 : i1 to i32
    %sign3A_325 = arith.subi %sign3A_321, %sign3A_324 : i32
    %sign3A_326 = arith.constant 0 : i32
    %sign3A_327 = arith.cmpi sgt, %jit3A_317, %sign3A_326 : i32
    %sign3A_328 = arith.extui %sign3A_327 : i1 to i32
    %sign3A_329 = arith.constant 0 : i32
    %sign3A_330 = arith.cmpi slt, %jit3A_317, %sign3A_329 : i32
    %sign3A_331 = arith.extui %sign3A_330 : i1 to i32
    %sign3A_332 = arith.subi %sign3A_328, %sign3A_331 : i32
    %ne3A_333 = arith.cmpi ne, %sign3A_325, %sign3A_332 : i32
    %rem3A_334 = arith.remsi %squeeze3A_316, %jit3A_317 : i32
    %ne3A_335 = arith.constant 0 : i32
    %ne3A_336 = arith.cmpi ne, %rem3A_334, %ne3A_335 : i32
    %and3A_337 = arith.andi %ne3A_333, %ne3A_336 : i1
    %sub3A_338 = arith.constant 1 : i32
    %sub3A_339 = arith.subi %div3A_318, %sub3A_338 : i32
    %select_n3A_340 = arith.select %and3A_337, %sub3A_339, %div3A_318 : i32
    %mul3A_341 = arith.constant 128 : i32
    %mul3A_342 = arith.muli %select_n3A_340, %mul3A_341 : i32
    %multiple_of3A_343 = tpu.assume_multiple %mul3A_342, 128 : i32
    %dma_start3A_344 = arith.constant 7 : i32
    %dma_start3A_345 = arith.constant 0 : i32
    %dma_start3A_346 = arith.constant 0 : i32
    %dma_start3A_347 = tpu.memref_slice %arg8[%dma_start3A_344, %dma_start3A_345, %dma_start3A_346] : memref<8x64x128xf32, #tpu.memory_space<vmem>> -> memref<1x64x128xf32, #tpu.memory_space<vmem>>
    %dma_start3A_348 = tpu.memref_squeeze %dma_start3A_347 : memref<1x64x128xf32, #tpu.memory_space<vmem>> -> memref<64x128xf32, #tpu.memory_space<vmem>>
    %dma_start3A_349 = arith.constant 0 : i32
    %dma_start3A_350 = tpu.memref_slice %arg3[%dma_start3A_349, %multiple_of3A_343] : memref<64x1000000xf32, #tpu.memory_space<hbm>> -> memref<64x128xf32, #tpu.memory_space<hbm>>
    %dma_start3A_351 = arith.constant 0 : i32
    %dma_start3A_352 = arith.constant 0 : i32
    %dma_start3A_353 = tpu.memref_slice %arg8[%dma_start3A_344, %dma_start3A_351, %dma_start3A_352] : memref<8x64x128xf32, #tpu.memory_space<vmem>> -> memref<1x64x128xf32, #tpu.memory_space<vmem>>
    %dma_start3A_354 = tpu.memref_squeeze %dma_start3A_353 : memref<1x64x128xf32, #tpu.memory_space<vmem>> -> memref<64x128xf32, #tpu.memory_space<vmem>>
    %dma_start3A_355 = arith.constant 0 : i32
    %dma_start3A_356 = tpu.memref_slice %arg3[%dma_start3A_355, %multiple_of3A_343] : memref<64x1000000xf32, #tpu.memory_space<hbm>> -> memref<64x128xf32, #tpu.memory_space<hbm>>
    tpu.enqueue_dma source(%dma_start3A_356 : memref<64x128xf32, #tpu.memory_space<hbm>>) target(%dma_start3A_354 : memref<64x128xf32, #tpu.memory_space<vmem>>) target_semaphore(%arg17 : memref<!tpu.dma_semaphore, #tpu.memory_space<semaphore_mem>>)
    %scan3A = arith.constant 0 : i32
    %scan3A_357 = arith.constant 0 : i32
    %scan3A_358 = arith.constant 16 : i32
    %scan3A_359 = arith.addi %scan3A_357, %scan3A_358 : i32
    %scan3A_360 = arith.constant 1 : i32
    scf.for %scan3A_362 = %scan3A_357 to %scan3A_359 step %scan3A_360  : i32 {
      %mul3A_363 = arith.constant 16 : i32
      %mul3A_364 = arith.muli %scan3A_362, %mul3A_363 : i32
      %get3A_365 = arith.constant 0 : i32
      %get3A_366 = arith.index_cast %get3A_365 : i32 to index
      %get3A_367 = arith.index_cast %mul3A_364 : i32 to index
      %get3A_368 = tpu.vector_load %arg6[%get3A_366, %get3A_367] {strides = array<i32>} : memref<1x272xi32, #tpu.memory_space<vmem>>, vector<16xi32>,
      %add3A_369 = arith.constant 16 : i32
      %add3A_370 = arith.addi %mul3A_364, %add3A_369 : i32
      %get3A_371 = arith.constant 0 : i32
      %get3A_372 = arith.index_cast %get3A_371 : i32 to index
      %get3A_373 = arith.index_cast %add3A_370 : i32 to index
      %get3A_374 = tpu.vector_load %arg6[%get3A_372, %get3A_373] {strides = array<i32>} : memref<1x272xi32, #tpu.memory_space<vmem>>, vector<16xi32>,
      %slice3A_375 = vector.extract_strided_slice %get3A_368 {offsets = [0], sizes = [1], strides = [1]} : vector<16xi32> to vector<1xi32>
      %squeeze3A_376 = vector.extract %slice3A_375[0] : i32 from vector<1xi32>
      %add3A_377 = arith.constant 0 : i32
      %add3A_378 = arith.addi %mul3A_364, %add3A_377 : i32
      %rem3A_379 = arith.constant 128 : i32
      %rem3A_380 = arith.remsi %squeeze3A_376, %rem3A_379 : i32
      %broadcast_in_dim3A = vector.broadcast %rem3A_380 : i32 to vector<16xi32>
      %broadcast_in_dim3A_381 = vector.broadcast %add3A_378 : i32 to vector<16xi32>
      %dma_wait3A = arith.constant 0 : i32
      %dma_wait3A_382 = arith.constant 0 : i32
      %dma_wait3A_383 = arith.constant 0 : i32
      %dma_wait3A_384 = tpu.memref_slice %arg8[%dma_wait3A, %dma_wait3A_382, %dma_wait3A_383] : memref<8x64x128xf32, #tpu.memory_space<vmem>> -> memref<1x64x128xf32, #tpu.memory_space<vmem>>
      %dma_wait3A_385 = tpu.memref_squeeze %dma_wait3A_384 : memref<1x64x128xf32, #tpu.memory_space<vmem>> -> memref<64x128xf32, #tpu.memory_space<vmem>>
      %dma_wait3A_386 = arith.constant 0 : i32
      %dma_wait3A_387 = arith.constant 0 : i32
      %dma_wait3A_388 = tpu.memref_slice %arg3[%dma_wait3A_386, %dma_wait3A_387] : memref<64x1000000xf32, #tpu.memory_space<hbm>> -> memref<64x128xf32, #tpu.memory_space<hbm>>
      %dma_wait3A_389 = arith.constant 0 : i32
      %dma_wait3A_390 = arith.constant 0 : i32
      %dma_wait3A_391 = tpu.memref_slice %arg8[%dma_wait3A, %dma_wait3A_389, %dma_wait3A_390] : memref<8x64x128xf32, #tpu.memory_space<vmem>> -> memref<1x64x128xf32, #tpu.memory_space<vmem>>
      %dma_wait3A_392 = tpu.memref_squeeze %dma_wait3A_391 : memref<1x64x128xf32, #tpu.memory_space<vmem>> -> memref<64x128xf32, #tpu.memory_space<vmem>>
      %dma_wait3A_393 = arith.constant 0 : i32
      %dma_wait3A_394 = arith.constant 0 : i32
      %dma_wait3A_395 = tpu.memref_slice %arg3[%dma_wait3A_393, %dma_wait3A_394] : memref<64x1000000xf32, #tpu.memory_space<hbm>> -> memref<64x128xf32, #tpu.memory_space<hbm>>
      tpu.wait_dma2 semaphore(%arg10 : memref<!tpu.dma_semaphore, #tpu.memory_space<semaphore_mem>>) src(%dma_wait3A_395 : memref<64x128xf32, #tpu.memory_space<hbm>>) dst(%dma_wait3A_392 : memref<64x128xf32, #tpu.memory_space<vmem>>)
      %iota3A = tpu.iota {dimensions = array<i32: 0>} : vector<16xi32>
      %add3A_396 = arith.constant 0 : i32
      %add3A_397 = vector.broadcast %add3A_396 : i32 to vector<16xi32>
      %add3A_398 = arith.addi %iota3A, %add3A_397 : vector<16xi32>
      %gather3A = arith.constant 0 : i32
      %gather3A_399 = arith.constant 0 : i32
      %gather3A_400 = arith.constant 0 : i32
      %gather3A_401 = tpu.memref_slice %arg8[%gather3A, %gather3A_399, %gather3A_400] : memref<8x64x128xf32, #tpu.memory_space<vmem>> -> memref<1x64x128xf32, #tpu.memory_space<vmem>>
      %gather3A_402 = tpu.memref_squeeze %gather3A_401 : memref<1x64x128xf32, #tpu.memory_space<vmem>> -> memref<64x128xf32, #tpu.memory_space<vmem>>
      %gather3A_403 = tpu.vector_load_idx %gather3A_402[%add3A_398, %broadcast_in_dim3A] : memref<64x128xf32, #tpu.memory_space<vmem>>[vector<16xi32>, vector<16xi32>], vector<16xf32>,
      tpu.vector_store_idx %arg7[%add3A_398, %broadcast_in_dim3A_381], %gather3A_403 {add = true} : memref<64x256xf32, #tpu.memory_space<vmem>>[vector<16xi32>, vector<16xi32>], vector<16xf32>,
      %iota3A_404 = tpu.iota {dimensions = array<i32: 0>} : vector<16xi32>
      %add3A_405 = arith.constant 16 : i32
      %add3A_406 = vector.broadcast %add3A_405 : i32 to vector<16xi32>
      %add3A_407 = arith.addi %iota3A_404, %add3A_406 : vector<16xi32>
      %gather3A_408 = arith.constant 0 : i32
      %gather3A_409 = arith.constant 0 : i32
      %gather3A_410 = arith.constant 0 : i32
      %gather3A_411 = tpu.memref_slice %arg8[%gather3A_408, %gather3A_409, %gather3A_410] : memref<8x64x128xf32, #tpu.memory_space<vmem>> -> memref<1x64x128xf32, #tpu.memory_space<vmem>>
      %gather3A_412 = tpu.memref_squeeze %gather3A_411 : memref<1x64x128xf32, #tpu.memory_space<vmem>> -> memref<64x128xf32, #tpu.memory_space<vmem>>
      %gather3A_413 = tpu.vector_load_idx %gather3A_412[%add3A_407, %broadcast_in_dim3A] : memref<64x128xf32, #tpu.memory_space<vmem>>[vector<16xi32>, vector<16xi32>], vector<16xf32>,
      tpu.vector_store_idx %arg7[%add3A_407, %broadcast_in_dim3A_381], %gather3A_413 {add = true} : memref<64x256xf32, #tpu.memory_space<vmem>>[vector<16xi32>, vector<16xi32>], vector<16xf32>,
      %iota3A_414 = tpu.iota {dimensions = array<i32: 0>} : vector<16xi32>
      %add3A_415 = arith.constant 32 : i32
      %add3A_416 = vector.broadcast %add3A_415 : i32 to vector<16xi32>
      %add3A_417 = arith.addi %iota3A_414, %add3A_416 : vector<16xi32>
      %gather3A_418 = arith.constant 0 : i32
      %gather3A_419 = arith.constant 0 : i32
      %gather3A_420 = arith.constant 0 : i32
      %gather3A_421 = tpu.memref_slice %arg8[%gather3A_418, %gather3A_419, %gather3A_420] : memref<8x64x128xf32, #tpu.memory_space<vmem>> -> memref<1x64x128xf32, #tpu.memory_space<vmem>>
      %gather3A_422 = tpu.memref_squeeze %gather3A_421 : memref<1x64x128xf32, #tpu.memory_space<vmem>> -> memref<64x128xf32, #tpu.memory_space<vmem>>
      %gather3A_423 = tpu.vector_load_idx %gather3A_422[%add3A_417, %broadcast_in_dim3A] : memref<64x128xf32, #tpu.memory_space<vmem>>[vector<16xi32>, vector<16xi32>], vector<16xf32>,
      tpu.vector_store_idx %arg7[%add3A_417, %broadcast_in_dim3A_381], %gather3A_423 {add = true} : memref<64x256xf32, #tpu.memory_space<vmem>>[vector<16xi32>, vector<16xi32>], vector<16xf32>,
      %iota3A_424 = tpu.iota {dimensions = array<i32: 0>} : vector<16xi32>
      %add3A_425 = arith.constant 48 : i32
      %add3A_426 = vector.broadcast %add3A_425 : i32 to vector<16xi32>
      %add3A_427 = arith.addi %iota3A_424, %add3A_426 : vector<16xi32>
      %gather3A_428 = arith.constant 0 : i32
      %gather3A_429 = arith.constant 0 : i32
      %gather3A_430 = arith.constant 0 : i32
      %gather3A_431 = tpu.memref_slice %arg8[%gather3A_428, %gather3A_429, %gather3A_430] : memref<8x64x128xf32, #tpu.memory_space<vmem>> -> memref<1x64x128xf32, #tpu.memory_space<vmem>>
      %gather3A_432 = tpu.memref_squeeze %gather3A_431 : memref<1x64x128xf32, #tpu.memory_space<vmem>> -> memref<64x128xf32, #tpu.memory_space<vmem>>
      %gather3A_433 = tpu.vector_load_idx %gather3A_432[%add3A_427, %broadcast_in_dim3A] : memref<64x128xf32, #tpu.memory_space<vmem>>[vector<16xi32>, vector<16xi32>], vector<16xf32>,
      tpu.vector_store_idx %arg7[%add3A_427, %broadcast_in_dim3A_381], %gather3A_433 {add = true} : memref<64x256xf32, #tpu.memory_space<vmem>>[vector<16xi32>, vector<16xi32>], vector<16xf32>,
      %slice3A_434 = vector.extract_strided_slice %get3A_368 {offsets = [8], sizes = [1], strides = [1]} : vector<16xi32> to vector<1xi32>
      %squeeze3A_435 = vector.extract %slice3A_434[0] : i32 from vector<1xi32>
      %jit3A_436 = arith.constant 128 : i32
      %div3A_437 = arith.divsi %squeeze3A_435, %jit3A_436 : i32
      %sign3A_438 = arith.constant 0 : i32
      %sign3A_439 = arith.cmpi sgt, %squeeze3A_435, %sign3A_438 : i32
      %sign3A_440 = arith.extui %sign3A_439 : i1 to i32
      %sign3A_441 = arith.constant 0 : i32
      %sign3A_442 = arith.cmpi slt, %squeeze3A_435, %sign3A_441 : i32
      %sign3A_443 = arith.extui %sign3A_442 : i1 to i32
      %sign3A_444 = arith.subi %sign3A_440, %sign3A_443 : i32
      %sign3A_445 = arith.constant 0 : i32
      %sign3A_446 = arith.cmpi sgt, %jit3A_436, %sign3A_445 : i32
      %sign3A_447 = arith.extui %sign3A_446 : i1 to i32
      %sign3A_448 = arith.constant 0 : i32
      %sign3A_449 = arith.cmpi slt, %jit3A_436, %sign3A_448 : i32
      %sign3A_450 = arith.extui %sign3A_449 : i1 to i32
      %sign3A_451 = arith.subi %sign3A_447, %sign3A_450 : i32
      %ne3A_452 = arith.cmpi ne, %sign3A_444, %sign3A_451 : i32
      %rem3A_453 = arith.remsi %squeeze3A_435, %jit3A_436 : i32
      %ne3A_454 = arith.constant 0 : i32
      %ne3A_455 = arith.cmpi ne, %rem3A_453, %ne3A_454 : i32
      %and3A_456 = arith.andi %ne3A_452, %ne3A_455 : i1
      %sub3A_457 = arith.constant 1 : i32
      %sub3A_458 = arith.subi %div3A_437, %sub3A_457 : i32
      %select_n3A_459 = arith.select %and3A_456, %sub3A_458, %div3A_437 : i32
      %mul3A_460 = arith.constant 128 : i32
      %mul3A_461 = arith.muli %select_n3A_459, %mul3A_460 : i32
      %multiple_of3A_462 = tpu.assume_multiple %mul3A_461, 128 : i32
      %dma_start3A_463 = arith.constant 0 : i32
      %dma_start3A_464 = arith.constant 0 : i32
      %dma_start3A_465 = arith.constant 0 : i32
      %dma_start3A_466 = tpu.memref_slice %arg8[%dma_start3A_463, %dma_start3A_464, %dma_start3A_465] : memref<8x64x128xf32, #tpu.memory_space<vmem>> -> memref<1x64x128xf32, #tpu.memory_space<vmem>>
      %dma_start3A_467 = tpu.memref_squeeze %dma_start3A_466 : memref<1x64x128xf32, #tpu.memory_space<vmem>> -> memref<64x128xf32, #tpu.memory_space<vmem>>
      %dma_start3A_468 = arith.constant 0 : i32
      %dma_start3A_469 = tpu.memref_slice %arg3[%dma_start3A_468, %multiple_of3A_462] : memref<64x1000000xf32, #tpu.memory_space<hbm>> -> memref<64x128xf32, #tpu.memory_space<hbm>>
      %dma_start3A_470 = arith.constant 0 : i32
      %dma_start3A_471 = arith.constant 0 : i32
      %dma_start3A_472 = tpu.memref_slice %arg8[%dma_start3A_463, %dma_start3A_470, %dma_start3A_471] : memref<8x64x128xf32, #tpu.memory_space<vmem>> -> memref<1x64x128xf32, #tpu.memory_space<vmem>>
      %dma_start3A_473 = tpu.memref_squeeze %dma_start3A_472 : memref<1x64x128xf32, #tpu.memory_space<vmem>> -> memref<64x128xf32, #tpu.memory_space<vmem>>
      %dma_start3A_474 = arith.constant 0 : i32
      %dma_start3A_475 = tpu.memref_slice %arg3[%dma_start3A_474, %multiple_of3A_462] : memref<64x1000000xf32, #tpu.memory_space<hbm>> -> memref<64x128xf32, #tpu.memory_space<hbm>>
      tpu.enqueue_dma source(%dma_start3A_475 : memref<64x128xf32, #tpu.memory_space<hbm>>) target(%dma_start3A_473 : memref<64x128xf32, #tpu.memory_space<vmem>>) target_semaphore(%arg10 : memref<!tpu.dma_semaphore, #tpu.memory_space<semaphore_mem>>)
      %slice3A_476 = vector.extract_strided_slice %get3A_368 {offsets = [1], sizes = [1], strides = [1]} : vector<16xi32> to vector<1xi32>
      %squeeze3A_477 = vector.extract %slice3A_476[0] : i32 from vector<1xi32>
      %add3A_478 = arith.constant 1 : i32
      %add3A_479 = arith.addi %mul3A_364, %add3A_478 : i32
      %rem3A_480 = arith.constant 128 : i32
      %rem3A_481 = arith.remsi %squeeze3A_477, %rem3A_480 : i32
      %broadcast_in_dim3A_482 = vector.broadcast %rem3A_481 : i32 to vector<16xi32>
      %broadcast_in_dim3A_483 = vector.broadcast %add3A_479 : i32 to vector<16xi32>
      %dma_wait3A_484 = arith.constant 1 : i32
      %dma_wait3A_485 = arith.constant 0 : i32
      %dma_wait3A_486 = arith.constant 0 : i32
      %dma_wait3A_487 = tpu.memref_slice %arg8[%dma_wait3A_484, %dma_wait3A_485, %dma_wait3A_486] : memref<8x64x128xf32, #tpu.memory_space<vmem>> -> memref<1x64x128xf32, #tpu.memory_space<vmem>>
      %dma_wait3A_488 = tpu.memref_squeeze %dma_wait3A_487 : memref<1x64x128xf32, #tpu.memory_space<vmem>> -> memref<64x128xf32, #tpu.memory_space<vmem>>
      %dma_wait3A_489 = arith.constant 0 : i32
      %dma_wait3A_490 = arith.constant 0 : i32
      %dma_wait3A_491 = tpu.memref_slice %arg3[%dma_wait3A_489, %dma_wait3A_490] : memref<64x1000000xf32, #tpu.memory_space<hbm>> -> memref<64x128xf32, #tpu.memory_space<hbm>>
      %dma_wait3A_492 = arith.constant 0 : i32
      %dma_wait3A_493 = arith.constant 0 : i32
      %dma_wait3A_494 = tpu.memref_slice %arg8[%dma_wait3A_484, %dma_wait3A_492, %dma_wait3A_493] : memref<8x64x128xf32, #tpu.memory_space<vmem>> -> memref<1x64x128xf32, #tpu.memory_space<vmem>>
      %dma_wait3A_495 = tpu.memref_squeeze %dma_wait3A_494 : memref<1x64x128xf32, #tpu.memory_space<vmem>> -> memref<64x128xf32, #tpu.memory_space<vmem>>
      %dma_wait3A_496 = arith.constant 0 : i32
      %dma_wait3A_497 = arith.constant 0 : i32
      %dma_wait3A_498 = tpu.memref_slice %arg3[%dma_wait3A_496, %dma_wait3A_497] : memref<64x1000000xf32, #tpu.memory_space<hbm>> -> memref<64x128xf32, #tpu.memory_space<hbm>>
      tpu.wait_dma2 semaphore(%arg11 : memref<!tpu.dma_semaphore, #tpu.memory_space<semaphore_mem>>) src(%dma_wait3A_498 : memref<64x128xf32, #tpu.memory_space<hbm>>) dst(%dma_wait3A_495 : memref<64x128xf32, #tpu.memory_space<vmem>>)
      %iota3A_499 = tpu.iota {dimensions = array<i32: 0>} : vector<16xi32>
      %add3A_500 = arith.constant 0 : i32
      %add3A_501 = vector.broadcast %add3A_500 : i32 to vector<16xi32>
      %add3A_502 = arith.addi %iota3A_499, %add3A_501 : vector<16xi32>
      %gather3A_503 = arith.constant 1 : i32
      %gather3A_504 = arith.constant 0 : i32
      %gather3A_505 = arith.constant 0 : i32
      %gather3A_506 = tpu.memref_slice %arg8[%gather3A_503, %gather3A_504, %gather3A_505] : memref<8x64x128xf32, #tpu.memory_space<vmem>> -> memref<1x64x128xf32, #tpu.memory_space<vmem>>
      %gather3A_507 = tpu.memref_squeeze %gather3A_506 : memref<1x64x128xf32, #tpu.memory_space<vmem>> -> memref<64x128xf32, #tpu.memory_space<vmem>>
      %gather3A_508 = tpu.vector_load_idx %gather3A_507[%add3A_502, %broadcast_in_dim3A_482] : memref<64x128xf32, #tpu.memory_space<vmem>>[vector<16xi32>, vector<16xi32>], vector<16xf32>,
      tpu.vector_store_idx %arg7[%add3A_502, %broadcast_in_dim3A_483], %gather3A_508 {add = true} : memref<64x256xf32, #tpu.memory_space<vmem>>[vector<16xi32>, vector<16xi32>], vector<16xf32>,
      %iota3A_509 = tpu.iota {dimensions = array<i32: 0>} : vector<16xi32>
      %add3A_510 = arith.constant 16 : i32
      %add3A_511 = vector.broadcast %add3A_510 : i32 to vector<16xi32>
      %add3A_512 = arith.addi %iota3A_509, %add3A_511 : vector<16xi32>
      %gather3A_513 = arith.constant 1 : i32
      %gather3A_514 = arith.constant 0 : i32
      %gather3A_515 = arith.constant 0 : i32
      %gather3A_516 = tpu.memref_slice %arg8[%gather3A_513, %gather3A_514, %gather3A_515] : memref<8x64x128xf32, #tpu.memory_space<vmem>> -> memref<1x64x128xf32, #tpu.memory_space<vmem>>
      %gather3A_517 = tpu.memref_squeeze %gather3A_516 : memref<1x64x128xf32, #tpu.memory_space<vmem>> -> memref<64x128xf32, #tpu.memory_space<vmem>>
      %gather3A_518 = tpu.vector_load_idx %gather3A_517[%add3A_512, %broadcast_in_dim3A_482] : memref<64x128xf32, #tpu.memory_space<vmem>>[vector<16xi32>, vector<16xi32>], vector<16xf32>,
      tpu.vector_store_idx %arg7[%add3A_512, %broadcast_in_dim3A_483], %gather3A_518 {add = true} : memref<64x256xf32, #tpu.memory_space<vmem>>[vector<16xi32>, vector<16xi32>], vector<16xf32>,
      %iota3A_519 = tpu.iota {dimensions = array<i32: 0>} : vector<16xi32>
      %add3A_520 = arith.constant 32 : i32
      %add3A_521 = vector.broadcast %add3A_520 : i32 to vector<16xi32>
      %add3A_522 = arith.addi %iota3A_519, %add3A_521 : vector<16xi32>
      %gather3A_523 = arith.constant 1 : i32
      %gather3A_524 = arith.constant 0 : i32
      %gather3A_525 = arith.constant 0 : i32
      %gather3A_526 = tpu.memref_slice %arg8[%gather3A_523, %gather3A_524, %gather3A_525] : memref<8x64x128xf32, #tpu.memory_space<vmem>> -> memref<1x64x128xf32, #tpu.memory_space<vmem>>
      %gather3A_527 = tpu.memref_squeeze %gather3A_526 : memref<1x64x128xf32, #tpu.memory_space<vmem>> -> memref<64x128xf32, #tpu.memory_space<vmem>>
      %gather3A_528 = tpu.vector_load_idx %gather3A_527[%add3A_522, %broadcast_in_dim3A_482] : memref<64x128xf32, #tpu.memory_space<vmem>>[vector<16xi32>, vector<16xi32>], vector<16xf32>,
      tpu.vector_store_idx %arg7[%add3A_522, %broadcast_in_dim3A_483], %gather3A_528 {add = true} : memref<64x256xf32, #tpu.memory_space<vmem>>[vector<16xi32>, vector<16xi32>], vector<16xf32>,
      %iota3A_529 = tpu.iota {dimensions = array<i32: 0>} : vector<16xi32>
      %add3A_530 = arith.constant 48 : i32
      %add3A_531 = vector.broadcast %add3A_530 : i32 to vector<16xi32>
      %add3A_532 = arith.addi %iota3A_529, %add3A_531 : vector<16xi32>
      %gather3A_533 = arith.constant 1 : i32
      %gather3A_534 = arith.constant 0 : i32
      %gather3A_535 = arith.constant 0 : i32
      %gather3A_536 = tpu.memref_slice %arg8[%gather3A_533, %gather3A_534, %gather3A_535] : memref<8x64x128xf32, #tpu.memory_space<vmem>> -> memref<1x64x128xf32, #tpu.memory_space<vmem>>
      %gather3A_537 = tpu.memref_squeeze %gather3A_536 : memref<1x64x128xf32, #tpu.memory_space<vmem>> -> memref<64x128xf32, #tpu.memory_space<vmem>>
      %gather3A_538 = tpu.vector_load_idx %gather3A_537[%add3A_532, %broadcast_in_dim3A_482] : memref<64x128xf32, #tpu.memory_space<vmem>>[vector<16xi32>, vector<16xi32>], vector<16xf32>,
      tpu.vector_store_idx %arg7[%add3A_532, %broadcast_in_dim3A_483], %gather3A_538 {add = true} : memref<64x256xf32, #tpu.memory_space<vmem>>[vector<16xi32>, vector<16xi32>], vector<16xf32>,
      %slice3A_539 = vector.extract_strided_slice %get3A_368 {offsets = [9], sizes = [1], strides = [1]} : vector<16xi32> to vector<1xi32>
      %squeeze3A_540 = vector.extract %slice3A_539[0] : i32 from vector<1xi32>
      %jit3A_541 = arith.constant 128 : i32
      %div3A_542 = arith.divsi %squeeze3A_540, %jit3A_541 : i32
      %sign3A_543 = arith.constant 0 : i32
      %sign3A_544 = arith.cmpi sgt, %squeeze3A_540, %sign3A_543 : i32
      %sign3A_545 = arith.extui %sign3A_544 : i1 to i32
      %sign3A_546 = arith.constant 0 : i32
      %sign3A_547 = arith.cmpi slt, %squeeze3A_540, %sign3A_546 : i32
      %sign3A_548 = arith.extui %sign3A_547 : i1 to i32
      %sign3A_549 = arith.subi %sign3A_545, %sign3A_548 : i32
      %sign3A_550 = arith.constant 0 : i32
      %sign3A_551 = arith.cmpi sgt, %jit3A_541, %sign3A_550 : i32
      %sign3A_552 = arith.extui %sign3A_551 : i1 to i32
      %sign3A_553 = arith.constant 0 : i32
      %sign3A_554 = arith.cmpi slt, %jit3A_541, %sign3A_553 : i32
      %sign3A_555 = arith.extui %sign3A_554 : i1 to i32
      %sign3A_556 = arith.subi %sign3A_552, %sign3A_555 : i32
      %ne3A_557 = arith.cmpi ne, %sign3A_549, %sign3A_556 : i32
      %rem3A_558 = arith.remsi %squeeze3A_540, %jit3A_541 : i32
      %ne3A_559 = arith.constant 0 : i32
      %ne3A_560 = arith.cmpi ne, %rem3A_558, %ne3A_559 : i32
      %and3A_561 = arith.andi %ne3A_557, %ne3A_560 : i1
      %sub3A_562 = arith.constant 1 : i32
      %sub3A_563 = arith.subi %div3A_542, %sub3A_562 : i32
      %select_n3A_564 = arith.select %and3A_561, %sub3A_563, %div3A_542 : i32
      %mul3A_565 = arith.constant 128 : i32
      %mul3A_566 = arith.muli %select_n3A_564, %mul3A_565 : i32
      %multiple_of3A_567 = tpu.assume_multiple %mul3A_566, 128 : i32
      %dma_start3A_568 = arith.constant 1 : i32
      %dma_start3A_569 = arith.constant 0 : i32
      %dma_start3A_570 = arith.constant 0 : i32
      %dma_start3A_571 = tpu.memref_slice %arg8[%dma_start3A_568, %dma_start3A_569, %dma_start3A_570] : memref<8x64x128xf32, #tpu.memory_space<vmem>> -> memref<1x64x128xf32, #tpu.memory_space<vmem>>
      %dma_start3A_572 = tpu.memref_squeeze %dma_start3A_571 : memref<1x64x128xf32, #tpu.memory_space<vmem>> -> memref<64x128xf32, #tpu.memory_space<vmem>>
      %dma_start3A_573 = arith.constant 0 : i32
      %dma_start3A_574 = tpu.memref_slice %arg3[%dma_start3A_573, %multiple_of3A_567] : memref<64x1000000xf32, #tpu.memory_space<hbm>> -> memref<64x128xf32, #tpu.memory_space<hbm>>
      %dma_start3A_575 = arith.constant 0 : i32
      %dma_start3A_576 = arith.constant 0 : i32
      %dma_start3A_577 = tpu.memref_slice %arg8[%dma_start3A_568, %dma_start3A_575, %dma_start3A_576] : memref<8x64x128xf32, #tpu.memory_space<vmem>> -> memref<1x64x128xf32, #tpu.memory_space<vmem>>
      %dma_start3A_578 = tpu.memref_squeeze %dma_start3A_577 : memref<1x64x128xf32, #tpu.memory_space<vmem>> -> memref<64x128xf32, #tpu.memory_space<vmem>>
      %dma_start3A_579 = arith.constant 0 : i32
      %dma_start3A_580 = tpu.memref_slice %arg3[%dma_start3A_579, %multiple_of3A_567] : memref<64x1000000xf32, #tpu.memory_space<hbm>> -> memref<64x128xf32, #tpu.memory_space<hbm>>
      tpu.enqueue_dma source(%dma_start3A_580 : memref<64x128xf32, #tpu.memory_space<hbm>>) target(%dma_start3A_578 : memref<64x128xf32, #tpu.memory_space<vmem>>) target_semaphore(%arg11 : memref<!tpu.dma_semaphore, #tpu.memory_space<semaphore_mem>>)
      %slice3A_581 = vector.extract_strided_slice %get3A_368 {offsets = [2], sizes = [1], strides = [1]} : vector<16xi32> to vector<1xi32>
      %squeeze3A_582 = vector.extract %slice3A_581[0] : i32 from vector<1xi32>
      %add3A_583 = arith.constant 2 : i32
      %add3A_584 = arith.addi %mul3A_364, %add3A_583 : i32
      %rem3A_585 = arith.constant 128 : i32
      %rem3A_586 = arith.remsi %squeeze3A_582, %rem3A_585 : i32
      %broadcast_in_dim3A_587 = vector.broadcast %rem3A_586 : i32 to vector<16xi32>
      %broadcast_in_dim3A_588 = vector.broadcast %add3A_584 : i32 to vector<16xi32>
      %dma_wait3A_589 = arith.constant 2 : i32
      %dma_wait3A_590 = arith.constant 0 : i32
      %dma_wait3A_591 = arith.constant 0 : i32
      %dma_wait3A_592 = tpu.memref_slice %arg8[%dma_wait3A_589, %dma_wait3A_590, %dma_wait3A_591] : memref<8x64x128xf32, #tpu.memory_space<vmem>> -> memref<1x64x128xf32, #tpu.memory_space<vmem>>
      %dma_wait3A_593 = tpu.memref_squeeze %dma_wait3A_592 : memref<1x64x128xf32, #tpu.memory_space<vmem>> -> memref<64x128xf32, #tpu.memory_space<vmem>>
      %dma_wait3A_594 = arith.constant 0 : i32
      %dma_wait3A_595 = arith.constant 0 : i32
      %dma_wait3A_596 = tpu.memref_slice %arg3[%dma_wait3A_594, %dma_wait3A_595] : memref<64x1000000xf32, #tpu.memory_space<hbm>> -> memref<64x128xf32, #tpu.memory_space<hbm>>
      %dma_wait3A_597 = arith.constant 0 : i32
      %dma_wait3A_598 = arith.constant 0 : i32
      %dma_wait3A_599 = tpu.memref_slice %arg8[%dma_wait3A_589, %dma_wait3A_597, %dma_wait3A_598] : memref<8x64x128xf32, #tpu.memory_space<vmem>> -> memref<1x64x128xf32, #tpu.memory_space<vmem>>
      %dma_wait3A_600 = tpu.memref_squeeze %dma_wait3A_599 : memref<1x64x128xf32, #tpu.memory_space<vmem>> -> memref<64x128xf32, #tpu.memory_space<vmem>>
      %dma_wait3A_601 = arith.constant 0 : i32
      %dma_wait3A_602 = arith.constant 0 : i32
      %dma_wait3A_603 = tpu.memref_slice %arg3[%dma_wait3A_601, %dma_wait3A_602] : memref<64x1000000xf32, #tpu.memory_space<hbm>> -> memref<64x128xf32, #tpu.memory_space<hbm>>
      tpu.wait_dma2 semaphore(%arg12 : memref<!tpu.dma_semaphore, #tpu.memory_space<semaphore_mem>>) src(%dma_wait3A_603 : memref<64x128xf32, #tpu.memory_space<hbm>>) dst(%dma_wait3A_600 : memref<64x128xf32, #tpu.memory_space<vmem>>)
      %iota3A_604 = tpu.iota {dimensions = array<i32: 0>} : vector<16xi32>
      %add3A_605 = arith.constant 0 : i32
      %add3A_606 = vector.broadcast %add3A_605 : i32 to vector<16xi32>
      %add3A_607 = arith.addi %iota3A_604, %add3A_606 : vector<16xi32>
      %gather3A_608 = arith.constant 2 : i32
      %gather3A_609 = arith.constant 0 : i32
      %gather3A_610 = arith.constant 0 : i32
      %gather3A_611 = tpu.memref_slice %arg8[%gather3A_608, %gather3A_609, %gather3A_610] : memref<8x64x128xf32, #tpu.memory_space<vmem>> -> memref<1x64x128xf32, #tpu.memory_space<vmem>>
      %gather3A_612 = tpu.memref_squeeze %gather3A_611 : memref<1x64x128xf32, #tpu.memory_space<vmem>> -> memref<64x128xf32, #tpu.memory_space<vmem>>
      %gather3A_613 = tpu.vector_load_idx %gather3A_612[%add3A_607, %broadcast_in_dim3A_587] : memref<64x128xf32, #tpu.memory_space<vmem>>[vector<16xi32>, vector<16xi32>], vector<16xf32>,
      tpu.vector_store_idx %arg7[%add3A_607, %broadcast_in_dim3A_588], %gather3A_613 {add = true} : memref<64x256xf32, #tpu.memory_space<vmem>>[vector<16xi32>, vector<16xi32>], vector<16xf32>,
      %iota3A_614 = tpu.iota {dimensions = array<i32: 0>} : vector<16xi32>
      %add3A_615 = arith.constant 16 : i32
      %add3A_616 = vector.broadcast %add3A_615 : i32 to vector<16xi32>
      %add3A_617 = arith.addi %iota3A_614, %add3A_616 : vector<16xi32>
      %gather3A_618 = arith.constant 2 : i32
      %gather3A_619 = arith.constant 0 : i32
      %gather3A_620 = arith.constant 0 : i32
      %gather3A_621 = tpu.memref_slice %arg8[%gather3A_618, %gather3A_619, %gather3A_620] : memref<8x64x128xf32, #tpu.memory_space<vmem>> -> memref<1x64x128xf32, #tpu.memory_space<vmem>>
      %gather3A_622 = tpu.memref_squeeze %gather3A_621 : memref<1x64x128xf32, #tpu.memory_space<vmem>> -> memref<64x128xf32, #tpu.memory_space<vmem>>
      %gather3A_623 = tpu.vector_load_idx %gather3A_622[%add3A_617, %broadcast_in_dim3A_587] : memref<64x128xf32, #tpu.memory_space<vmem>>[vector<16xi32>, vector<16xi32>], vector<16xf32>,
      tpu.vector_store_idx %arg7[%add3A_617, %broadcast_in_dim3A_588], %gather3A_623 {add = true} : memref<64x256xf32, #tpu.memory_space<vmem>>[vector<16xi32>, vector<16xi32>], vector<16xf32>,
      %iota3A_624 = tpu.iota {dimensions = array<i32: 0>} : vector<16xi32>
      %add3A_625 = arith.constant 32 : i32
      %add3A_626 = vector.broadcast %add3A_625 : i32 to vector<16xi32>
      %add3A_627 = arith.addi %iota3A_624, %add3A_626 : vector<16xi32>
      %gather3A_628 = arith.constant 2 : i32
      %gather3A_629 = arith.constant 0 : i32
      %gather3A_630 = arith.constant 0 : i32
      %gather3A_631 = tpu.memref_slice %arg8[%gather3A_628, %gather3A_629, %gather3A_630] : memref<8x64x128xf32, #tpu.memory_space<vmem>> -> memref<1x64x128xf32, #tpu.memory_space<vmem>>
      %gather3A_632 = tpu.memref_squeeze %gather3A_631 : memref<1x64x128xf32, #tpu.memory_space<vmem>> -> memref<64x128xf32, #tpu.memory_space<vmem>>
      %gather3A_633 = tpu.vector_load_idx %gather3A_632[%add3A_627, %broadcast_in_dim3A_587] : memref<64x128xf32, #tpu.memory_space<vmem>>[vector<16xi32>, vector<16xi32>], vector<16xf32>,
      tpu.vector_store_idx %arg7[%add3A_627, %broadcast_in_dim3A_588], %gather3A_633 {add = true} : memref<64x256xf32, #tpu.memory_space<vmem>>[vector<16xi32>, vector<16xi32>], vector<16xf32>,
      %iota3A_634 = tpu.iota {dimensions = array<i32: 0>} : vector<16xi32>
      %add3A_635 = arith.constant 48 : i32
      %add3A_636 = vector.broadcast %add3A_635 : i32 to vector<16xi32>
      %add3A_637 = arith.addi %iota3A_634, %add3A_636 : vector<16xi32>
      %gather3A_638 = arith.constant 2 : i32
      %gather3A_639 = arith.constant 0 : i32
      %gather3A_640 = arith.constant 0 : i32
      %gather3A_641 = tpu.memref_slice %arg8[%gather3A_638, %gather3A_639, %gather3A_640] : memref<8x64x128xf32, #tpu.memory_space<vmem>> -> memref<1x64x128xf32, #tpu.memory_space<vmem>>
      %gather3A_642 = tpu.memref_squeeze %gather3A_641 : memref<1x64x128xf32, #tpu.memory_space<vmem>> -> memref<64x128xf32, #tpu.memory_space<vmem>>
      %gather3A_643 = tpu.vector_load_idx %gather3A_642[%add3A_637, %broadcast_in_dim3A_587] : memref<64x128xf32, #tpu.memory_space<vmem>>[vector<16xi32>, vector<16xi32>], vector<16xf32>,
      tpu.vector_store_idx %arg7[%add3A_637, %broadcast_in_dim3A_588], %gather3A_643 {add = true} : memref<64x256xf32, #tpu.memory_space<vmem>>[vector<16xi32>, vector<16xi32>], vector<16xf32>,
      %slice3A_644 = vector.extract_strided_slice %get3A_368 {offsets = [10], sizes = [1], strides = [1]} : vector<16xi32> to vector<1xi32>
      %squeeze3A_645 = vector.extract %slice3A_644[0] : i32 from vector<1xi32>
      %jit3A_646 = arith.constant 128 : i32
      %div3A_647 = arith.divsi %squeeze3A_645, %jit3A_646 : i32
      %sign3A_648 = arith.constant 0 : i32
      %sign3A_649 = arith.cmpi sgt, %squeeze3A_645, %sign3A_648 : i32
      %sign3A_650 = arith.extui %sign3A_649 : i1 to i32
      %sign3A_651 = arith.constant 0 : i32
      %sign3A_652 = arith.cmpi slt, %squeeze3A_645, %sign3A_651 : i32
      %sign3A_653 = arith.extui %sign3A_652 : i1 to i32
      %sign3A_654 = arith.subi %sign3A_650, %sign3A_653 : i32
      %sign3A_655 = arith.constant 0 : i32
      %sign3A_656 = arith.cmpi sgt, %jit3A_646, %sign3A_655 : i32
      %sign3A_657 = arith.extui %sign3A_656 : i1 to i32
      %sign3A_658 = arith.constant 0 : i32
      %sign3A_659 = arith.cmpi slt, %jit3A_646, %sign3A_658 : i32
      %sign3A_660 = arith.extui %sign3A_659 : i1 to i32
      %sign3A_661 = arith.subi %sign3A_657, %sign3A_660 : i32
      %ne3A_662 = arith.cmpi ne, %sign3A_654, %sign3A_661 : i32
      %rem3A_663 = arith.remsi %squeeze3A_645, %jit3A_646 : i32
      %ne3A_664 = arith.constant 0 : i32
      %ne3A_665 = arith.cmpi ne, %rem3A_663, %ne3A_664 : i32
      %and3A_666 = arith.andi %ne3A_662, %ne3A_665 : i1
      %sub3A_667 = arith.constant 1 : i32
      %sub3A_668 = arith.subi %div3A_647, %sub3A_667 : i32
      %select_n3A_669 = arith.select %and3A_666, %sub3A_668, %div3A_647 : i32
      %mul3A_670 = arith.constant 128 : i32
      %mul3A_671 = arith.muli %select_n3A_669, %mul3A_670 : i32
      %multiple_of3A_672 = tpu.assume_multiple %mul3A_671, 128 : i32
      %dma_start3A_673 = arith.constant 2 : i32
      %dma_start3A_674 = arith.constant 0 : i32
      %dma_start3A_675 = arith.constant 0 : i32
      %dma_start3A_676 = tpu.memref_slice %arg8[%dma_start3A_673, %dma_start3A_674, %dma_start3A_675] : memref<8x64x128xf32, #tpu.memory_space<vmem>> -> memref<1x64x128xf32, #tpu.memory_space<vmem>>
      %dma_start3A_677 = tpu.memref_squeeze %dma_start3A_676 : memref<1x64x128xf32, #tpu.memory_space<vmem>> -> memref<64x128xf32, #tpu.memory_space<vmem>>
      %dma_start3A_678 = arith.constant 0 : i32
      %dma_start3A_679 = tpu.memref_slice %arg3[%dma_start3A_678, %multiple_of3A_672] : memref<64x1000000xf32, #tpu.memory_space<hbm>> -> memref<64x128xf32, #tpu.memory_space<hbm>>
      %dma_start3A_680 = arith.constant 0 : i32
      %dma_start3A_681 = arith.constant 0 : i32
      %dma_start3A_682 = tpu.memref_slice %arg8[%dma_start3A_673, %dma_start3A_680, %dma_start3A_681] : memref<8x64x128xf32, #tpu.memory_space<vmem>> -> memref<1x64x128xf32, #tpu.memory_space<vmem>>
      %dma_start3A_683 = tpu.memref_squeeze %dma_start3A_682 : memref<1x64x128xf32, #tpu.memory_space<vmem>> -> memref<64x128xf32, #tpu.memory_space<vmem>>
      %dma_start3A_684 = arith.constant 0 : i32
      %dma_start3A_685 = tpu.memref_slice %arg3[%dma_start3A_684, %multiple_of3A_672] : memref<64x1000000xf32, #tpu.memory_space<hbm>> -> memref<64x128xf32, #tpu.memory_space<hbm>>
      tpu.enqueue_dma source(%dma_start3A_685 : memref<64x128xf32, #tpu.memory_space<hbm>>) target(%dma_start3A_683 : memref<64x128xf32, #tpu.memory_space<vmem>>) target_semaphore(%arg12 : memref<!tpu.dma_semaphore, #tpu.memory_space<semaphore_mem>>)
      %slice3A_686 = vector.extract_strided_slice %get3A_368 {offsets = [3], sizes = [1], strides = [1]} : vector<16xi32> to vector<1xi32>
      %squeeze3A_687 = vector.extract %slice3A_686[0] : i32 from vector<1xi32>
      %add3A_688 = arith.constant 3 : i32
      %add3A_689 = arith.addi %mul3A_364, %add3A_688 : i32
      %rem3A_690 = arith.constant 128 : i32
      %rem3A_691 = arith.remsi %squeeze3A_687, %rem3A_690 : i32
      %broadcast_in_dim3A_692 = vector.broadcast %rem3A_691 : i32 to vector<16xi32>
      %broadcast_in_dim3A_693 = vector.broadcast %add3A_689 : i32 to vector<16xi32>
      %dma_wait3A_694 = arith.constant 3 : i32
      %dma_wait3A_695 = arith.constant 0 : i32
      %dma_wait3A_696 = arith.constant 0 : i32
      %dma_wait3A_697 = tpu.memref_slice %arg8[%dma_wait3A_694, %dma_wait3A_695, %dma_wait3A_696] : memref<8x64x128xf32, #tpu.memory_space<vmem>> -> memref<1x64x128xf32, #tpu.memory_space<vmem>>
      %dma_wait3A_698 = tpu.memref_squeeze %dma_wait3A_697 : memref<1x64x128xf32, #tpu.memory_space<vmem>> -> memref<64x128xf32, #tpu.memory_space<vmem>>
      %dma_wait3A_699 = arith.constant 0 : i32
      %dma_wait3A_700 = arith.constant 0 : i32
      %dma_wait3A_701 = tpu.memref_slice %arg3[%dma_wait3A_699, %dma_wait3A_700] : memref<64x1000000xf32, #tpu.memory_space<hbm>> -> memref<64x128xf32, #tpu.memory_space<hbm>>
      %dma_wait3A_702 = arith.constant 0 : i32
      %dma_wait3A_703 = arith.constant 0 : i32
      %dma_wait3A_704 = tpu.memref_slice %arg8[%dma_wait3A_694, %dma_wait3A_702, %dma_wait3A_703] : memref<8x64x128xf32, #tpu.memory_space<vmem>> -> memref<1x64x128xf32, #tpu.memory_space<vmem>>
      %dma_wait3A_705 = tpu.memref_squeeze %dma_wait3A_704 : memref<1x64x128xf32, #tpu.memory_space<vmem>> -> memref<64x128xf32, #tpu.memory_space<vmem>>
      %dma_wait3A_706 = arith.constant 0 : i32
      %dma_wait3A_707 = arith.constant 0 : i32
      %dma_wait3A_708 = tpu.memref_slice %arg3[%dma_wait3A_706, %dma_wait3A_707] : memref<64x1000000xf32, #tpu.memory_space<hbm>> -> memref<64x128xf32, #tpu.memory_space<hbm>>
      tpu.wait_dma2 semaphore(%arg13 : memref<!tpu.dma_semaphore, #tpu.memory_space<semaphore_mem>>) src(%dma_wait3A_708 : memref<64x128xf32, #tpu.memory_space<hbm>>) dst(%dma_wait3A_705 : memref<64x128xf32, #tpu.memory_space<vmem>>)
      %iota3A_709 = tpu.iota {dimensions = array<i32: 0>} : vector<16xi32>
      %add3A_710 = arith.constant 0 : i32
      %add3A_711 = vector.broadcast %add3A_710 : i32 to vector<16xi32>
      %add3A_712 = arith.addi %iota3A_709, %add3A_711 : vector<16xi32>
      %gather3A_713 = arith.constant 3 : i32
      %gather3A_714 = arith.constant 0 : i32
      %gather3A_715 = arith.constant 0 : i32
      %gather3A_716 = tpu.memref_slice %arg8[%gather3A_713, %gather3A_714, %gather3A_715] : memref<8x64x128xf32, #tpu.memory_space<vmem>> -> memref<1x64x128xf32, #tpu.memory_space<vmem>>
      %gather3A_717 = tpu.memref_squeeze %gather3A_716 : memref<1x64x128xf32, #tpu.memory_space<vmem>> -> memref<64x128xf32, #tpu.memory_space<vmem>>
      %gather3A_718 = tpu.vector_load_idx %gather3A_717[%add3A_712, %broadcast_in_dim3A_692] : memref<64x128xf32, #tpu.memory_space<vmem>>[vector<16xi32>, vector<16xi32>], vector<16xf32>,
      tpu.vector_store_idx %arg7[%add3A_712, %broadcast_in_dim3A_693], %gather3A_718 {add = true} : memref<64x256xf32, #tpu.memory_space<vmem>>[vector<16xi32>, vector<16xi32>], vector<16xf32>,
      %iota3A_719 = tpu.iota {dimensions = array<i32: 0>} : vector<16xi32>
      %add3A_720 = arith.constant 16 : i32
      %add3A_721 = vector.broadcast %add3A_720 : i32 to vector<16xi32>
      %add3A_722 = arith.addi %iota3A_719, %add3A_721 : vector<16xi32>
      %gather3A_723 = arith.constant 3 : i32
      %gather3A_724 = arith.constant 0 : i32
      %gather3A_725 = arith.constant 0 : i32
      %gather3A_726 = tpu.memref_slice %arg8[%gather3A_723, %gather3A_724, %gather3A_725] : memref<8x64x128xf32, #tpu.memory_space<vmem>> -> memref<1x64x128xf32, #tpu.memory_space<vmem>>
      %gather3A_727 = tpu.memref_squeeze %gather3A_726 : memref<1x64x128xf32, #tpu.memory_space<vmem>> -> memref<64x128xf32, #tpu.memory_space<vmem>>
      %gather3A_728 = tpu.vector_load_idx %gather3A_727[%add3A_722, %broadcast_in_dim3A_692] : memref<64x128xf32, #tpu.memory_space<vmem>>[vector<16xi32>, vector<16xi32>], vector<16xf32>,
      tpu.vector_store_idx %arg7[%add3A_722, %broadcast_in_dim3A_693], %gather3A_728 {add = true} : memref<64x256xf32, #tpu.memory_space<vmem>>[vector<16xi32>, vector<16xi32>], vector<16xf32>,
      %iota3A_729 = tpu.iota {dimensions = array<i32: 0>} : vector<16xi32>
      %add3A_730 = arith.constant 32 : i32
      %add3A_731 = vector.broadcast %add3A_730 : i32 to vector<16xi32>
      %add3A_732 = arith.addi %iota3A_729, %add3A_731 : vector<16xi32>
      %gather3A_733 = arith.constant 3 : i32
      %gather3A_734 = arith.constant 0 : i32
      %gather3A_735 = arith.constant 0 : i32
      %gather3A_736 = tpu.memref_slice %arg8[%gather3A_733, %gather3A_734, %gather3A_735] : memref<8x64x128xf32, #tpu.memory_space<vmem>> -> memref<1x64x128xf32, #tpu.memory_space<vmem>>
      %gather3A_737 = tpu.memref_squeeze %gather3A_736 : memref<1x64x128xf32, #tpu.memory_space<vmem>> -> memref<64x128xf32, #tpu.memory_space<vmem>>
      %gather3A_738 = tpu.vector_load_idx %gather3A_737[%add3A_732, %broadcast_in_dim3A_692] : memref<64x128xf32, #tpu.memory_space<vmem>>[vector<16xi32>, vector<16xi32>], vector<16xf32>,
      tpu.vector_store_idx %arg7[%add3A_732, %broadcast_in_dim3A_693], %gather3A_738 {add = true} : memref<64x256xf32, #tpu.memory_space<vmem>>[vector<16xi32>, vector<16xi32>], vector<16xf32>,
      %iota3A_739 = tpu.iota {dimensions = array<i32: 0>} : vector<16xi32>
      %add3A_740 = arith.constant 48 : i32
      %add3A_741 = vector.broadcast %add3A_740 : i32 to vector<16xi32>
      %add3A_742 = arith.addi %iota3A_739, %add3A_741 : vector<16xi32>
      %gather3A_743 = arith.constant 3 : i32
      %gather3A_744 = arith.constant 0 : i32
      %gather3A_745 = arith.constant 0 : i32
      %gather3A_746 = tpu.memref_slice %arg8[%gather3A_743, %gather3A_744, %gather3A_745] : memref<8x64x128xf32, #tpu.memory_space<vmem>> -> memref<1x64x128xf32, #tpu.memory_space<vmem>>
      %gather3A_747 = tpu.memref_squeeze %gather3A_746 : memref<1x64x128xf32, #tpu.memory_space<vmem>> -> memref<64x128xf32, #tpu.memory_space<vmem>>
      %gather3A_748 = tpu.vector_load_idx %gather3A_747[%add3A_742, %broadcast_in_dim3A_692] : memref<64x128xf32, #tpu.memory_space<vmem>>[vector<16xi32>, vector<16xi32>], vector<16xf32>,
      tpu.vector_store_idx %arg7[%add3A_742, %broadcast_in_dim3A_693], %gather3A_748 {add = true} : memref<64x256xf32, #tpu.memory_space<vmem>>[vector<16xi32>, vector<16xi32>], vector<16xf32>,
      %slice3A_749 = vector.extract_strided_slice %get3A_368 {offsets = [11], sizes = [1], strides = [1]} : vector<16xi32> to vector<1xi32>
      %squeeze3A_750 = vector.extract %slice3A_749[0] : i32 from vector<1xi32>
      %jit3A_751 = arith.constant 128 : i32
      %div3A_752 = arith.divsi %squeeze3A_750, %jit3A_751 : i32
      %sign3A_753 = arith.constant 0 : i32
      %sign3A_754 = arith.cmpi sgt, %squeeze3A_750, %sign3A_753 : i32
      %sign3A_755 = arith.extui %sign3A_754 : i1 to i32
      %sign3A_756 = arith.constant 0 : i32
      %sign3A_757 = arith.cmpi slt, %squeeze3A_750, %sign3A_756 : i32
      %sign3A_758 = arith.extui %sign3A_757 : i1 to i32
      %sign3A_759 = arith.subi %sign3A_755, %sign3A_758 : i32
      %sign3A_760 = arith.constant 0 : i32
      %sign3A_761 = arith.cmpi sgt, %jit3A_751, %sign3A_760 : i32
      %sign3A_762 = arith.extui %sign3A_761 : i1 to i32
      %sign3A_763 = arith.constant 0 : i32
      %sign3A_764 = arith.cmpi slt, %jit3A_751, %sign3A_763 : i32
      %sign3A_765 = arith.extui %sign3A_764 : i1 to i32
      %sign3A_766 = arith.subi %sign3A_762, %sign3A_765 : i32
      %ne3A_767 = arith.cmpi ne, %sign3A_759, %sign3A_766 : i32
      %rem3A_768 = arith.remsi %squeeze3A_750, %jit3A_751 : i32
      %ne3A_769 = arith.constant 0 : i32
      %ne3A_770 = arith.cmpi ne, %rem3A_768, %ne3A_769 : i32
      %and3A_771 = arith.andi %ne3A_767, %ne3A_770 : i1
      %sub3A_772 = arith.constant 1 : i32
      %sub3A_773 = arith.subi %div3A_752, %sub3A_772 : i32
      %select_n3A_774 = arith.select %and3A_771, %sub3A_773, %div3A_752 : i32
      %mul3A_775 = arith.constant 128 : i32
      %mul3A_776 = arith.muli %select_n3A_774, %mul3A_775 : i32
      %multiple_of3A_777 = tpu.assume_multiple %mul3A_776, 128 : i32
      %dma_start3A_778 = arith.constant 3 : i32
      %dma_start3A_779 = arith.constant 0 : i32
      %dma_start3A_780 = arith.constant 0 : i32
      %dma_start3A_781 = tpu.memref_slice %arg8[%dma_start3A_778, %dma_start3A_779, %dma_start3A_780] : memref<8x64x128xf32, #tpu.memory_space<vmem>> -> memref<1x64x128xf32, #tpu.memory_space<vmem>>
      %dma_start3A_782 = tpu.memref_squeeze %dma_start3A_781 : memref<1x64x128xf32, #tpu.memory_space<vmem>> -> memref<64x128xf32, #tpu.memory_space<vmem>>
      %dma_start3A_783 = arith.constant 0 : i32
      %dma_start3A_784 = tpu.memref_slice %arg3[%dma_start3A_783, %multiple_of3A_777] : memref<64x1000000xf32, #tpu.memory_space<hbm>> -> memref<64x128xf32, #tpu.memory_space<hbm>>
      %dma_start3A_785 = arith.constant 0 : i32
      %dma_start3A_786 = arith.constant 0 : i32
      %dma_start3A_787 = tpu.memref_slice %arg8[%dma_start3A_778, %dma_start3A_785, %dma_start3A_786] : memref<8x64x128xf32, #tpu.memory_space<vmem>> -> memref<1x64x128xf32, #tpu.memory_space<vmem>>
      %dma_start3A_788 = tpu.memref_squeeze %dma_start3A_787 : memref<1x64x128xf32, #tpu.memory_space<vmem>> -> memref<64x128xf32, #tpu.memory_space<vmem>>
      %dma_start3A_789 = arith.constant 0 : i32
      %dma_start3A_790 = tpu.memref_slice %arg3[%dma_start3A_789, %multiple_of3A_777] : memref<64x1000000xf32, #tpu.memory_space<hbm>> -> memref<64x128xf32, #tpu.memory_space<hbm>>
      tpu.enqueue_dma source(%dma_start3A_790 : memref<64x128xf32, #tpu.memory_space<hbm>>) target(%dma_start3A_788 : memref<64x128xf32, #tpu.memory_space<vmem>>) target_semaphore(%arg13 : memref<!tpu.dma_semaphore, #tpu.memory_space<semaphore_mem>>)
      %slice3A_791 = vector.extract_strided_slice %get3A_368 {offsets = [4], sizes = [1], strides = [1]} : vector<16xi32> to vector<1xi32>
      %squeeze3A_792 = vector.extract %slice3A_791[0] : i32 from vector<1xi32>
      %add3A_793 = arith.constant 4 : i32
      %add3A_794 = arith.addi %mul3A_364, %add3A_793 : i32
      %rem3A_795 = arith.constant 128 : i32
      %rem3A_796 = arith.remsi %squeeze3A_792, %rem3A_795 : i32
      %broadcast_in_dim3A_797 = vector.broadcast %rem3A_796 : i32 to vector<16xi32>
      %broadcast_in_dim3A_798 = vector.broadcast %add3A_794 : i32 to vector<16xi32>
      %dma_wait3A_799 = arith.constant 4 : i32
      %dma_wait3A_800 = arith.constant 0 : i32
      %dma_wait3A_801 = arith.constant 0 : i32
      %dma_wait3A_802 = tpu.memref_slice %arg8[%dma_wait3A_799, %dma_wait3A_800, %dma_wait3A_801] : memref<8x64x128xf32, #tpu.memory_space<vmem>> -> memref<1x64x128xf32, #tpu.memory_space<vmem>>
      %dma_wait3A_803 = tpu.memref_squeeze %dma_wait3A_802 : memref<1x64x128xf32, #tpu.memory_space<vmem>> -> memref<64x128xf32, #tpu.memory_space<vmem>>
      %dma_wait3A_804 = arith.constant 0 : i32
      %dma_wait3A_805 = arith.constant 0 : i32
      %dma_wait3A_806 = tpu.memref_slice %arg3[%dma_wait3A_804, %dma_wait3A_805] : memref<64x1000000xf32, #tpu.memory_space<hbm>> -> memref<64x128xf32, #tpu.memory_space<hbm>>
      %dma_wait3A_807 = arith.constant 0 : i32
      %dma_wait3A_808 = arith.constant 0 : i32
      %dma_wait3A_809 = tpu.memref_slice %arg8[%dma_wait3A_799, %dma_wait3A_807, %dma_wait3A_808] : memref<8x64x128xf32, #tpu.memory_space<vmem>> -> memref<1x64x128xf32, #tpu.memory_space<vmem>>
      %dma_wait3A_810 = tpu.memref_squeeze %dma_wait3A_809 : memref<1x64x128xf32, #tpu.memory_space<vmem>> -> memref<64x128xf32, #tpu.memory_space<vmem>>
      %dma_wait3A_811 = arith.constant 0 : i32
      %dma_wait3A_812 = arith.constant 0 : i32
      %dma_wait3A_813 = tpu.memref_slice %arg3[%dma_wait3A_811, %dma_wait3A_812] : memref<64x1000000xf32, #tpu.memory_space<hbm>> -> memref<64x128xf32, #tpu.memory_space<hbm>>
      tpu.wait_dma2 semaphore(%arg14 : memref<!tpu.dma_semaphore, #tpu.memory_space<semaphore_mem>>) src(%dma_wait3A_813 : memref<64x128xf32, #tpu.memory_space<hbm>>) dst(%dma_wait3A_810 : memref<64x128xf32, #tpu.memory_space<vmem>>)
      %iota3A_814 = tpu.iota {dimensions = array<i32: 0>} : vector<16xi32>
      %add3A_815 = arith.constant 0 : i32
      %add3A_816 = vector.broadcast %add3A_815 : i32 to vector<16xi32>
      %add3A_817 = arith.addi %iota3A_814, %add3A_816 : vector<16xi32>
      %gather3A_818 = arith.constant 4 : i32
      %gather3A_819 = arith.constant 0 : i32
      %gather3A_820 = arith.constant 0 : i32
      %gather3A_821 = tpu.memref_slice %arg8[%gather3A_818, %gather3A_819, %gather3A_820] : memref<8x64x128xf32, #tpu.memory_space<vmem>> -> memref<1x64x128xf32, #tpu.memory_space<vmem>>
      %gather3A_822 = tpu.memref_squeeze %gather3A_821 : memref<1x64x128xf32, #tpu.memory_space<vmem>> -> memref<64x128xf32, #tpu.memory_space<vmem>>
      %gather3A_823 = tpu.vector_load_idx %gather3A_822[%add3A_817, %broadcast_in_dim3A_797] : memref<64x128xf32, #tpu.memory_space<vmem>>[vector<16xi32>, vector<16xi32>], vector<16xf32>,
      tpu.vector_store_idx %arg7[%add3A_817, %broadcast_in_dim3A_798], %gather3A_823 {add = true} : memref<64x256xf32, #tpu.memory_space<vmem>>[vector<16xi32>, vector<16xi32>], vector<16xf32>,
      %iota3A_824 = tpu.iota {dimensions = array<i32: 0>} : vector<16xi32>
      %add3A_825 = arith.constant 16 : i32
      %add3A_826 = vector.broadcast %add3A_825 : i32 to vector<16xi32>
      %add3A_827 = arith.addi %iota3A_824, %add3A_826 : vector<16xi32>
      %gather3A_828 = arith.constant 4 : i32
      %gather3A_829 = arith.constant 0 : i32
      %gather3A_830 = arith.constant 0 : i32
      %gather3A_831 = tpu.memref_slice %arg8[%gather3A_828, %gather3A_829, %gather3A_830] : memref<8x64x128xf32, #tpu.memory_space<vmem>> -> memref<1x64x128xf32, #tpu.memory_space<vmem>>
      %gather3A_832 = tpu.memref_squeeze %gather3A_831 : memref<1x64x128xf32, #tpu.memory_space<vmem>> -> memref<64x128xf32, #tpu.memory_space<vmem>>
      %gather3A_833 = tpu.vector_load_idx %gather3A_832[%add3A_827, %broadcast_in_dim3A_797] : memref<64x128xf32, #tpu.memory_space<vmem>>[vector<16xi32>, vector<16xi32>], vector<16xf32>,
      tpu.vector_store_idx %arg7[%add3A_827, %broadcast_in_dim3A_798], %gather3A_833 {add = true} : memref<64x256xf32, #tpu.memory_space<vmem>>[vector<16xi32>, vector<16xi32>], vector<16xf32>,
      %iota3A_834 = tpu.iota {dimensions = array<i32: 0>} : vector<16xi32>
      %add3A_835 = arith.constant 32 : i32
      %add3A_836 = vector.broadcast %add3A_835 : i32 to vector<16xi32>
      %add3A_837 = arith.addi %iota3A_834, %add3A_836 : vector<16xi32>
      %gather3A_838 = arith.constant 4 : i32
      %gather3A_839 = arith.constant 0 : i32
      %gather3A_840 = arith.constant 0 : i32
      %gather3A_841 = tpu.memref_slice %arg8[%gather3A_838, %gather3A_839, %gather3A_840] : memref<8x64x128xf32, #tpu.memory_space<vmem>> -> memref<1x64x128xf32, #tpu.memory_space<vmem>>
      %gather3A_842 = tpu.memref_squeeze %gather3A_841 : memref<1x64x128xf32, #tpu.memory_space<vmem>> -> memref<64x128xf32, #tpu.memory_space<vmem>>
      %gather3A_843 = tpu.vector_load_idx %gather3A_842[%add3A_837, %broadcast_in_dim3A_797] : memref<64x128xf32, #tpu.memory_space<vmem>>[vector<16xi32>, vector<16xi32>], vector<16xf32>,
      tpu.vector_store_idx %arg7[%add3A_837, %broadcast_in_dim3A_798], %gather3A_843 {add = true} : memref<64x256xf32, #tpu.memory_space<vmem>>[vector<16xi32>, vector<16xi32>], vector<16xf32>,
      %iota3A_844 = tpu.iota {dimensions = array<i32: 0>} : vector<16xi32>
      %add3A_845 = arith.constant 48 : i32
      %add3A_846 = vector.broadcast %add3A_845 : i32 to vector<16xi32>
      %add3A_847 = arith.addi %iota3A_844, %add3A_846 : vector<16xi32>
      %gather3A_848 = arith.constant 4 : i32
      %gather3A_849 = arith.constant 0 : i32
      %gather3A_850 = arith.constant 0 : i32
      %gather3A_851 = tpu.memref_slice %arg8[%gather3A_848, %gather3A_849, %gather3A_850] : memref<8x64x128xf32, #tpu.memory_space<vmem>> -> memref<1x64x128xf32, #tpu.memory_space<vmem>>
      %gather3A_852 = tpu.memref_squeeze %gather3A_851 : memref<1x64x128xf32, #tpu.memory_space<vmem>> -> memref<64x128xf32, #tpu.memory_space<vmem>>
      %gather3A_853 = tpu.vector_load_idx %gather3A_852[%add3A_847, %broadcast_in_dim3A_797] : memref<64x128xf32, #tpu.memory_space<vmem>>[vector<16xi32>, vector<16xi32>], vector<16xf32>,
      tpu.vector_store_idx %arg7[%add3A_847, %broadcast_in_dim3A_798], %gather3A_853 {add = true} : memref<64x256xf32, #tpu.memory_space<vmem>>[vector<16xi32>, vector<16xi32>], vector<16xf32>,
      %slice3A_854 = vector.extract_strided_slice %get3A_368 {offsets = [12], sizes = [1], strides = [1]} : vector<16xi32> to vector<1xi32>
      %squeeze3A_855 = vector.extract %slice3A_854[0] : i32 from vector<1xi32>
      %jit3A_856 = arith.constant 128 : i32
      %div3A_857 = arith.divsi %squeeze3A_855, %jit3A_856 : i32
      %sign3A_858 = arith.constant 0 : i32
      %sign3A_859 = arith.cmpi sgt, %squeeze3A_855, %sign3A_858 : i32
      %sign3A_860 = arith.extui %sign3A_859 : i1 to i32
      %sign3A_861 = arith.constant 0 : i32
      %sign3A_862 = arith.cmpi slt, %squeeze3A_855, %sign3A_861 : i32
      %sign3A_863 = arith.extui %sign3A_862 : i1 to i32
      %sign3A_864 = arith.subi %sign3A_860, %sign3A_863 : i32
      %sign3A_865 = arith.constant 0 : i32
      %sign3A_866 = arith.cmpi sgt, %jit3A_856, %sign3A_865 : i32
      %sign3A_867 = arith.extui %sign3A_866 : i1 to i32
      %sign3A_868 = arith.constant 0 : i32
      %sign3A_869 = arith.cmpi slt, %jit3A_856, %sign3A_868 : i32
      %sign3A_870 = arith.extui %sign3A_869 : i1 to i32
      %sign3A_871 = arith.subi %sign3A_867, %sign3A_870 : i32
      %ne3A_872 = arith.cmpi ne, %sign3A_864, %sign3A_871 : i32
      %rem3A_873 = arith.remsi %squeeze3A_855, %jit3A_856 : i32
      %ne3A_874 = arith.constant 0 : i32
      %ne3A_875 = arith.cmpi ne, %rem3A_873, %ne3A_874 : i32
      %and3A_876 = arith.andi %ne3A_872, %ne3A_875 : i1
      %sub3A_877 = arith.constant 1 : i32
      %sub3A_878 = arith.subi %div3A_857, %sub3A_877 : i32
      %select_n3A_879 = arith.select %and3A_876, %sub3A_878, %div3A_857 : i32
      %mul3A_880 = arith.constant 128 : i32
      %mul3A_881 = arith.muli %select_n3A_879, %mul3A_880 : i32
      %multiple_of3A_882 = tpu.assume_multiple %mul3A_881, 128 : i32
      %dma_start3A_883 = arith.constant 4 : i32
      %dma_start3A_884 = arith.constant 0 : i32
      %dma_start3A_885 = arith.constant 0 : i32
      %dma_start3A_886 = tpu.memref_slice %arg8[%dma_start3A_883, %dma_start3A_884, %dma_start3A_885] : memref<8x64x128xf32, #tpu.memory_space<vmem>> -> memref<1x64x128xf32, #tpu.memory_space<vmem>>
      %dma_start3A_887 = tpu.memref_squeeze %dma_start3A_886 : memref<1x64x128xf32, #tpu.memory_space<vmem>> -> memref<64x128xf32, #tpu.memory_space<vmem>>
      %dma_start3A_888 = arith.constant 0 : i32
      %dma_start3A_889 = tpu.memref_slice %arg3[%dma_start3A_888, %multiple_of3A_882] : memref<64x1000000xf32, #tpu.memory_space<hbm>> -> memref<64x128xf32, #tpu.memory_space<hbm>>
      %dma_start3A_890 = arith.constant 0 : i32
      %dma_start3A_891 = arith.constant 0 : i32
      %dma_start3A_892 = tpu.memref_slice %arg8[%dma_start3A_883, %dma_start3A_890, %dma_start3A_891] : memref<8x64x128xf32, #tpu.memory_space<vmem>> -> memref<1x64x128xf32, #tpu.memory_space<vmem>>
      %dma_start3A_893 = tpu.memref_squeeze %dma_start3A_892 : memref<1x64x128xf32, #tpu.memory_space<vmem>> -> memref<64x128xf32, #tpu.memory_space<vmem>>
      %dma_start3A_894 = arith.constant 0 : i32
      %dma_start3A_895 = tpu.memref_slice %arg3[%dma_start3A_894, %multiple_of3A_882] : memref<64x1000000xf32, #tpu.memory_space<hbm>> -> memref<64x128xf32, #tpu.memory_space<hbm>>
      tpu.enqueue_dma source(%dma_start3A_895 : memref<64x128xf32, #tpu.memory_space<hbm>>) target(%dma_start3A_893 : memref<64x128xf32, #tpu.memory_space<vmem>>) target_semaphore(%arg14 : memref<!tpu.dma_semaphore, #tpu.memory_space<semaphore_mem>>)
      %slice3A_896 = vector.extract_strided_slice %get3A_368 {offsets = [5], sizes = [1], strides = [1]} : vector<16xi32> to vector<1xi32>
      %squeeze3A_897 = vector.extract %slice3A_896[0] : i32 from vector<1xi32>
      %add3A_898 = arith.constant 5 : i32
      %add3A_899 = arith.addi %mul3A_364, %add3A_898 : i32
      %rem3A_900 = arith.constant 128 : i32
      %rem3A_901 = arith.remsi %squeeze3A_897, %rem3A_900 : i32
      %broadcast_in_dim3A_902 = vector.broadcast %rem3A_901 : i32 to vector<16xi32>
      %broadcast_in_dim3A_903 = vector.broadcast %add3A_899 : i32 to vector<16xi32>
      %dma_wait3A_904 = arith.constant 5 : i32
      %dma_wait3A_905 = arith.constant 0 : i32
      %dma_wait3A_906 = arith.constant 0 : i32
      %dma_wait3A_907 = tpu.memref_slice %arg8[%dma_wait3A_904, %dma_wait3A_905, %dma_wait3A_906] : memref<8x64x128xf32, #tpu.memory_space<vmem>> -> memref<1x64x128xf32, #tpu.memory_space<vmem>>
      %dma_wait3A_908 = tpu.memref_squeeze %dma_wait3A_907 : memref<1x64x128xf32, #tpu.memory_space<vmem>> -> memref<64x128xf32, #tpu.memory_space<vmem>>
      %dma_wait3A_909 = arith.constant 0 : i32
      %dma_wait3A_910 = arith.constant 0 : i32
      %dma_wait3A_911 = tpu.memref_slice %arg3[%dma_wait3A_909, %dma_wait3A_910] : memref<64x1000000xf32, #tpu.memory_space<hbm>> -> memref<64x128xf32, #tpu.memory_space<hbm>>
      %dma_wait3A_912 = arith.constant 0 : i32
      %dma_wait3A_913 = arith.constant 0 : i32
      %dma_wait3A_914 = tpu.memref_slice %arg8[%dma_wait3A_904, %dma_wait3A_912, %dma_wait3A_913] : memref<8x64x128xf32, #tpu.memory_space<vmem>> -> memref<1x64x128xf32, #tpu.memory_space<vmem>>
      %dma_wait3A_915 = tpu.memref_squeeze %dma_wait3A_914 : memref<1x64x128xf32, #tpu.memory_space<vmem>> -> memref<64x128xf32, #tpu.memory_space<vmem>>
      %dma_wait3A_916 = arith.constant 0 : i32
      %dma_wait3A_917 = arith.constant 0 : i32
      %dma_wait3A_918 = tpu.memref_slice %arg3[%dma_wait3A_916, %dma_wait3A_917] : memref<64x1000000xf32, #tpu.memory_space<hbm>> -> memref<64x128xf32, #tpu.memory_space<hbm>>
      tpu.wait_dma2 semaphore(%arg15 : memref<!tpu.dma_semaphore, #tpu.memory_space<semaphore_mem>>) src(%dma_wait3A_918 : memref<64x128xf32, #tpu.memory_space<hbm>>) dst(%dma_wait3A_915 : memref<64x128xf32, #tpu.memory_space<vmem>>)
      %iota3A_919 = tpu.iota {dimensions = array<i32: 0>} : vector<16xi32>
      %add3A_920 = arith.constant 0 : i32
      %add3A_921 = vector.broadcast %add3A_920 : i32 to vector<16xi32>
      %add3A_922 = arith.addi %iota3A_919, %add3A_921 : vector<16xi32>
      %gather3A_923 = arith.constant 5 : i32
      %gather3A_924 = arith.constant 0 : i32
      %gather3A_925 = arith.constant 0 : i32
      %gather3A_926 = tpu.memref_slice %arg8[%gather3A_923, %gather3A_924, %gather3A_925] : memref<8x64x128xf32, #tpu.memory_space<vmem>> -> memref<1x64x128xf32, #tpu.memory_space<vmem>>
      %gather3A_927 = tpu.memref_squeeze %gather3A_926 : memref<1x64x128xf32, #tpu.memory_space<vmem>> -> memref<64x128xf32, #tpu.memory_space<vmem>>
      %gather3A_928 = tpu.vector_load_idx %gather3A_927[%add3A_922, %broadcast_in_dim3A_902] : memref<64x128xf32, #tpu.memory_space<vmem>>[vector<16xi32>, vector<16xi32>], vector<16xf32>,
      tpu.vector_store_idx %arg7[%add3A_922, %broadcast_in_dim3A_903], %gather3A_928 {add = true} : memref<64x256xf32, #tpu.memory_space<vmem>>[vector<16xi32>, vector<16xi32>], vector<16xf32>,
      %iota3A_929 = tpu.iota {dimensions = array<i32: 0>} : vector<16xi32>
      %add3A_930 = arith.constant 16 : i32
      %add3A_931 = vector.broadcast %add3A_930 : i32 to vector<16xi32>
      %add3A_932 = arith.addi %iota3A_929, %add3A_931 : vector<16xi32>
      %gather3A_933 = arith.constant 5 : i32
      %gather3A_934 = arith.constant 0 : i32
      %gather3A_935 = arith.constant 0 : i32
      %gather3A_936 = tpu.memref_slice %arg8[%gather3A_933, %gather3A_934, %gather3A_935] : memref<8x64x128xf32, #tpu.memory_space<vmem>> -> memref<1x64x128xf32, #tpu.memory_space<vmem>>
      %gather3A_937 = tpu.memref_squeeze %gather3A_936 : memref<1x64x128xf32, #tpu.memory_space<vmem>> -> memref<64x128xf32, #tpu.memory_space<vmem>>
      %gather3A_938 = tpu.vector_load_idx %gather3A_937[%add3A_932, %broadcast_in_dim3A_902] : memref<64x128xf32, #tpu.memory_space<vmem>>[vector<16xi32>, vector<16xi32>], vector<16xf32>,
      tpu.vector_store_idx %arg7[%add3A_932, %broadcast_in_dim3A_903], %gather3A_938 {add = true} : memref<64x256xf32, #tpu.memory_space<vmem>>[vector<16xi32>, vector<16xi32>], vector<16xf32>,
      %iota3A_939 = tpu.iota {dimensions = array<i32: 0>} : vector<16xi32>
      %add3A_940 = arith.constant 32 : i32
      %add3A_941 = vector.broadcast %add3A_940 : i32 to vector<16xi32>
      %add3A_942 = arith.addi %iota3A_939, %add3A_941 : vector<16xi32>
      %gather3A_943 = arith.constant 5 : i32
      %gather3A_944 = arith.constant 0 : i32
      %gather3A_945 = arith.constant 0 : i32
      %gather3A_946 = tpu.memref_slice %arg8[%gather3A_943, %gather3A_944, %gather3A_945] : memref<8x64x128xf32, #tpu.memory_space<vmem>> -> memref<1x64x128xf32, #tpu.memory_space<vmem>>
      %gather3A_947 = tpu.memref_squeeze %gather3A_946 : memref<1x64x128xf32, #tpu.memory_space<vmem>> -> memref<64x128xf32, #tpu.memory_space<vmem>>
      %gather3A_948 = tpu.vector_load_idx %gather3A_947[%add3A_942, %broadcast_in_dim3A_902] : memref<64x128xf32, #tpu.memory_space<vmem>>[vector<16xi32>, vector<16xi32>], vector<16xf32>,
      tpu.vector_store_idx %arg7[%add3A_942, %broadcast_in_dim3A_903], %gather3A_948 {add = true} : memref<64x256xf32, #tpu.memory_space<vmem>>[vector<16xi32>, vector<16xi32>], vector<16xf32>,
      %iota3A_949 = tpu.iota {dimensions = array<i32: 0>} : vector<16xi32>
      %add3A_950 = arith.constant 48 : i32
      %add3A_951 = vector.broadcast %add3A_950 : i32 to vector<16xi32>
      %add3A_952 = arith.addi %iota3A_949, %add3A_951 : vector<16xi32>
      %gather3A_953 = arith.constant 5 : i32
      %gather3A_954 = arith.constant 0 : i32
      %gather3A_955 = arith.constant 0 : i32
      %gather3A_956 = tpu.memref_slice %arg8[%gather3A_953, %gather3A_954, %gather3A_955] : memref<8x64x128xf32, #tpu.memory_space<vmem>> -> memref<1x64x128xf32, #tpu.memory_space<vmem>>
      %gather3A_957 = tpu.memref_squeeze %gather3A_956 : memref<1x64x128xf32, #tpu.memory_space<vmem>> -> memref<64x128xf32, #tpu.memory_space<vmem>>
      %gather3A_958 = tpu.vector_load_idx %gather3A_957[%add3A_952, %broadcast_in_dim3A_902] : memref<64x128xf32, #tpu.memory_space<vmem>>[vector<16xi32>, vector<16xi32>], vector<16xf32>,
      tpu.vector_store_idx %arg7[%add3A_952, %broadcast_in_dim3A_903], %gather3A_958 {add = true} : memref<64x256xf32, #tpu.memory_space<vmem>>[vector<16xi32>, vector<16xi32>], vector<16xf32>,
      %slice3A_959 = vector.extract_strided_slice %get3A_368 {offsets = [13], sizes = [1], strides = [1]} : vector<16xi32> to vector<1xi32>
      %squeeze3A_960 = vector.extract %slice3A_959[0] : i32 from vector<1xi32>
      %jit3A_961 = arith.constant 128 : i32
      %div3A_962 = arith.divsi %squeeze3A_960, %jit3A_961 : i32
      %sign3A_963 = arith.constant 0 : i32
      %sign3A_964 = arith.cmpi sgt, %squeeze3A_960, %sign3A_963 : i32
      %sign3A_965 = arith.extui %sign3A_964 : i1 to i32
      %sign3A_966 = arith.constant 0 : i32
      %sign3A_967 = arith.cmpi slt, %squeeze3A_960, %sign3A_966 : i32
      %sign3A_968 = arith.extui %sign3A_967 : i1 to i32
      %sign3A_969 = arith.subi %sign3A_965, %sign3A_968 : i32
      %sign3A_970 = arith.constant 0 : i32
      %sign3A_971 = arith.cmpi sgt, %jit3A_961, %sign3A_970 : i32
      %sign3A_972 = arith.extui %sign3A_971 : i1 to i32
      %sign3A_973 = arith.constant 0 : i32
      %sign3A_974 = arith.cmpi slt, %jit3A_961, %sign3A_973 : i32
      %sign3A_975 = arith.extui %sign3A_974 : i1 to i32
      %sign3A_976 = arith.subi %sign3A_972, %sign3A_975 : i32
      %ne3A_977 = arith.cmpi ne, %sign3A_969, %sign3A_976 : i32
      %rem3A_978 = arith.remsi %squeeze3A_960, %jit3A_961 : i32
      %ne3A_979 = arith.constant 0 : i32
      %ne3A_980 = arith.cmpi ne, %rem3A_978, %ne3A_979 : i32
      %and3A_981 = arith.andi %ne3A_977, %ne3A_980 : i1
      %sub3A_982 = arith.constant 1 : i32
      %sub3A_983 = arith.subi %div3A_962, %sub3A_982 : i32
      %select_n3A_984 = arith.select %and3A_981, %sub3A_983, %div3A_962 : i32
      %mul3A_985 = arith.constant 128 : i32
      %mul3A_986 = arith.muli %select_n3A_984, %mul3A_985 : i32
      %multiple_of3A_987 = tpu.assume_multiple %mul3A_986, 128 : i32
      %dma_start3A_988 = arith.constant 5 : i32
      %dma_start3A_989 = arith.constant 0 : i32
      %dma_start3A_990 = arith.constant 0 : i32
      %dma_start3A_991 = tpu.memref_slice %arg8[%dma_start3A_988, %dma_start3A_989, %dma_start3A_990] : memref<8x64x128xf32, #tpu.memory_space<vmem>> -> memref<1x64x128xf32, #tpu.memory_space<vmem>>
      %dma_start3A_992 = tpu.memref_squeeze %dma_start3A_991 : memref<1x64x128xf32, #tpu.memory_space<vmem>> -> memref<64x128xf32, #tpu.memory_space<vmem>>
      %dma_start3A_993 = arith.constant 0 : i32
      %dma_start3A_994 = tpu.memref_slice %arg3[%dma_start3A_993, %multiple_of3A_987] : memref<64x1000000xf32, #tpu.memory_space<hbm>> -> memref<64x128xf32, #tpu.memory_space<hbm>>
      %dma_start3A_995 = arith.constant 0 : i32
      %dma_start3A_996 = arith.constant 0 : i32
      %dma_start3A_997 = tpu.memref_slice %arg8[%dma_start3A_988, %dma_start3A_995, %dma_start3A_996] : memref<8x64x128xf32, #tpu.memory_space<vmem>> -> memref<1x64x128xf32, #tpu.memory_space<vmem>>
      %dma_start3A_998 = tpu.memref_squeeze %dma_start3A_997 : memref<1x64x128xf32, #tpu.memory_space<vmem>> -> memref<64x128xf32, #tpu.memory_space<vmem>>
      %dma_start3A_999 = arith.constant 0 : i32
      %dma_start3A_1000 = tpu.memref_slice %arg3[%dma_start3A_999, %multiple_of3A_987] : memref<64x1000000xf32, #tpu.memory_space<hbm>> -> memref<64x128xf32, #tpu.memory_space<hbm>>
      tpu.enqueue_dma source(%dma_start3A_1000 : memref<64x128xf32, #tpu.memory_space<hbm>>) target(%dma_start3A_998 : memref<64x128xf32, #tpu.memory_space<vmem>>) target_semaphore(%arg15 : memref<!tpu.dma_semaphore, #tpu.memory_space<semaphore_mem>>)
      %slice3A_1001 = vector.extract_strided_slice %get3A_368 {offsets = [6], sizes = [1], strides = [1]} : vector<16xi32> to vector<1xi32>
      %squeeze3A_1002 = vector.extract %slice3A_1001[0] : i32 from vector<1xi32>
      %add3A_1003 = arith.constant 6 : i32
      %add3A_1004 = arith.addi %mul3A_364, %add3A_1003 : i32
      %rem3A_1005 = arith.constant 128 : i32
      %rem3A_1006 = arith.remsi %squeeze3A_1002, %rem3A_1005 : i32
      %broadcast_in_dim3A_1007 = vector.broadcast %rem3A_1006 : i32 to vector<16xi32>
      %broadcast_in_dim3A_1008 = vector.broadcast %add3A_1004 : i32 to vector<16xi32>
      %dma_wait3A_1009 = arith.constant 6 : i32
      %dma_wait3A_1010 = arith.constant 0 : i32
      %dma_wait3A_1011 = arith.constant 0 : i32
      %dma_wait3A_1012 = tpu.memref_slice %arg8[%dma_wait3A_1009, %dma_wait3A_1010, %dma_wait3A_1011] : memref<8x64x128xf32, #tpu.memory_space<vmem>> -> memref<1x64x128xf32, #tpu.memory_space<vmem>>
      %dma_wait3A_1013 = tpu.memref_squeeze %dma_wait3A_1012 : memref<1x64x128xf32, #tpu.memory_space<vmem>> -> memref<64x128xf32, #tpu.memory_space<vmem>>
      %dma_wait3A_1014 = arith.constant 0 : i32
      %dma_wait3A_1015 = arith.constant 0 : i32
      %dma_wait3A_1016 = tpu.memref_slice %arg3[%dma_wait3A_1014, %dma_wait3A_1015] : memref<64x1000000xf32, #tpu.memory_space<hbm>> -> memref<64x128xf32, #tpu.memory_space<hbm>>
      %dma_wait3A_1017 = arith.constant 0 : i32
      %dma_wait3A_1018 = arith.constant 0 : i32
      %dma_wait3A_1019 = tpu.memref_slice %arg8[%dma_wait3A_1009, %dma_wait3A_1017, %dma_wait3A_1018] : memref<8x64x128xf32, #tpu.memory_space<vmem>> -> memref<1x64x128xf32, #tpu.memory_space<vmem>>
      %dma_wait3A_1020 = tpu.memref_squeeze %dma_wait3A_1019 : memref<1x64x128xf32, #tpu.memory_space<vmem>> -> memref<64x128xf32, #tpu.memory_space<vmem>>
      %dma_wait3A_1021 = arith.constant 0 : i32
      %dma_wait3A_1022 = arith.constant 0 : i32
      %dma_wait3A_1023 = tpu.memref_slice %arg3[%dma_wait3A_1021, %dma_wait3A_1022] : memref<64x1000000xf32, #tpu.memory_space<hbm>> -> memref<64x128xf32, #tpu.memory_space<hbm>>
      tpu.wait_dma2 semaphore(%arg16 : memref<!tpu.dma_semaphore, #tpu.memory_space<semaphore_mem>>) src(%dma_wait3A_1023 : memref<64x128xf32, #tpu.memory_space<hbm>>) dst(%dma_wait3A_1020 : memref<64x128xf32, #tpu.memory_space<vmem>>)
      %iota3A_1024 = tpu.iota {dimensions = array<i32: 0>} : vector<16xi32>
      %add3A_1025 = arith.constant 0 : i32
      %add3A_1026 = vector.broadcast %add3A_1025 : i32 to vector<16xi32>
      %add3A_1027 = arith.addi %iota3A_1024, %add3A_1026 : vector<16xi32>
      %gather3A_1028 = arith.constant 6 : i32
      %gather3A_1029 = arith.constant 0 : i32
      %gather3A_1030 = arith.constant 0 : i32
      %gather3A_1031 = tpu.memref_slice %arg8[%gather3A_1028, %gather3A_1029, %gather3A_1030] : memref<8x64x128xf32, #tpu.memory_space<vmem>> -> memref<1x64x128xf32, #tpu.memory_space<vmem>>
      %gather3A_1032 = tpu.memref_squeeze %gather3A_1031 : memref<1x64x128xf32, #tpu.memory_space<vmem>> -> memref<64x128xf32, #tpu.memory_space<vmem>>
      %gather3A_1033 = tpu.vector_load_idx %gather3A_1032[%add3A_1027, %broadcast_in_dim3A_1007] : memref<64x128xf32, #tpu.memory_space<vmem>>[vector<16xi32>, vector<16xi32>], vector<16xf32>,
      tpu.vector_store_idx %arg7[%add3A_1027, %broadcast_in_dim3A_1008], %gather3A_1033 {add = true} : memref<64x256xf32, #tpu.memory_space<vmem>>[vector<16xi32>, vector<16xi32>], vector<16xf32>,
      %iota3A_1034 = tpu.iota {dimensions = array<i32: 0>} : vector<16xi32>
      %add3A_1035 = arith.constant 16 : i32
      %add3A_1036 = vector.broadcast %add3A_1035 : i32 to vector<16xi32>
      %add3A_1037 = arith.addi %iota3A_1034, %add3A_1036 : vector<16xi32>
      %gather3A_1038 = arith.constant 6 : i32
      %gather3A_1039 = arith.constant 0 : i32
      %gather3A_1040 = arith.constant 0 : i32
      %gather3A_1041 = tpu.memref_slice %arg8[%gather3A_1038, %gather3A_1039, %gather3A_1040] : memref<8x64x128xf32, #tpu.memory_space<vmem>> -> memref<1x64x128xf32, #tpu.memory_space<vmem>>
      %gather3A_1042 = tpu.memref_squeeze %gather3A_1041 : memref<1x64x128xf32, #tpu.memory_space<vmem>> -> memref<64x128xf32, #tpu.memory_space<vmem>>
      %gather3A_1043 = tpu.vector_load_idx %gather3A_1042[%add3A_1037, %broadcast_in_dim3A_1007] : memref<64x128xf32, #tpu.memory_space<vmem>>[vector<16xi32>, vector<16xi32>], vector<16xf32>,
      tpu.vector_store_idx %arg7[%add3A_1037, %broadcast_in_dim3A_1008], %gather3A_1043 {add = true} : memref<64x256xf32, #tpu.memory_space<vmem>>[vector<16xi32>, vector<16xi32>], vector<16xf32>,
      %iota3A_1044 = tpu.iota {dimensions = array<i32: 0>} : vector<16xi32>
      %add3A_1045 = arith.constant 32 : i32
      %add3A_1046 = vector.broadcast %add3A_1045 : i32 to vector<16xi32>
      %add3A_1047 = arith.addi %iota3A_1044, %add3A_1046 : vector<16xi32>
      %gather3A_1048 = arith.constant 6 : i32
      %gather3A_1049 = arith.constant 0 : i32
      %gather3A_1050 = arith.constant 0 : i32
      %gather3A_1051 = tpu.memref_slice %arg8[%gather3A_1048, %gather3A_1049, %gather3A_1050] : memref<8x64x128xf32, #tpu.memory_space<vmem>> -> memref<1x64x128xf32, #tpu.memory_space<vmem>>
      %gather3A_1052 = tpu.memref_squeeze %gather3A_1051 : memref<1x64x128xf32, #tpu.memory_space<vmem>> -> memref<64x128xf32, #tpu.memory_space<vmem>>
      %gather3A_1053 = tpu.vector_load_idx %gather3A_1052[%add3A_1047, %broadcast_in_dim3A_1007] : memref<64x128xf32, #tpu.memory_space<vmem>>[vector<16xi32>, vector<16xi32>], vector<16xf32>,
      tpu.vector_store_idx %arg7[%add3A_1047, %broadcast_in_dim3A_1008], %gather3A_1053 {add = true} : memref<64x256xf32, #tpu.memory_space<vmem>>[vector<16xi32>, vector<16xi32>], vector<16xf32>,
      %iota3A_1054 = tpu.iota {dimensions = array<i32: 0>} : vector<16xi32>
      %add3A_1055 = arith.constant 48 : i32
      %add3A_1056 = vector.broadcast %add3A_1055 : i32 to vector<16xi32>
      %add3A_1057 = arith.addi %iota3A_1054, %add3A_1056 : vector<16xi32>
      %gather3A_1058 = arith.constant 6 : i32
      %gather3A_1059 = arith.constant 0 : i32
      %gather3A_1060 = arith.constant 0 : i32
      %gather3A_1061 = tpu.memref_slice %arg8[%gather3A_1058, %gather3A_1059, %gather3A_1060] : memref<8x64x128xf32, #tpu.memory_space<vmem>> -> memref<1x64x128xf32, #tpu.memory_space<vmem>>
      %gather3A_1062 = tpu.memref_squeeze %gather3A_1061 : memref<1x64x128xf32, #tpu.memory_space<vmem>> -> memref<64x128xf32, #tpu.memory_space<vmem>>
      %gather3A_1063 = tpu.vector_load_idx %gather3A_1062[%add3A_1057, %broadcast_in_dim3A_1007] : memref<64x128xf32, #tpu.memory_space<vmem>>[vector<16xi32>, vector<16xi32>], vector<16xf32>,
      tpu.vector_store_idx %arg7[%add3A_1057, %broadcast_in_dim3A_1008], %gather3A_1063 {add = true} : memref<64x256xf32, #tpu.memory_space<vmem>>[vector<16xi32>, vector<16xi32>], vector<16xf32>,
      %slice3A_1064 = vector.extract_strided_slice %get3A_368 {offsets = [14], sizes = [1], strides = [1]} : vector<16xi32> to vector<1xi32>
      %squeeze3A_1065 = vector.extract %slice3A_1064[0] : i32 from vector<1xi32>
      %jit3A_1066 = arith.constant 128 : i32
      %div3A_1067 = arith.divsi %squeeze3A_1065, %jit3A_1066 : i32
      %sign3A_1068 = arith.constant 0 : i32
      %sign3A_1069 = arith.cmpi sgt, %squeeze3A_1065, %sign3A_1068 : i32
      %sign3A_1070 = arith.extui %sign3A_1069 : i1 to i32
      %sign3A_1071 = arith.constant 0 : i32
      %sign3A_1072 = arith.cmpi slt, %squeeze3A_1065, %sign3A_1071 : i32
      %sign3A_1073 = arith.extui %sign3A_1072 : i1 to i32
      %sign3A_1074 = arith.subi %sign3A_1070, %sign3A_1073 : i32
      %sign3A_1075 = arith.constant 0 : i32
      %sign3A_1076 = arith.cmpi sgt, %jit3A_1066, %sign3A_1075 : i32
      %sign3A_1077 = arith.extui %sign3A_1076 : i1 to i32
      %sign3A_1078 = arith.constant 0 : i32
      %sign3A_1079 = arith.cmpi slt, %jit3A_1066, %sign3A_1078 : i32
      %sign3A_1080 = arith.extui %sign3A_1079 : i1 to i32
      %sign3A_1081 = arith.subi %sign3A_1077, %sign3A_1080 : i32
      %ne3A_1082 = arith.cmpi ne, %sign3A_1074, %sign3A_1081 : i32
      %rem3A_1083 = arith.remsi %squeeze3A_1065, %jit3A_1066 : i32
      %ne3A_1084 = arith.constant 0 : i32
      %ne3A_1085 = arith.cmpi ne, %rem3A_1083, %ne3A_1084 : i32
      %and3A_1086 = arith.andi %ne3A_1082, %ne3A_1085 : i1
      %sub3A_1087 = arith.constant 1 : i32
      %sub3A_1088 = arith.subi %div3A_1067, %sub3A_1087 : i32
      %select_n3A_1089 = arith.select %and3A_1086, %sub3A_1088, %div3A_1067 : i32
      %mul3A_1090 = arith.constant 128 : i32
      %mul3A_1091 = arith.muli %select_n3A_1089, %mul3A_1090 : i32
      %multiple_of3A_1092 = tpu.assume_multiple %mul3A_1091, 128 : i32
      %dma_start3A_1093 = arith.constant 6 : i32
      %dma_start3A_1094 = arith.constant 0 : i32
      %dma_start3A_1095 = arith.constant 0 : i32
      %dma_start3A_1096 = tpu.memref_slice %arg8[%dma_start3A_1093, %dma_start3A_1094, %dma_start3A_1095] : memref<8x64x128xf32, #tpu.memory_space<vmem>> -> memref<1x64x128xf32, #tpu.memory_space<vmem>>
      %dma_start3A_1097 = tpu.memref_squeeze %dma_start3A_1096 : memref<1x64x128xf32, #tpu.memory_space<vmem>> -> memref<64x128xf32, #tpu.memory_space<vmem>>
      %dma_start3A_1098 = arith.constant 0 : i32
      %dma_start3A_1099 = tpu.memref_slice %arg3[%dma_start3A_1098, %multiple_of3A_1092] : memref<64x1000000xf32, #tpu.memory_space<hbm>> -> memref<64x128xf32, #tpu.memory_space<hbm>>
      %dma_start3A_1100 = arith.constant 0 : i32
      %dma_start3A_1101 = arith.constant 0 : i32
      %dma_start3A_1102 = tpu.memref_slice %arg8[%dma_start3A_1093, %dma_start3A_1100, %dma_start3A_1101] : memref<8x64x128xf32, #tpu.memory_space<vmem>> -> memref<1x64x128xf32, #tpu.memory_space<vmem>>
      %dma_start3A_1103 = tpu.memref_squeeze %dma_start3A_1102 : memref<1x64x128xf32, #tpu.memory_space<vmem>> -> memref<64x128xf32, #tpu.memory_space<vmem>>
      %dma_start3A_1104 = arith.constant 0 : i32
      %dma_start3A_1105 = tpu.memref_slice %arg3[%dma_start3A_1104, %multiple_of3A_1092] : memref<64x1000000xf32, #tpu.memory_space<hbm>> -> memref<64x128xf32, #tpu.memory_space<hbm>>
      tpu.enqueue_dma source(%dma_start3A_1105 : memref<64x128xf32, #tpu.memory_space<hbm>>) target(%dma_start3A_1103 : memref<64x128xf32, #tpu.memory_space<vmem>>) target_semaphore(%arg16 : memref<!tpu.dma_semaphore, #tpu.memory_space<semaphore_mem>>)
      %slice3A_1106 = vector.extract_strided_slice %get3A_368 {offsets = [7], sizes = [1], strides = [1]} : vector<16xi32> to vector<1xi32>
      %squeeze3A_1107 = vector.extract %slice3A_1106[0] : i32 from vector<1xi32>
      %add3A_1108 = arith.constant 7 : i32
      %add3A_1109 = arith.addi %mul3A_364, %add3A_1108 : i32
      %rem3A_1110 = arith.constant 128 : i32
      %rem3A_1111 = arith.remsi %squeeze3A_1107, %rem3A_1110 : i32
      %broadcast_in_dim3A_1112 = vector.broadcast %rem3A_1111 : i32 to vector<16xi32>
      %broadcast_in_dim3A_1113 = vector.broadcast %add3A_1109 : i32 to vector<16xi32>
      %dma_wait3A_1114 = arith.constant 7 : i32
      %dma_wait3A_1115 = arith.constant 0 : i32
      %dma_wait3A_1116 = arith.constant 0 : i32
      %dma_wait3A_1117 = tpu.memref_slice %arg8[%dma_wait3A_1114, %dma_wait3A_1115, %dma_wait3A_1116] : memref<8x64x128xf32, #tpu.memory_space<vmem>> -> memref<1x64x128xf32, #tpu.memory_space<vmem>>
      %dma_wait3A_1118 = tpu.memref_squeeze %dma_wait3A_1117 : memref<1x64x128xf32, #tpu.memory_space<vmem>> -> memref<64x128xf32, #tpu.memory_space<vmem>>
      %dma_wait3A_1119 = arith.constant 0 : i32
      %dma_wait3A_1120 = arith.constant 0 : i32
      %dma_wait3A_1121 = tpu.memref_slice %arg3[%dma_wait3A_1119, %dma_wait3A_1120] : memref<64x1000000xf32, #tpu.memory_space<hbm>> -> memref<64x128xf32, #tpu.memory_space<hbm>>
      %dma_wait3A_1122 = arith.constant 0 : i32
      %dma_wait3A_1123 = arith.constant 0 : i32
      %dma_wait3A_1124 = tpu.memref_slice %arg8[%dma_wait3A_1114, %dma_wait3A_1122, %dma_wait3A_1123] : memref<8x64x128xf32, #tpu.memory_space<vmem>> -> memref<1x64x128xf32, #tpu.memory_space<vmem>>
      %dma_wait3A_1125 = tpu.memref_squeeze %dma_wait3A_1124 : memref<1x64x128xf32, #tpu.memory_space<vmem>> -> memref<64x128xf32, #tpu.memory_space<vmem>>
      %dma_wait3A_1126 = arith.constant 0 : i32
      %dma_wait3A_1127 = arith.constant 0 : i32
      %dma_wait3A_1128 = tpu.memref_slice %arg3[%dma_wait3A_1126, %dma_wait3A_1127] : memref<64x1000000xf32, #tpu.memory_space<hbm>> -> memref<64x128xf32, #tpu.memory_space<hbm>>
      tpu.wait_dma2 semaphore(%arg17 : memref<!tpu.dma_semaphore, #tpu.memory_space<semaphore_mem>>) src(%dma_wait3A_1128 : memref<64x128xf32, #tpu.memory_space<hbm>>) dst(%dma_wait3A_1125 : memref<64x128xf32, #tpu.memory_space<vmem>>)
      %iota3A_1129 = tpu.iota {dimensions = array<i32: 0>} : vector<16xi32>
      %add3A_1130 = arith.constant 0 : i32
      %add3A_1131 = vector.broadcast %add3A_1130 : i32 to vector<16xi32>
      %add3A_1132 = arith.addi %iota3A_1129, %add3A_1131 : vector<16xi32>
      %gather3A_1133 = arith.constant 7 : i32
      %gather3A_1134 = arith.constant 0 : i32
      %gather3A_1135 = arith.constant 0 : i32
      %gather3A_1136 = tpu.memref_slice %arg8[%gather3A_1133, %gather3A_1134, %gather3A_1135] : memref<8x64x128xf32, #tpu.memory_space<vmem>> -> memref<1x64x128xf32, #tpu.memory_space<vmem>>
      %gather3A_1137 = tpu.memref_squeeze %gather3A_1136 : memref<1x64x128xf32, #tpu.memory_space<vmem>> -> memref<64x128xf32, #tpu.memory_space<vmem>>
      %gather3A_1138 = tpu.vector_load_idx %gather3A_1137[%add3A_1132, %broadcast_in_dim3A_1112] : memref<64x128xf32, #tpu.memory_space<vmem>>[vector<16xi32>, vector<16xi32>], vector<16xf32>,
      tpu.vector_store_idx %arg7[%add3A_1132, %broadcast_in_dim3A_1113], %gather3A_1138 {add = true} : memref<64x256xf32, #tpu.memory_space<vmem>>[vector<16xi32>, vector<16xi32>], vector<16xf32>,
      %iota3A_1139 = tpu.iota {dimensions = array<i32: 0>} : vector<16xi32>
      %add3A_1140 = arith.constant 16 : i32
      %add3A_1141 = vector.broadcast %add3A_1140 : i32 to vector<16xi32>
      %add3A_1142 = arith.addi %iota3A_1139, %add3A_1141 : vector<16xi32>
      %gather3A_1143 = arith.constant 7 : i32
      %gather3A_1144 = arith.constant 0 : i32
      %gather3A_1145 = arith.constant 0 : i32
      %gather3A_1146 = tpu.memref_slice %arg8[%gather3A_1143, %gather3A_1144, %gather3A_1145] : memref<8x64x128xf32, #tpu.memory_space<vmem>> -> memref<1x64x128xf32, #tpu.memory_space<vmem>>
      %gather3A_1147 = tpu.memref_squeeze %gather3A_1146 : memref<1x64x128xf32, #tpu.memory_space<vmem>> -> memref<64x128xf32, #tpu.memory_space<vmem>>
      %gather3A_1148 = tpu.vector_load_idx %gather3A_1147[%add3A_1142, %broadcast_in_dim3A_1112] : memref<64x128xf32, #tpu.memory_space<vmem>>[vector<16xi32>, vector<16xi32>], vector<16xf32>,
      tpu.vector_store_idx %arg7[%add3A_1142, %broadcast_in_dim3A_1113], %gather3A_1148 {add = true} : memref<64x256xf32, #tpu.memory_space<vmem>>[vector<16xi32>, vector<16xi32>], vector<16xf32>,
      %iota3A_1149 = tpu.iota {dimensions = array<i32: 0>} : vector<16xi32>
      %add3A_1150 = arith.constant 32 : i32
      %add3A_1151 = vector.broadcast %add3A_1150 : i32 to vector<16xi32>
      %add3A_1152 = arith.addi %iota3A_1149, %add3A_1151 : vector<16xi32>
      %gather3A_1153 = arith.constant 7 : i32
      %gather3A_1154 = arith.constant 0 : i32
      %gather3A_1155 = arith.constant 0 : i32
      %gather3A_1156 = tpu.memref_slice %arg8[%gather3A_1153, %gather3A_1154, %gather3A_1155] : memref<8x64x128xf32, #tpu.memory_space<vmem>> -> memref<1x64x128xf32, #tpu.memory_space<vmem>>
      %gather3A_1157 = tpu.memref_squeeze %gather3A_1156 : memref<1x64x128xf32, #tpu.memory_space<vmem>> -> memref<64x128xf32, #tpu.memory_space<vmem>>
      %gather3A_1158 = tpu.vector_load_idx %gather3A_1157[%add3A_1152, %broadcast_in_dim3A_1112] : memref<64x128xf32, #tpu.memory_space<vmem>>[vector<16xi32>, vector<16xi32>], vector<16xf32>,
      tpu.vector_store_idx %arg7[%add3A_1152, %broadcast_in_dim3A_1113], %gather3A_1158 {add = true} : memref<64x256xf32, #tpu.memory_space<vmem>>[vector<16xi32>, vector<16xi32>], vector<16xf32>,
      %iota3A_1159 = tpu.iota {dimensions = array<i32: 0>} : vector<16xi32>
      %add3A_1160 = arith.constant 48 : i32
      %add3A_1161 = vector.broadcast %add3A_1160 : i32 to vector<16xi32>
      %add3A_1162 = arith.addi %iota3A_1159, %add3A_1161 : vector<16xi32>
      %gather3A_1163 = arith.constant 7 : i32
      %gather3A_1164 = arith.constant 0 : i32
      %gather3A_1165 = arith.constant 0 : i32
      %gather3A_1166 = tpu.memref_slice %arg8[%gather3A_1163, %gather3A_1164, %gather3A_1165] : memref<8x64x128xf32, #tpu.memory_space<vmem>> -> memref<1x64x128xf32, #tpu.memory_space<vmem>>
      %gather3A_1167 = tpu.memref_squeeze %gather3A_1166 : memref<1x64x128xf32, #tpu.memory_space<vmem>> -> memref<64x128xf32, #tpu.memory_space<vmem>>
      %gather3A_1168 = tpu.vector_load_idx %gather3A_1167[%add3A_1162, %broadcast_in_dim3A_1112] : memref<64x128xf32, #tpu.memory_space<vmem>>[vector<16xi32>, vector<16xi32>], vector<16xf32>,
      tpu.vector_store_idx %arg7[%add3A_1162, %broadcast_in_dim3A_1113], %gather3A_1168 {add = true} : memref<64x256xf32, #tpu.memory_space<vmem>>[vector<16xi32>, vector<16xi32>], vector<16xf32>,
      %slice3A_1169 = vector.extract_strided_slice %get3A_368 {offsets = [15], sizes = [1], strides = [1]} : vector<16xi32> to vector<1xi32>
      %squeeze3A_1170 = vector.extract %slice3A_1169[0] : i32 from vector<1xi32>
      %jit3A_1171 = arith.constant 128 : i32
      %div3A_1172 = arith.divsi %squeeze3A_1170, %jit3A_1171 : i32
      %sign3A_1173 = arith.constant 0 : i32
      %sign3A_1174 = arith.cmpi sgt, %squeeze3A_1170, %sign3A_1173 : i32
      %sign3A_1175 = arith.extui %sign3A_1174 : i1 to i32
      %sign3A_1176 = arith.constant 0 : i32
      %sign3A_1177 = arith.cmpi slt, %squeeze3A_1170, %sign3A_1176 : i32
      %sign3A_1178 = arith.extui %sign3A_1177 : i1 to i32
      %sign3A_1179 = arith.subi %sign3A_1175, %sign3A_1178 : i32
      %sign3A_1180 = arith.constant 0 : i32
      %sign3A_1181 = arith.cmpi sgt, %jit3A_1171, %sign3A_1180 : i32
      %sign3A_1182 = arith.extui %sign3A_1181 : i1 to i32
      %sign3A_1183 = arith.constant 0 : i32
      %sign3A_1184 = arith.cmpi slt, %jit3A_1171, %sign3A_1183 : i32
      %sign3A_1185 = arith.extui %sign3A_1184 : i1 to i32
      %sign3A_1186 = arith.subi %sign3A_1182, %sign3A_1185 : i32
      %ne3A_1187 = arith.cmpi ne, %sign3A_1179, %sign3A_1186 : i32
      %rem3A_1188 = arith.remsi %squeeze3A_1170, %jit3A_1171 : i32
      %ne3A_1189 = arith.constant 0 : i32
      %ne3A_1190 = arith.cmpi ne, %rem3A_1188, %ne3A_1189 : i32
      %and3A_1191 = arith.andi %ne3A_1187, %ne3A_1190 : i1
      %sub3A_1192 = arith.constant 1 : i32
      %sub3A_1193 = arith.subi %div3A_1172, %sub3A_1192 : i32
      %select_n3A_1194 = arith.select %and3A_1191, %sub3A_1193, %div3A_1172 : i32
      %mul3A_1195 = arith.constant 128 : i32
      %mul3A_1196 = arith.muli %select_n3A_1194, %mul3A_1195 : i32
      %multiple_of3A_1197 = tpu.assume_multiple %mul3A_1196, 128 : i32
      %dma_start3A_1198 = arith.constant 7 : i32
      %dma_start3A_1199 = arith.constant 0 : i32
      %dma_start3A_1200 = arith.constant 0 : i32
      %dma_start3A_1201 = tpu.memref_slice %arg8[%dma_start3A_1198, %dma_start3A_1199, %dma_start3A_1200] : memref<8x64x128xf32, #tpu.memory_space<vmem>> -> memref<1x64x128xf32, #tpu.memory_space<vmem>>
      %dma_start3A_1202 = tpu.memref_squeeze %dma_start3A_1201 : memref<1x64x128xf32, #tpu.memory_space<vmem>> -> memref<64x128xf32, #tpu.memory_space<vmem>>
      %dma_start3A_1203 = arith.constant 0 : i32
      %dma_start3A_1204 = tpu.memref_slice %arg3[%dma_start3A_1203, %multiple_of3A_1197] : memref<64x1000000xf32, #tpu.memory_space<hbm>> -> memref<64x128xf32, #tpu.memory_space<hbm>>
      %dma_start3A_1205 = arith.constant 0 : i32
      %dma_start3A_1206 = arith.constant 0 : i32
      %dma_start3A_1207 = tpu.memref_slice %arg8[%dma_start3A_1198, %dma_start3A_1205, %dma_start3A_1206] : memref<8x64x128xf32, #tpu.memory_space<vmem>> -> memref<1x64x128xf32, #tpu.memory_space<vmem>>
      %dma_start3A_1208 = tpu.memref_squeeze %dma_start3A_1207 : memref<1x64x128xf32, #tpu.memory_space<vmem>> -> memref<64x128xf32, #tpu.memory_space<vmem>>
      %dma_start3A_1209 = arith.constant 0 : i32
      %dma_start3A_1210 = tpu.memref_slice %arg3[%dma_start3A_1209, %multiple_of3A_1197] : memref<64x1000000xf32, #tpu.memory_space<hbm>> -> memref<64x128xf32, #tpu.memory_space<hbm>>
      tpu.enqueue_dma source(%dma_start3A_1210 : memref<64x128xf32, #tpu.memory_space<hbm>>) target(%dma_start3A_1208 : memref<64x128xf32, #tpu.memory_space<vmem>>) target_semaphore(%arg17 : memref<!tpu.dma_semaphore, #tpu.memory_space<semaphore_mem>>)
      %slice3A_1211 = vector.extract_strided_slice %get3A_368 {offsets = [8], sizes = [1], strides = [1]} : vector<16xi32> to vector<1xi32>
      %squeeze3A_1212 = vector.extract %slice3A_1211[0] : i32 from vector<1xi32>
      %add3A_1213 = arith.constant 8 : i32
      %add3A_1214 = arith.addi %mul3A_364, %add3A_1213 : i32
      %add3A_1215 = arith.constant 0 : i32
      %add3A_1216 = arith.addi %add3A_1214, %add3A_1215 : i32
      %rem3A_1217 = arith.constant 128 : i32
      %rem3A_1218 = arith.remsi %squeeze3A_1212, %rem3A_1217 : i32
      %broadcast_in_dim3A_1219 = vector.broadcast %rem3A_1218 : i32 to vector<16xi32>
      %broadcast_in_dim3A_1220 = vector.broadcast %add3A_1216 : i32 to vector<16xi32>
      %dma_wait3A_1221 = arith.constant 0 : i32
      %dma_wait3A_1222 = arith.constant 0 : i32
      %dma_wait3A_1223 = arith.constant 0 : i32
      %dma_wait3A_1224 = tpu.memref_slice %arg8[%dma_wait3A_1221, %dma_wait3A_1222, %dma_wait3A_1223] : memref<8x64x128xf32, #tpu.memory_space<vmem>> -> memref<1x64x128xf32, #tpu.memory_space<vmem>>
      %dma_wait3A_1225 = tpu.memref_squeeze %dma_wait3A_1224 : memref<1x64x128xf32, #tpu.memory_space<vmem>> -> memref<64x128xf32, #tpu.memory_space<vmem>>
      %dma_wait3A_1226 = arith.constant 0 : i32
      %dma_wait3A_1227 = arith.constant 0 : i32
      %dma_wait3A_1228 = tpu.memref_slice %arg3[%dma_wait3A_1226, %dma_wait3A_1227] : memref<64x1000000xf32, #tpu.memory_space<hbm>> -> memref<64x128xf32, #tpu.memory_space<hbm>>
      %dma_wait3A_1229 = arith.constant 0 : i32
      %dma_wait3A_1230 = arith.constant 0 : i32
      %dma_wait3A_1231 = tpu.memref_slice %arg8[%dma_wait3A_1221, %dma_wait3A_1229, %dma_wait3A_1230] : memref<8x64x128xf32, #tpu.memory_space<vmem>> -> memref<1x64x128xf32, #tpu.memory_space<vmem>>
      %dma_wait3A_1232 = tpu.memref_squeeze %dma_wait3A_1231 : memref<1x64x128xf32, #tpu.memory_space<vmem>> -> memref<64x128xf32, #tpu.memory_space<vmem>>
      %dma_wait3A_1233 = arith.constant 0 : i32
      %dma_wait3A_1234 = arith.constant 0 : i32
      %dma_wait3A_1235 = tpu.memref_slice %arg3[%dma_wait3A_1233, %dma_wait3A_1234] : memref<64x1000000xf32, #tpu.memory_space<hbm>> -> memref<64x128xf32, #tpu.memory_space<hbm>>
      tpu.wait_dma2 semaphore(%arg10 : memref<!tpu.dma_semaphore, #tpu.memory_space<semaphore_mem>>) src(%dma_wait3A_1235 : memref<64x128xf32, #tpu.memory_space<hbm>>) dst(%dma_wait3A_1232 : memref<64x128xf32, #tpu.memory_space<vmem>>)
      %iota3A_1236 = tpu.iota {dimensions = array<i32: 0>} : vector<16xi32>
      %add3A_1237 = arith.constant 0 : i32
      %add3A_1238 = vector.broadcast %add3A_1237 : i32 to vector<16xi32>
      %add3A_1239 = arith.addi %iota3A_1236, %add3A_1238 : vector<16xi32>
      %gather3A_1240 = arith.constant 0 : i32
      %gather3A_1241 = arith.constant 0 : i32
      %gather3A_1242 = arith.constant 0 : i32
      %gather3A_1243 = tpu.memref_slice %arg8[%gather3A_1240, %gather3A_1241, %gather3A_1242] : memref<8x64x128xf32, #tpu.memory_space<vmem>> -> memref<1x64x128xf32, #tpu.memory_space<vmem>>
      %gather3A_1244 = tpu.memref_squeeze %gather3A_1243 : memref<1x64x128xf32, #tpu.memory_space<vmem>> -> memref<64x128xf32, #tpu.memory_space<vmem>>
      %gather3A_1245 = tpu.vector_load_idx %gather3A_1244[%add3A_1239, %broadcast_in_dim3A_1219] : memref<64x128xf32, #tpu.memory_space<vmem>>[vector<16xi32>, vector<16xi32>], vector<16xf32>,
      tpu.vector_store_idx %arg7[%add3A_1239, %broadcast_in_dim3A_1220], %gather3A_1245 {add = true} : memref<64x256xf32, #tpu.memory_space<vmem>>[vector<16xi32>, vector<16xi32>], vector<16xf32>,
      %iota3A_1246 = tpu.iota {dimensions = array<i32: 0>} : vector<16xi32>
      %add3A_1247 = arith.constant 16 : i32
      %add3A_1248 = vector.broadcast %add3A_1247 : i32 to vector<16xi32>
      %add3A_1249 = arith.addi %iota3A_1246, %add3A_1248 : vector<16xi32>
      %gather3A_1250 = arith.constant 0 : i32
      %gather3A_1251 = arith.constant 0 : i32
      %gather3A_1252 = arith.constant 0 : i32
      %gather3A_1253 = tpu.memref_slice %arg8[%gather3A_1250, %gather3A_1251, %gather3A_1252] : memref<8x64x128xf32, #tpu.memory_space<vmem>> -> memref<1x64x128xf32, #tpu.memory_space<vmem>>
      %gather3A_1254 = tpu.memref_squeeze %gather3A_1253 : memref<1x64x128xf32, #tpu.memory_space<vmem>> -> memref<64x128xf32, #tpu.memory_space<vmem>>
      %gather3A_1255 = tpu.vector_load_idx %gather3A_1254[%add3A_1249, %broadcast_in_dim3A_1219] : memref<64x128xf32, #tpu.memory_space<vmem>>[vector<16xi32>, vector<16xi32>], vector<16xf32>,
      tpu.vector_store_idx %arg7[%add3A_1249, %broadcast_in_dim3A_1220], %gather3A_1255 {add = true} : memref<64x256xf32, #tpu.memory_space<vmem>>[vector<16xi32>, vector<16xi32>], vector<16xf32>,
      %iota3A_1256 = tpu.iota {dimensions = array<i32: 0>} : vector<16xi32>
      %add3A_1257 = arith.constant 32 : i32
      %add3A_1258 = vector.broadcast %add3A_1257 : i32 to vector<16xi32>
      %add3A_1259 = arith.addi %iota3A_1256, %add3A_1258 : vector<16xi32>
      %gather3A_1260 = arith.constant 0 : i32
      %gather3A_1261 = arith.constant 0 : i32
      %gather3A_1262 = arith.constant 0 : i32
      %gather3A_1263 = tpu.memref_slice %arg8[%gather3A_1260, %gather3A_1261, %gather3A_1262] : memref<8x64x128xf32, #tpu.memory_space<vmem>> -> memref<1x64x128xf32, #tpu.memory_space<vmem>>
      %gather3A_1264 = tpu.memref_squeeze %gather3A_1263 : memref<1x64x128xf32, #tpu.memory_space<vmem>> -> memref<64x128xf32, #tpu.memory_space<vmem>>
      %gather3A_1265 = tpu.vector_load_idx %gather3A_1264[%add3A_1259, %broadcast_in_dim3A_1219] : memref<64x128xf32, #tpu.memory_space<vmem>>[vector<16xi32>, vector<16xi32>], vector<16xf32>,
      tpu.vector_store_idx %arg7[%add3A_1259, %broadcast_in_dim3A_1220], %gather3A_1265 {add = true} : memref<64x256xf32, #tpu.memory_space<vmem>>[vector<16xi32>, vector<16xi32>], vector<16xf32>,
      %iota3A_1266 = tpu.iota {dimensions = array<i32: 0>} : vector<16xi32>
      %add3A_1267 = arith.constant 48 : i32
      %add3A_1268 = vector.broadcast %add3A_1267 : i32 to vector<16xi32>
      %add3A_1269 = arith.addi %iota3A_1266, %add3A_1268 : vector<16xi32>
      %gather3A_1270 = arith.constant 0 : i32
      %gather3A_1271 = arith.constant 0 : i32
      %gather3A_1272 = arith.constant 0 : i32
      %gather3A_1273 = tpu.memref_slice %arg8[%gather3A_1270, %gather3A_1271, %gather3A_1272] : memref<8x64x128xf32, #tpu.memory_space<vmem>> -> memref<1x64x128xf32, #tpu.memory_space<vmem>>
      %gather3A_1274 = tpu.memref_squeeze %gather3A_1273 : memref<1x64x128xf32, #tpu.memory_space<vmem>> -> memref<64x128xf32, #tpu.memory_space<vmem>>
      %gather3A_1275 = tpu.vector_load_idx %gather3A_1274[%add3A_1269, %broadcast_in_dim3A_1219] : memref<64x128xf32, #tpu.memory_space<vmem>>[vector<16xi32>, vector<16xi32>], vector<16xf32>,
      tpu.vector_store_idx %arg7[%add3A_1269, %broadcast_in_dim3A_1220], %gather3A_1275 {add = true} : memref<64x256xf32, #tpu.memory_space<vmem>>[vector<16xi32>, vector<16xi32>], vector<16xf32>,
      %add3A_1276 = arith.constant 16 : i32
      %add3A_1277 = arith.addi %mul3A_364, %add3A_1276 : i32
      %add3A_1278 = arith.constant 0 : i32
      %add3A_1279 = arith.addi %add3A_1277, %add3A_1278 : i32
      %lt3A = arith.constant 256 : i32
      %lt3A_1280 = arith.cmpi slt, %add3A_1279, %lt3A : i32
      %convert_element_type3A = arith.extui %lt3A_1280 : i1 to i32
      %cond3A = arith.constant 0 : i32
      %cond3A_1281 = arith.cmpi ne, %convert_element_type3A, %cond3A : i32
      scf.if %cond3A_1281 {
        %slice3A_1800 = vector.extract_strided_slice %get3A_374 {offsets = [0], sizes = [1], strides = [1]} : vector<16xi32> to vector<1xi32>
        %squeeze3A_1801 = vector.extract %slice3A_1800[0] : i32 from vector<1xi32>
        %jit3A_1802 = arith.constant 128 : i32
        %div3A_1803 = arith.divsi %squeeze3A_1801, %jit3A_1802 : i32
        %sign3A_1804 = arith.constant 0 : i32
        %sign3A_1805 = arith.cmpi sgt, %squeeze3A_1801, %sign3A_1804 : i32
        %sign3A_1806 = arith.extui %sign3A_1805 : i1 to i32
        %sign3A_1807 = arith.constant 0 : i32
        %sign3A_1808 = arith.cmpi slt, %squeeze3A_1801, %sign3A_1807 : i32
        %sign3A_1809 = arith.extui %sign3A_1808 : i1 to i32
        %sign3A_1810 = arith.subi %sign3A_1806, %sign3A_1809 : i32
        %sign3A_1811 = arith.constant 0 : i32
        %sign3A_1812 = arith.cmpi sgt, %jit3A_1802, %sign3A_1811 : i32
        %sign3A_1813 = arith.extui %sign3A_1812 : i1 to i32
        %sign3A_1814 = arith.constant 0 : i32
        %sign3A_1815 = arith.cmpi slt, %jit3A_1802, %sign3A_1814 : i32
        %sign3A_1816 = arith.extui %sign3A_1815 : i1 to i32
        %sign3A_1817 = arith.subi %sign3A_1813, %sign3A_1816 : i32
        %ne3A_1818 = arith.cmpi ne, %sign3A_1810, %sign3A_1817 : i32
        %rem3A_1819 = arith.remsi %squeeze3A_1801, %jit3A_1802 : i32
        %ne3A_1820 = arith.constant 0 : i32
        %ne3A_1821 = arith.cmpi ne, %rem3A_1819, %ne3A_1820 : i32
        %and3A_1822 = arith.andi %ne3A_1818, %ne3A_1821 : i1
        %sub3A_1823 = arith.constant 1 : i32
        %sub3A_1824 = arith.subi %div3A_1803, %sub3A_1823 : i32
        %select_n3A_1825 = arith.select %and3A_1822, %sub3A_1824, %div3A_1803 : i32
        %mul3A_1826 = arith.constant 128 : i32
        %mul3A_1827 = arith.muli %select_n3A_1825, %mul3A_1826 : i32
        %multiple_of3A_1828 = tpu.assume_multiple %mul3A_1827, 128 : i32
        %dma_start3A_1829 = arith.constant 0 : i32
        %dma_start3A_1830 = arith.constant 0 : i32
        %dma_start3A_1831 = arith.constant 0 : i32
        %dma_start3A_1832 = tpu.memref_slice %arg8[%dma_start3A_1829, %dma_start3A_1830, %dma_start3A_1831] : memref<8x64x128xf32, #tpu.memory_space<vmem>> -> memref<1x64x128xf32, #tpu.memory_space<vmem>>
        %dma_start3A_1833 = tpu.memref_squeeze %dma_start3A_1832 : memref<1x64x128xf32, #tpu.memory_space<vmem>> -> memref<64x128xf32, #tpu.memory_space<vmem>>
        %dma_start3A_1834 = arith.constant 0 : i32
        %dma_start3A_1835 = tpu.memref_slice %arg3[%dma_start3A_1834, %multiple_of3A_1828] : memref<64x1000000xf32, #tpu.memory_space<hbm>> -> memref<64x128xf32, #tpu.memory_space<hbm>>
        %dma_start3A_1836 = arith.constant 0 : i32
        %dma_start3A_1837 = arith.constant 0 : i32
        %dma_start3A_1838 = tpu.memref_slice %arg8[%dma_start3A_1829, %dma_start3A_1836, %dma_start3A_1837] : memref<8x64x128xf32, #tpu.memory_space<vmem>> -> memref<1x64x128xf32, #tpu.memory_space<vmem>>
        %dma_start3A_1839 = tpu.memref_squeeze %dma_start3A_1838 : memref<1x64x128xf32, #tpu.memory_space<vmem>> -> memref<64x128xf32, #tpu.memory_space<vmem>>
        %dma_start3A_1840 = arith.constant 0 : i32
        %dma_start3A_1841 = tpu.memref_slice %arg3[%dma_start3A_1840, %multiple_of3A_1828] : memref<64x1000000xf32, #tpu.memory_space<hbm>> -> memref<64x128xf32, #tpu.memory_space<hbm>>
        tpu.enqueue_dma source(%dma_start3A_1841 : memref<64x128xf32, #tpu.memory_space<hbm>>) target(%dma_start3A_1839 : memref<64x128xf32, #tpu.memory_space<vmem>>) target_semaphore(%arg10 : memref<!tpu.dma_semaphore, #tpu.memory_space<semaphore_mem>>)
      } else {
      }
      %slice3A_1282 = vector.extract_strided_slice %get3A_368 {offsets = [9], sizes = [1], strides = [1]} : vector<16xi32> to vector<1xi32>
      %squeeze3A_1283 = vector.extract %slice3A_1282[0] : i32 from vector<1xi32>
      %add3A_1284 = arith.constant 8 : i32
      %add3A_1285 = arith.addi %mul3A_364, %add3A_1284 : i32
      %add3A_1286 = arith.constant 1 : i32
      %add3A_1287 = arith.addi %add3A_1285, %add3A_1286 : i32
      %rem3A_1288 = arith.constant 128 : i32
      %rem3A_1289 = arith.remsi %squeeze3A_1283, %rem3A_1288 : i32
      %broadcast_in_dim3A_1290 = vector.broadcast %rem3A_1289 : i32 to vector<16xi32>
      %broadcast_in_dim3A_1291 = vector.broadcast %add3A_1287 : i32 to vector<16xi32>
      %dma_wait3A_1292 = arith.constant 1 : i32
      %dma_wait3A_1293 = arith.constant 0 : i32
      %dma_wait3A_1294 = arith.constant 0 : i32
      %dma_wait3A_1295 = tpu.memref_slice %arg8[%dma_wait3A_1292, %dma_wait3A_1293, %dma_wait3A_1294] : memref<8x64x128xf32, #tpu.memory_space<vmem>> -> memref<1x64x128xf32, #tpu.memory_space<vmem>>
      %dma_wait3A_1296 = tpu.memref_squeeze %dma_wait3A_1295 : memref<1x64x128xf32, #tpu.memory_space<vmem>> -> memref<64x128xf32, #tpu.memory_space<vmem>>
      %dma_wait3A_1297 = arith.constant 0 : i32
      %dma_wait3A_1298 = arith.constant 0 : i32
      %dma_wait3A_1299 = tpu.memref_slice %arg3[%dma_wait3A_1297, %dma_wait3A_1298] : memref<64x1000000xf32, #tpu.memory_space<hbm>> -> memref<64x128xf32, #tpu.memory_space<hbm>>
      %dma_wait3A_1300 = arith.constant 0 : i32
      %dma_wait3A_1301 = arith.constant 0 : i32
      %dma_wait3A_1302 = tpu.memref_slice %arg8[%dma_wait3A_1292, %dma_wait3A_1300, %dma_wait3A_1301] : memref<8x64x128xf32, #tpu.memory_space<vmem>> -> memref<1x64x128xf32, #tpu.memory_space<vmem>>
      %dma_wait3A_1303 = tpu.memref_squeeze %dma_wait3A_1302 : memref<1x64x128xf32, #tpu.memory_space<vmem>> -> memref<64x128xf32, #tpu.memory_space<vmem>>
      %dma_wait3A_1304 = arith.constant 0 : i32
      %dma_wait3A_1305 = arith.constant 0 : i32
      %dma_wait3A_1306 = tpu.memref_slice %arg3[%dma_wait3A_1304, %dma_wait3A_1305] : memref<64x1000000xf32, #tpu.memory_space<hbm>> -> memref<64x128xf32, #tpu.memory_space<hbm>>
      tpu.wait_dma2 semaphore(%arg11 : memref<!tpu.dma_semaphore, #tpu.memory_space<semaphore_mem>>) src(%dma_wait3A_1306 : memref<64x128xf32, #tpu.memory_space<hbm>>) dst(%dma_wait3A_1303 : memref<64x128xf32, #tpu.memory_space<vmem>>)
      %iota3A_1307 = tpu.iota {dimensions = array<i32: 0>} : vector<16xi32>
      %add3A_1308 = arith.constant 0 : i32
      %add3A_1309 = vector.broadcast %add3A_1308 : i32 to vector<16xi32>
      %add3A_1310 = arith.addi %iota3A_1307, %add3A_1309 : vector<16xi32>
      %gather3A_1311 = arith.constant 1 : i32
      %gather3A_1312 = arith.constant 0 : i32
      %gather3A_1313 = arith.constant 0 : i32
      %gather3A_1314 = tpu.memref_slice %arg8[%gather3A_1311, %gather3A_1312, %gather3A_1313] : memref<8x64x128xf32, #tpu.memory_space<vmem>> -> memref<1x64x128xf32, #tpu.memory_space<vmem>>
      %gather3A_1315 = tpu.memref_squeeze %gather3A_1314 : memref<1x64x128xf32, #tpu.memory_space<vmem>> -> memref<64x128xf32, #tpu.memory_space<vmem>>
      %gather3A_1316 = tpu.vector_load_idx %gather3A_1315[%add3A_1310, %broadcast_in_dim3A_1290] : memref<64x128xf32, #tpu.memory_space<vmem>>[vector<16xi32>, vector<16xi32>], vector<16xf32>,
      tpu.vector_store_idx %arg7[%add3A_1310, %broadcast_in_dim3A_1291], %gather3A_1316 {add = true} : memref<64x256xf32, #tpu.memory_space<vmem>>[vector<16xi32>, vector<16xi32>], vector<16xf32>,
      %iota3A_1317 = tpu.iota {dimensions = array<i32: 0>} : vector<16xi32>
      %add3A_1318 = arith.constant 16 : i32
      %add3A_1319 = vector.broadcast %add3A_1318 : i32 to vector<16xi32>
      %add3A_1320 = arith.addi %iota3A_1317, %add3A_1319 : vector<16xi32>
      %gather3A_1321 = arith.constant 1 : i32
      %gather3A_1322 = arith.constant 0 : i32
      %gather3A_1323 = arith.constant 0 : i32
      %gather3A_1324 = tpu.memref_slice %arg8[%gather3A_1321, %gather3A_1322, %gather3A_1323] : memref<8x64x128xf32, #tpu.memory_space<vmem>> -> memref<1x64x128xf32, #tpu.memory_space<vmem>>
      %gather3A_1325 = tpu.memref_squeeze %gather3A_1324 : memref<1x64x128xf32, #tpu.memory_space<vmem>> -> memref<64x128xf32, #tpu.memory_space<vmem>>
      %gather3A_1326 = tpu.vector_load_idx %gather3A_1325[%add3A_1320, %broadcast_in_dim3A_1290] : memref<64x128xf32, #tpu.memory_space<vmem>>[vector<16xi32>, vector<16xi32>], vector<16xf32>,
      tpu.vector_store_idx %arg7[%add3A_1320, %broadcast_in_dim3A_1291], %gather3A_1326 {add = true} : memref<64x256xf32, #tpu.memory_space<vmem>>[vector<16xi32>, vector<16xi32>], vector<16xf32>,
      %iota3A_1327 = tpu.iota {dimensions = array<i32: 0>} : vector<16xi32>
      %add3A_1328 = arith.constant 32 : i32
      %add3A_1329 = vector.broadcast %add3A_1328 : i32 to vector<16xi32>
      %add3A_1330 = arith.addi %iota3A_1327, %add3A_1329 : vector<16xi32>
      %gather3A_1331 = arith.constant 1 : i32
      %gather3A_1332 = arith.constant 0 : i32
      %gather3A_1333 = arith.constant 0 : i32
      %gather3A_1334 = tpu.memref_slice %arg8[%gather3A_1331, %gather3A_1332, %gather3A_1333] : memref<8x64x128xf32, #tpu.memory_space<vmem>> -> memref<1x64x128xf32, #tpu.memory_space<vmem>>
      %gather3A_1335 = tpu.memref_squeeze %gather3A_1334 : memref<1x64x128xf32, #tpu.memory_space<vmem>> -> memref<64x128xf32, #tpu.memory_space<vmem>>
      %gather3A_1336 = tpu.vector_load_idx %gather3A_1335[%add3A_1330, %broadcast_in_dim3A_1290] : memref<64x128xf32, #tpu.memory_space<vmem>>[vector<16xi32>, vector<16xi32>], vector<16xf32>,
      tpu.vector_store_idx %arg7[%add3A_1330, %broadcast_in_dim3A_1291], %gather3A_1336 {add = true} : memref<64x256xf32, #tpu.memory_space<vmem>>[vector<16xi32>, vector<16xi32>], vector<16xf32>,
      %iota3A_1337 = tpu.iota {dimensions = array<i32: 0>} : vector<16xi32>
      %add3A_1338 = arith.constant 48 : i32
      %add3A_1339 = vector.broadcast %add3A_1338 : i32 to vector<16xi32>
      %add3A_1340 = arith.addi %iota3A_1337, %add3A_1339 : vector<16xi32>
      %gather3A_1341 = arith.constant 1 : i32
      %gather3A_1342 = arith.constant 0 : i32
      %gather3A_1343 = arith.constant 0 : i32
      %gather3A_1344 = tpu.memref_slice %arg8[%gather3A_1341, %gather3A_1342, %gather3A_1343] : memref<8x64x128xf32, #tpu.memory_space<vmem>> -> memref<1x64x128xf32, #tpu.memory_space<vmem>>
      %gather3A_1345 = tpu.memref_squeeze %gather3A_1344 : memref<1x64x128xf32, #tpu.memory_space<vmem>> -> memref<64x128xf32, #tpu.memory_space<vmem>>
      %gather3A_1346 = tpu.vector_load_idx %gather3A_1345[%add3A_1340, %broadcast_in_dim3A_1290] : memref<64x128xf32, #tpu.memory_space<vmem>>[vector<16xi32>, vector<16xi32>], vector<16xf32>,
      tpu.vector_store_idx %arg7[%add3A_1340, %broadcast_in_dim3A_1291], %gather3A_1346 {add = true} : memref<64x256xf32, #tpu.memory_space<vmem>>[vector<16xi32>, vector<16xi32>], vector<16xf32>,
      %add3A_1347 = arith.constant 16 : i32
      %add3A_1348 = arith.addi %mul3A_364, %add3A_1347 : i32
      %add3A_1349 = arith.constant 1 : i32
      %add3A_1350 = arith.addi %add3A_1348, %add3A_1349 : i32
      %lt3A_1351 = arith.constant 256 : i32
      %lt3A_1352 = arith.cmpi slt, %add3A_1350, %lt3A_1351 : i32
      %convert_element_type3A_1353 = arith.extui %lt3A_1352 : i1 to i32
      %cond3A_1354 = arith.constant 0 : i32
      %cond3A_1355 = arith.cmpi ne, %convert_element_type3A_1353, %cond3A_1354 : i32
      scf.if %cond3A_1355 {
        %slice3A_1800 = vector.extract_strided_slice %get3A_374 {offsets = [1], sizes = [1], strides = [1]} : vector<16xi32> to vector<1xi32>
        %squeeze3A_1801 = vector.extract %slice3A_1800[0] : i32 from vector<1xi32>
        %jit3A_1802 = arith.constant 128 : i32
        %div3A_1803 = arith.divsi %squeeze3A_1801, %jit3A_1802 : i32
        %sign3A_1804 = arith.constant 0 : i32
        %sign3A_1805 = arith.cmpi sgt, %squeeze3A_1801, %sign3A_1804 : i32
        %sign3A_1806 = arith.extui %sign3A_1805 : i1 to i32
        %sign3A_1807 = arith.constant 0 : i32
        %sign3A_1808 = arith.cmpi slt, %squeeze3A_1801, %sign3A_1807 : i32
        %sign3A_1809 = arith.extui %sign3A_1808 : i1 to i32
        %sign3A_1810 = arith.subi %sign3A_1806, %sign3A_1809 : i32
        %sign3A_1811 = arith.constant 0 : i32
        %sign3A_1812 = arith.cmpi sgt, %jit3A_1802, %sign3A_1811 : i32
        %sign3A_1813 = arith.extui %sign3A_1812 : i1 to i32
        %sign3A_1814 = arith.constant 0 : i32
        %sign3A_1815 = arith.cmpi slt, %jit3A_1802, %sign3A_1814 : i32
        %sign3A_1816 = arith.extui %sign3A_1815 : i1 to i32
        %sign3A_1817 = arith.subi %sign3A_1813, %sign3A_1816 : i32
        %ne3A_1818 = arith.cmpi ne, %sign3A_1810, %sign3A_1817 : i32
        %rem3A_1819 = arith.remsi %squeeze3A_1801, %jit3A_1802 : i32
        %ne3A_1820 = arith.constant 0 : i32
        %ne3A_1821 = arith.cmpi ne, %rem3A_1819, %ne3A_1820 : i32
        %and3A_1822 = arith.andi %ne3A_1818, %ne3A_1821 : i1
        %sub3A_1823 = arith.constant 1 : i32
        %sub3A_1824 = arith.subi %div3A_1803, %sub3A_1823 : i32
        %select_n3A_1825 = arith.select %and3A_1822, %sub3A_1824, %div3A_1803 : i32
        %mul3A_1826 = arith.constant 128 : i32
        %mul3A_1827 = arith.muli %select_n3A_1825, %mul3A_1826 : i32
        %multiple_of3A_1828 = tpu.assume_multiple %mul3A_1827, 128 : i32
        %dma_start3A_1829 = arith.constant 1 : i32
        %dma_start3A_1830 = arith.constant 0 : i32
        %dma_start3A_1831 = arith.constant 0 : i32
        %dma_start3A_1832 = tpu.memref_slice %arg8[%dma_start3A_1829, %dma_start3A_1830, %dma_start3A_1831] : memref<8x64x128xf32, #tpu.memory_space<vmem>> -> memref<1x64x128xf32, #tpu.memory_space<vmem>>
        %dma_start3A_1833 = tpu.memref_squeeze %dma_start3A_1832 : memref<1x64x128xf32, #tpu.memory_space<vmem>> -> memref<64x128xf32, #tpu.memory_space<vmem>>
        %dma_start3A_1834 = arith.constant 0 : i32
        %dma_start3A_1835 = tpu.memref_slice %arg3[%dma_start3A_1834, %multiple_of3A_1828] : memref<64x1000000xf32, #tpu.memory_space<hbm>> -> memref<64x128xf32, #tpu.memory_space<hbm>>
        %dma_start3A_1836 = arith.constant 0 : i32
        %dma_start3A_1837 = arith.constant 0 : i32
        %dma_start3A_1838 = tpu.memref_slice %arg8[%dma_start3A_1829, %dma_start3A_1836, %dma_start3A_1837] : memref<8x64x128xf32, #tpu.memory_space<vmem>> -> memref<1x64x128xf32, #tpu.memory_space<vmem>>
        %dma_start3A_1839 = tpu.memref_squeeze %dma_start3A_1838 : memref<1x64x128xf32, #tpu.memory_space<vmem>> -> memref<64x128xf32, #tpu.memory_space<vmem>>
        %dma_start3A_1840 = arith.constant 0 : i32
        %dma_start3A_1841 = tpu.memref_slice %arg3[%dma_start3A_1840, %multiple_of3A_1828] : memref<64x1000000xf32, #tpu.memory_space<hbm>> -> memref<64x128xf32, #tpu.memory_space<hbm>>
        tpu.enqueue_dma source(%dma_start3A_1841 : memref<64x128xf32, #tpu.memory_space<hbm>>) target(%dma_start3A_1839 : memref<64x128xf32, #tpu.memory_space<vmem>>) target_semaphore(%arg11 : memref<!tpu.dma_semaphore, #tpu.memory_space<semaphore_mem>>)
      } else {
      }
      %slice3A_1356 = vector.extract_strided_slice %get3A_368 {offsets = [10], sizes = [1], strides = [1]} : vector<16xi32> to vector<1xi32>
      %squeeze3A_1357 = vector.extract %slice3A_1356[0] : i32 from vector<1xi32>
      %add3A_1358 = arith.constant 8 : i32
      %add3A_1359 = arith.addi %mul3A_364, %add3A_1358 : i32
      %add3A_1360 = arith.constant 2 : i32
      %add3A_1361 = arith.addi %add3A_1359, %add3A_1360 : i32
      %rem3A_1362 = arith.constant 128 : i32
      %rem3A_1363 = arith.remsi %squeeze3A_1357, %rem3A_1362 : i32
      %broadcast_in_dim3A_1364 = vector.broadcast %rem3A_1363 : i32 to vector<16xi32>
      %broadcast_in_dim3A_1365 = vector.broadcast %add3A_1361 : i32 to vector<16xi32>
      %dma_wait3A_1366 = arith.constant 2 : i32
      %dma_wait3A_1367 = arith.constant 0 : i32
      %dma_wait3A_1368 = arith.constant 0 : i32
      %dma_wait3A_1369 = tpu.memref_slice %arg8[%dma_wait3A_1366, %dma_wait3A_1367, %dma_wait3A_1368] : memref<8x64x128xf32, #tpu.memory_space<vmem>> -> memref<1x64x128xf32, #tpu.memory_space<vmem>>
      %dma_wait3A_1370 = tpu.memref_squeeze %dma_wait3A_1369 : memref<1x64x128xf32, #tpu.memory_space<vmem>> -> memref<64x128xf32, #tpu.memory_space<vmem>>
      %dma_wait3A_1371 = arith.constant 0 : i32
      %dma_wait3A_1372 = arith.constant 0 : i32
      %dma_wait3A_1373 = tpu.memref_slice %arg3[%dma_wait3A_1371, %dma_wait3A_1372] : memref<64x1000000xf32, #tpu.memory_space<hbm>> -> memref<64x128xf32, #tpu.memory_space<hbm>>
      %dma_wait3A_1374 = arith.constant 0 : i32
      %dma_wait3A_1375 = arith.constant 0 : i32
      %dma_wait3A_1376 = tpu.memref_slice %arg8[%dma_wait3A_1366, %dma_wait3A_1374, %dma_wait3A_1375] : memref<8x64x128xf32, #tpu.memory_space<vmem>> -> memref<1x64x128xf32, #tpu.memory_space<vmem>>
      %dma_wait3A_1377 = tpu.memref_squeeze %dma_wait3A_1376 : memref<1x64x128xf32, #tpu.memory_space<vmem>> -> memref<64x128xf32, #tpu.memory_space<vmem>>
      %dma_wait3A_1378 = arith.constant 0 : i32
      %dma_wait3A_1379 = arith.constant 0 : i32
      %dma_wait3A_1380 = tpu.memref_slice %arg3[%dma_wait3A_1378, %dma_wait3A_1379] : memref<64x1000000xf32, #tpu.memory_space<hbm>> -> memref<64x128xf32, #tpu.memory_space<hbm>>
      tpu.wait_dma2 semaphore(%arg12 : memref<!tpu.dma_semaphore, #tpu.memory_space<semaphore_mem>>) src(%dma_wait3A_1380 : memref<64x128xf32, #tpu.memory_space<hbm>>) dst(%dma_wait3A_1377 : memref<64x128xf32, #tpu.memory_space<vmem>>)
      %iota3A_1381 = tpu.iota {dimensions = array<i32: 0>} : vector<16xi32>
      %add3A_1382 = arith.constant 0 : i32
      %add3A_1383 = vector.broadcast %add3A_1382 : i32 to vector<16xi32>
      %add3A_1384 = arith.addi %iota3A_1381, %add3A_1383 : vector<16xi32>
      %gather3A_1385 = arith.constant 2 : i32
      %gather3A_1386 = arith.constant 0 : i32
      %gather3A_1387 = arith.constant 0 : i32
      %gather3A_1388 = tpu.memref_slice %arg8[%gather3A_1385, %gather3A_1386, %gather3A_1387] : memref<8x64x128xf32, #tpu.memory_space<vmem>> -> memref<1x64x128xf32, #tpu.memory_space<vmem>>
      %gather3A_1389 = tpu.memref_squeeze %gather3A_1388 : memref<1x64x128xf32, #tpu.memory_space<vmem>> -> memref<64x128xf32, #tpu.memory_space<vmem>>
      %gather3A_1390 = tpu.vector_load_idx %gather3A_1389[%add3A_1384, %broadcast_in_dim3A_1364] : memref<64x128xf32, #tpu.memory_space<vmem>>[vector<16xi32>, vector<16xi32>], vector<16xf32>,
      tpu.vector_store_idx %arg7[%add3A_1384, %broadcast_in_dim3A_1365], %gather3A_1390 {add = true} : memref<64x256xf32, #tpu.memory_space<vmem>>[vector<16xi32>, vector<16xi32>], vector<16xf32>,
      %iota3A_1391 = tpu.iota {dimensions = array<i32: 0>} : vector<16xi32>
      %add3A_1392 = arith.constant 16 : i32
      %add3A_1393 = vector.broadcast %add3A_1392 : i32 to vector<16xi32>
      %add3A_1394 = arith.addi %iota3A_1391, %add3A_1393 : vector<16xi32>
      %gather3A_1395 = arith.constant 2 : i32
      %gather3A_1396 = arith.constant 0 : i32
      %gather3A_1397 = arith.constant 0 : i32
      %gather3A_1398 = tpu.memref_slice %arg8[%gather3A_1395, %gather3A_1396, %gather3A_1397] : memref<8x64x128xf32, #tpu.memory_space<vmem>> -> memref<1x64x128xf32, #tpu.memory_space<vmem>>
      %gather3A_1399 = tpu.memref_squeeze %gather3A_1398 : memref<1x64x128xf32, #tpu.memory_space<vmem>> -> memref<64x128xf32, #tpu.memory_space<vmem>>
      %gather3A_1400 = tpu.vector_load_idx %gather3A_1399[%add3A_1394, %broadcast_in_dim3A_1364] : memref<64x128xf32, #tpu.memory_space<vmem>>[vector<16xi32>, vector<16xi32>], vector<16xf32>,
      tpu.vector_store_idx %arg7[%add3A_1394, %broadcast_in_dim3A_1365], %gather3A_1400 {add = true} : memref<64x256xf32, #tpu.memory_space<vmem>>[vector<16xi32>, vector<16xi32>], vector<16xf32>,
      %iota3A_1401 = tpu.iota {dimensions = array<i32: 0>} : vector<16xi32>
      %add3A_1402 = arith.constant 32 : i32
      %add3A_1403 = vector.broadcast %add3A_1402 : i32 to vector<16xi32>
      %add3A_1404 = arith.addi %iota3A_1401, %add3A_1403 : vector<16xi32>
      %gather3A_1405 = arith.constant 2 : i32
      %gather3A_1406 = arith.constant 0 : i32
      %gather3A_1407 = arith.constant 0 : i32
      %gather3A_1408 = tpu.memref_slice %arg8[%gather3A_1405, %gather3A_1406, %gather3A_1407] : memref<8x64x128xf32, #tpu.memory_space<vmem>> -> memref<1x64x128xf32, #tpu.memory_space<vmem>>
      %gather3A_1409 = tpu.memref_squeeze %gather3A_1408 : memref<1x64x128xf32, #tpu.memory_space<vmem>> -> memref<64x128xf32, #tpu.memory_space<vmem>>
      %gather3A_1410 = tpu.vector_load_idx %gather3A_1409[%add3A_1404, %broadcast_in_dim3A_1364] : memref<64x128xf32, #tpu.memory_space<vmem>>[vector<16xi32>, vector<16xi32>], vector<16xf32>,
      tpu.vector_store_idx %arg7[%add3A_1404, %broadcast_in_dim3A_1365], %gather3A_1410 {add = true} : memref<64x256xf32, #tpu.memory_space<vmem>>[vector<16xi32>, vector<16xi32>], vector<16xf32>,
      %iota3A_1411 = tpu.iota {dimensions = array<i32: 0>} : vector<16xi32>
      %add3A_1412 = arith.constant 48 : i32
      %add3A_1413 = vector.broadcast %add3A_1412 : i32 to vector<16xi32>
      %add3A_1414 = arith.addi %iota3A_1411, %add3A_1413 : vector<16xi32>
      %gather3A_1415 = arith.constant 2 : i32
      %gather3A_1416 = arith.constant 0 : i32
      %gather3A_1417 = arith.constant 0 : i32
      %gather3A_1418 = tpu.memref_slice %arg8[%gather3A_1415, %gather3A_1416, %gather3A_1417] : memref<8x64x128xf32, #tpu.memory_space<vmem>> -> memref<1x64x128xf32, #tpu.memory_space<vmem>>
      %gather3A_1419 = tpu.memref_squeeze %gather3A_1418 : memref<1x64x128xf32, #tpu.memory_space<vmem>> -> memref<64x128xf32, #tpu.memory_space<vmem>>
      %gather3A_1420 = tpu.vector_load_idx %gather3A_1419[%add3A_1414, %broadcast_in_dim3A_1364] : memref<64x128xf32, #tpu.memory_space<vmem>>[vector<16xi32>, vector<16xi32>], vector<16xf32>,
      tpu.vector_store_idx %arg7[%add3A_1414, %broadcast_in_dim3A_1365], %gather3A_1420 {add = true} : memref<64x256xf32, #tpu.memory_space<vmem>>[vector<16xi32>, vector<16xi32>], vector<16xf32>,
      %add3A_1421 = arith.constant 16 : i32
      %add3A_1422 = arith.addi %mul3A_364, %add3A_1421 : i32
      %add3A_1423 = arith.constant 2 : i32
      %add3A_1424 = arith.addi %add3A_1422, %add3A_1423 : i32
      %lt3A_1425 = arith.constant 256 : i32
      %lt3A_1426 = arith.cmpi slt, %add3A_1424, %lt3A_1425 : i32
      %convert_element_type3A_1427 = arith.extui %lt3A_1426 : i1 to i32
      %cond3A_1428 = arith.constant 0 : i32
      %cond3A_1429 = arith.cmpi ne, %convert_element_type3A_1427, %cond3A_1428 : i32
      scf.if %cond3A_1429 {
        %slice3A_1800 = vector.extract_strided_slice %get3A_374 {offsets = [2], sizes = [1], strides = [1]} : vector<16xi32> to vector<1xi32>
        %squeeze3A_1801 = vector.extract %slice3A_1800[0] : i32 from vector<1xi32>
        %jit3A_1802 = arith.constant 128 : i32
        %div3A_1803 = arith.divsi %squeeze3A_1801, %jit3A_1802 : i32
        %sign3A_1804 = arith.constant 0 : i32
        %sign3A_1805 = arith.cmpi sgt, %squeeze3A_1801, %sign3A_1804 : i32
        %sign3A_1806 = arith.extui %sign3A_1805 : i1 to i32
        %sign3A_1807 = arith.constant 0 : i32
        %sign3A_1808 = arith.cmpi slt, %squeeze3A_1801, %sign3A_1807 : i32
        %sign3A_1809 = arith.extui %sign3A_1808 : i1 to i32
        %sign3A_1810 = arith.subi %sign3A_1806, %sign3A_1809 : i32
        %sign3A_1811 = arith.constant 0 : i32
        %sign3A_1812 = arith.cmpi sgt, %jit3A_1802, %sign3A_1811 : i32
        %sign3A_1813 = arith.extui %sign3A_1812 : i1 to i32
        %sign3A_1814 = arith.constant 0 : i32
        %sign3A_1815 = arith.cmpi slt, %jit3A_1802, %sign3A_1814 : i32
        %sign3A_1816 = arith.extui %sign3A_1815 : i1 to i32
        %sign3A_1817 = arith.subi %sign3A_1813, %sign3A_1816 : i32
        %ne3A_1818 = arith.cmpi ne, %sign3A_1810, %sign3A_1817 : i32
        %rem3A_1819 = arith.remsi %squeeze3A_1801, %jit3A_1802 : i32
        %ne3A_1820 = arith.constant 0 : i32
        %ne3A_1821 = arith.cmpi ne, %rem3A_1819, %ne3A_1820 : i32
        %and3A_1822 = arith.andi %ne3A_1818, %ne3A_1821 : i1
        %sub3A_1823 = arith.constant 1 : i32
        %sub3A_1824 = arith.subi %div3A_1803, %sub3A_1823 : i32
        %select_n3A_1825 = arith.select %and3A_1822, %sub3A_1824, %div3A_1803 : i32
        %mul3A_1826 = arith.constant 128 : i32
        %mul3A_1827 = arith.muli %select_n3A_1825, %mul3A_1826 : i32
        %multiple_of3A_1828 = tpu.assume_multiple %mul3A_1827, 128 : i32
        %dma_start3A_1829 = arith.constant 2 : i32
        %dma_start3A_1830 = arith.constant 0 : i32
        %dma_start3A_1831 = arith.constant 0 : i32
        %dma_start3A_1832 = tpu.memref_slice %arg8[%dma_start3A_1829, %dma_start3A_1830, %dma_start3A_1831] : memref<8x64x128xf32, #tpu.memory_space<vmem>> -> memref<1x64x128xf32, #tpu.memory_space<vmem>>
        %dma_start3A_1833 = tpu.memref_squeeze %dma_start3A_1832 : memref<1x64x128xf32, #tpu.memory_space<vmem>> -> memref<64x128xf32, #tpu.memory_space<vmem>>
        %dma_start3A_1834 = arith.constant 0 : i32
        %dma_start3A_1835 = tpu.memref_slice %arg3[%dma_start3A_1834, %multiple_of3A_1828] : memref<64x1000000xf32, #tpu.memory_space<hbm>> -> memref<64x128xf32, #tpu.memory_space<hbm>>
        %dma_start3A_1836 = arith.constant 0 : i32
        %dma_start3A_1837 = arith.constant 0 : i32
        %dma_start3A_1838 = tpu.memref_slice %arg8[%dma_start3A_1829, %dma_start3A_1836, %dma_start3A_1837] : memref<8x64x128xf32, #tpu.memory_space<vmem>> -> memref<1x64x128xf32, #tpu.memory_space<vmem>>
        %dma_start3A_1839 = tpu.memref_squeeze %dma_start3A_1838 : memref<1x64x128xf32, #tpu.memory_space<vmem>> -> memref<64x128xf32, #tpu.memory_space<vmem>>
        %dma_start3A_1840 = arith.constant 0 : i32
        %dma_start3A_1841 = tpu.memref_slice %arg3[%dma_start3A_1840, %multiple_of3A_1828] : memref<64x1000000xf32, #tpu.memory_space<hbm>> -> memref<64x128xf32, #tpu.memory_space<hbm>>
        tpu.enqueue_dma source(%dma_start3A_1841 : memref<64x128xf32, #tpu.memory_space<hbm>>) target(%dma_start3A_1839 : memref<64x128xf32, #tpu.memory_space<vmem>>) target_semaphore(%arg12 : memref<!tpu.dma_semaphore, #tpu.memory_space<semaphore_mem>>)
      } else {
      }
      %slice3A_1430 = vector.extract_strided_slice %get3A_368 {offsets = [11], sizes = [1], strides = [1]} : vector<16xi32> to vector<1xi32>
      %squeeze3A_1431 = vector.extract %slice3A_1430[0] : i32 from vector<1xi32>
      %add3A_1432 = arith.constant 8 : i32
      %add3A_1433 = arith.addi %mul3A_364, %add3A_1432 : i32
      %add3A_1434 = arith.constant 3 : i32
      %add3A_1435 = arith.addi %add3A_1433, %add3A_1434 : i32
      %rem3A_1436 = arith.constant 128 : i32
      %rem3A_1437 = arith.remsi %squeeze3A_1431, %rem3A_1436 : i32
      %broadcast_in_dim3A_1438 = vector.broadcast %rem3A_1437 : i32 to vector<16xi32>
      %broadcast_in_dim3A_1439 = vector.broadcast %add3A_1435 : i32 to vector<16xi32>
      %dma_wait3A_1440 = arith.constant 3 : i32
      %dma_wait3A_1441 = arith.constant 0 : i32
      %dma_wait3A_1442 = arith.constant 0 : i32
      %dma_wait3A_1443 = tpu.memref_slice %arg8[%dma_wait3A_1440, %dma_wait3A_1441, %dma_wait3A_1442] : memref<8x64x128xf32, #tpu.memory_space<vmem>> -> memref<1x64x128xf32, #tpu.memory_space<vmem>>
      %dma_wait3A_1444 = tpu.memref_squeeze %dma_wait3A_1443 : memref<1x64x128xf32, #tpu.memory_space<vmem>> -> memref<64x128xf32, #tpu.memory_space<vmem>>
      %dma_wait3A_1445 = arith.constant 0 : i32
      %dma_wait3A_1446 = arith.constant 0 : i32
      %dma_wait3A_1447 = tpu.memref_slice %arg3[%dma_wait3A_1445, %dma_wait3A_1446] : memref<64x1000000xf32, #tpu.memory_space<hbm>> -> memref<64x128xf32, #tpu.memory_space<hbm>>
      %dma_wait3A_1448 = arith.constant 0 : i32
      %dma_wait3A_1449 = arith.constant 0 : i32
      %dma_wait3A_1450 = tpu.memref_slice %arg8[%dma_wait3A_1440, %dma_wait3A_1448, %dma_wait3A_1449] : memref<8x64x128xf32, #tpu.memory_space<vmem>> -> memref<1x64x128xf32, #tpu.memory_space<vmem>>
      %dma_wait3A_1451 = tpu.memref_squeeze %dma_wait3A_1450 : memref<1x64x128xf32, #tpu.memory_space<vmem>> -> memref<64x128xf32, #tpu.memory_space<vmem>>
      %dma_wait3A_1452 = arith.constant 0 : i32
      %dma_wait3A_1453 = arith.constant 0 : i32
      %dma_wait3A_1454 = tpu.memref_slice %arg3[%dma_wait3A_1452, %dma_wait3A_1453] : memref<64x1000000xf32, #tpu.memory_space<hbm>> -> memref<64x128xf32, #tpu.memory_space<hbm>>
      tpu.wait_dma2 semaphore(%arg13 : memref<!tpu.dma_semaphore, #tpu.memory_space<semaphore_mem>>) src(%dma_wait3A_1454 : memref<64x128xf32, #tpu.memory_space<hbm>>) dst(%dma_wait3A_1451 : memref<64x128xf32, #tpu.memory_space<vmem>>)
      %iota3A_1455 = tpu.iota {dimensions = array<i32: 0>} : vector<16xi32>
      %add3A_1456 = arith.constant 0 : i32
      %add3A_1457 = vector.broadcast %add3A_1456 : i32 to vector<16xi32>
      %add3A_1458 = arith.addi %iota3A_1455, %add3A_1457 : vector<16xi32>
      %gather3A_1459 = arith.constant 3 : i32
      %gather3A_1460 = arith.constant 0 : i32
      %gather3A_1461 = arith.constant 0 : i32
      %gather3A_1462 = tpu.memref_slice %arg8[%gather3A_1459, %gather3A_1460, %gather3A_1461] : memref<8x64x128xf32, #tpu.memory_space<vmem>> -> memref<1x64x128xf32, #tpu.memory_space<vmem>>
      %gather3A_1463 = tpu.memref_squeeze %gather3A_1462 : memref<1x64x128xf32, #tpu.memory_space<vmem>> -> memref<64x128xf32, #tpu.memory_space<vmem>>
      %gather3A_1464 = tpu.vector_load_idx %gather3A_1463[%add3A_1458, %broadcast_in_dim3A_1438] : memref<64x128xf32, #tpu.memory_space<vmem>>[vector<16xi32>, vector<16xi32>], vector<16xf32>,
      tpu.vector_store_idx %arg7[%add3A_1458, %broadcast_in_dim3A_1439], %gather3A_1464 {add = true} : memref<64x256xf32, #tpu.memory_space<vmem>>[vector<16xi32>, vector<16xi32>], vector<16xf32>,
      %iota3A_1465 = tpu.iota {dimensions = array<i32: 0>} : vector<16xi32>
      %add3A_1466 = arith.constant 16 : i32
      %add3A_1467 = vector.broadcast %add3A_1466 : i32 to vector<16xi32>
      %add3A_1468 = arith.addi %iota3A_1465, %add3A_1467 : vector<16xi32>
      %gather3A_1469 = arith.constant 3 : i32
      %gather3A_1470 = arith.constant 0 : i32
      %gather3A_1471 = arith.constant 0 : i32
      %gather3A_1472 = tpu.memref_slice %arg8[%gather3A_1469, %gather3A_1470, %gather3A_1471] : memref<8x64x128xf32, #tpu.memory_space<vmem>> -> memref<1x64x128xf32, #tpu.memory_space<vmem>>
      %gather3A_1473 = tpu.memref_squeeze %gather3A_1472 : memref<1x64x128xf32, #tpu.memory_space<vmem>> -> memref<64x128xf32, #tpu.memory_space<vmem>>
      %gather3A_1474 = tpu.vector_load_idx %gather3A_1473[%add3A_1468, %broadcast_in_dim3A_1438] : memref<64x128xf32, #tpu.memory_space<vmem>>[vector<16xi32>, vector<16xi32>], vector<16xf32>,
      tpu.vector_store_idx %arg7[%add3A_1468, %broadcast_in_dim3A_1439], %gather3A_1474 {add = true} : memref<64x256xf32, #tpu.memory_space<vmem>>[vector<16xi32>, vector<16xi32>], vector<16xf32>,
      %iota3A_1475 = tpu.iota {dimensions = array<i32: 0>} : vector<16xi32>
      %add3A_1476 = arith.constant 32 : i32
      %add3A_1477 = vector.broadcast %add3A_1476 : i32 to vector<16xi32>
      %add3A_1478 = arith.addi %iota3A_1475, %add3A_1477 : vector<16xi32>
      %gather3A_1479 = arith.constant 3 : i32
      %gather3A_1480 = arith.constant 0 : i32
      %gather3A_1481 = arith.constant 0 : i32
      %gather3A_1482 = tpu.memref_slice %arg8[%gather3A_1479, %gather3A_1480, %gather3A_1481] : memref<8x64x128xf32, #tpu.memory_space<vmem>> -> memref<1x64x128xf32, #tpu.memory_space<vmem>>
      %gather3A_1483 = tpu.memref_squeeze %gather3A_1482 : memref<1x64x128xf32, #tpu.memory_space<vmem>> -> memref<64x128xf32, #tpu.memory_space<vmem>>
      %gather3A_1484 = tpu.vector_load_idx %gather3A_1483[%add3A_1478, %broadcast_in_dim3A_1438] : memref<64x128xf32, #tpu.memory_space<vmem>>[vector<16xi32>, vector<16xi32>], vector<16xf32>,
      tpu.vector_store_idx %arg7[%add3A_1478, %broadcast_in_dim3A_1439], %gather3A_1484 {add = true} : memref<64x256xf32, #tpu.memory_space<vmem>>[vector<16xi32>, vector<16xi32>], vector<16xf32>,
      %iota3A_1485 = tpu.iota {dimensions = array<i32: 0>} : vector<16xi32>
      %add3A_1486 = arith.constant 48 : i32
      %add3A_1487 = vector.broadcast %add3A_1486 : i32 to vector<16xi32>
      %add3A_1488 = arith.addi %iota3A_1485, %add3A_1487 : vector<16xi32>
      %gather3A_1489 = arith.constant 3 : i32
      %gather3A_1490 = arith.constant 0 : i32
      %gather3A_1491 = arith.constant 0 : i32
      %gather3A_1492 = tpu.memref_slice %arg8[%gather3A_1489, %gather3A_1490, %gather3A_1491] : memref<8x64x128xf32, #tpu.memory_space<vmem>> -> memref<1x64x128xf32, #tpu.memory_space<vmem>>
      %gather3A_1493 = tpu.memref_squeeze %gather3A_1492 : memref<1x64x128xf32, #tpu.memory_space<vmem>> -> memref<64x128xf32, #tpu.memory_space<vmem>>
      %gather3A_1494 = tpu.vector_load_idx %gather3A_1493[%add3A_1488, %broadcast_in_dim3A_1438] : memref<64x128xf32, #tpu.memory_space<vmem>>[vector<16xi32>, vector<16xi32>], vector<16xf32>,
      tpu.vector_store_idx %arg7[%add3A_1488, %broadcast_in_dim3A_1439], %gather3A_1494 {add = true} : memref<64x256xf32, #tpu.memory_space<vmem>>[vector<16xi32>, vector<16xi32>], vector<16xf32>,
      %add3A_1495 = arith.constant 16 : i32
      %add3A_1496 = arith.addi %mul3A_364, %add3A_1495 : i32
      %add3A_1497 = arith.constant 3 : i32
      %add3A_1498 = arith.addi %add3A_1496, %add3A_1497 : i32
      %lt3A_1499 = arith.constant 256 : i32
      %lt3A_1500 = arith.cmpi slt, %add3A_1498, %lt3A_1499 : i32
      %convert_element_type3A_1501 = arith.extui %lt3A_1500 : i1 to i32
      %cond3A_1502 = arith.constant 0 : i32
      %cond3A_1503 = arith.cmpi ne, %convert_element_type3A_1501, %cond3A_1502 : i32
      scf.if %cond3A_1503 {
        %slice3A_1800 = vector.extract_strided_slice %get3A_374 {offsets = [3], sizes = [1], strides = [1]} : vector<16xi32> to vector<1xi32>
        %squeeze3A_1801 = vector.extract %slice3A_1800[0] : i32 from vector<1xi32>
        %jit3A_1802 = arith.constant 128 : i32
        %div3A_1803 = arith.divsi %squeeze3A_1801, %jit3A_1802 : i32
        %sign3A_1804 = arith.constant 0 : i32
        %sign3A_1805 = arith.cmpi sgt, %squeeze3A_1801, %sign3A_1804 : i32
        %sign3A_1806 = arith.extui %sign3A_1805 : i1 to i32
        %sign3A_1807 = arith.constant 0 : i32
        %sign3A_1808 = arith.cmpi slt, %squeeze3A_1801, %sign3A_1807 : i32
        %sign3A_1809 = arith.extui %sign3A_1808 : i1 to i32
        %sign3A_1810 = arith.subi %sign3A_1806, %sign3A_1809 : i32
        %sign3A_1811 = arith.constant 0 : i32
        %sign3A_1812 = arith.cmpi sgt, %jit3A_1802, %sign3A_1811 : i32
        %sign3A_1813 = arith.extui %sign3A_1812 : i1 to i32
        %sign3A_1814 = arith.constant 0 : i32
        %sign3A_1815 = arith.cmpi slt, %jit3A_1802, %sign3A_1814 : i32
        %sign3A_1816 = arith.extui %sign3A_1815 : i1 to i32
        %sign3A_1817 = arith.subi %sign3A_1813, %sign3A_1816 : i32
        %ne3A_1818 = arith.cmpi ne, %sign3A_1810, %sign3A_1817 : i32
        %rem3A_1819 = arith.remsi %squeeze3A_1801, %jit3A_1802 : i32
        %ne3A_1820 = arith.constant 0 : i32
        %ne3A_1821 = arith.cmpi ne, %rem3A_1819, %ne3A_1820 : i32
        %and3A_1822 = arith.andi %ne3A_1818, %ne3A_1821 : i1
        %sub3A_1823 = arith.constant 1 : i32
        %sub3A_1824 = arith.subi %div3A_1803, %sub3A_1823 : i32
        %select_n3A_1825 = arith.select %and3A_1822, %sub3A_1824, %div3A_1803 : i32
        %mul3A_1826 = arith.constant 128 : i32
        %mul3A_1827 = arith.muli %select_n3A_1825, %mul3A_1826 : i32
        %multiple_of3A_1828 = tpu.assume_multiple %mul3A_1827, 128 : i32
        %dma_start3A_1829 = arith.constant 3 : i32
        %dma_start3A_1830 = arith.constant 0 : i32
        %dma_start3A_1831 = arith.constant 0 : i32
        %dma_start3A_1832 = tpu.memref_slice %arg8[%dma_start3A_1829, %dma_start3A_1830, %dma_start3A_1831] : memref<8x64x128xf32, #tpu.memory_space<vmem>> -> memref<1x64x128xf32, #tpu.memory_space<vmem>>
        %dma_start3A_1833 = tpu.memref_squeeze %dma_start3A_1832 : memref<1x64x128xf32, #tpu.memory_space<vmem>> -> memref<64x128xf32, #tpu.memory_space<vmem>>
        %dma_start3A_1834 = arith.constant 0 : i32
        %dma_start3A_1835 = tpu.memref_slice %arg3[%dma_start3A_1834, %multiple_of3A_1828] : memref<64x1000000xf32, #tpu.memory_space<hbm>> -> memref<64x128xf32, #tpu.memory_space<hbm>>
        %dma_start3A_1836 = arith.constant 0 : i32
        %dma_start3A_1837 = arith.constant 0 : i32
        %dma_start3A_1838 = tpu.memref_slice %arg8[%dma_start3A_1829, %dma_start3A_1836, %dma_start3A_1837] : memref<8x64x128xf32, #tpu.memory_space<vmem>> -> memref<1x64x128xf32, #tpu.memory_space<vmem>>
        %dma_start3A_1839 = tpu.memref_squeeze %dma_start3A_1838 : memref<1x64x128xf32, #tpu.memory_space<vmem>> -> memref<64x128xf32, #tpu.memory_space<vmem>>
        %dma_start3A_1840 = arith.constant 0 : i32
        %dma_start3A_1841 = tpu.memref_slice %arg3[%dma_start3A_1840, %multiple_of3A_1828] : memref<64x1000000xf32, #tpu.memory_space<hbm>> -> memref<64x128xf32, #tpu.memory_space<hbm>>
        tpu.enqueue_dma source(%dma_start3A_1841 : memref<64x128xf32, #tpu.memory_space<hbm>>) target(%dma_start3A_1839 : memref<64x128xf32, #tpu.memory_space<vmem>>) target_semaphore(%arg13 : memref<!tpu.dma_semaphore, #tpu.memory_space<semaphore_mem>>)
      } else {
      }
      %slice3A_1504 = vector.extract_strided_slice %get3A_368 {offsets = [12], sizes = [1], strides = [1]} : vector<16xi32> to vector<1xi32>
      %squeeze3A_1505 = vector.extract %slice3A_1504[0] : i32 from vector<1xi32>
      %add3A_1506 = arith.constant 8 : i32
      %add3A_1507 = arith.addi %mul3A_364, %add3A_1506 : i32
      %add3A_1508 = arith.constant 4 : i32
      %add3A_1509 = arith.addi %add3A_1507, %add3A_1508 : i32
      %rem3A_1510 = arith.constant 128 : i32
      %rem3A_1511 = arith.remsi %squeeze3A_1505, %rem3A_1510 : i32
      %broadcast_in_dim3A_1512 = vector.broadcast %rem3A_1511 : i32 to vector<16xi32>
      %broadcast_in_dim3A_1513 = vector.broadcast %add3A_1509 : i32 to vector<16xi32>
      %dma_wait3A_1514 = arith.constant 4 : i32
      %dma_wait3A_1515 = arith.constant 0 : i32
      %dma_wait3A_1516 = arith.constant 0 : i32
      %dma_wait3A_1517 = tpu.memref_slice %arg8[%dma_wait3A_1514, %dma_wait3A_1515, %dma_wait3A_1516] : memref<8x64x128xf32, #tpu.memory_space<vmem>> -> memref<1x64x128xf32, #tpu.memory_space<vmem>>
      %dma_wait3A_1518 = tpu.memref_squeeze %dma_wait3A_1517 : memref<1x64x128xf32, #tpu.memory_space<vmem>> -> memref<64x128xf32, #tpu.memory_space<vmem>>
      %dma_wait3A_1519 = arith.constant 0 : i32
      %dma_wait3A_1520 = arith.constant 0 : i32
      %dma_wait3A_1521 = tpu.memref_slice %arg3[%dma_wait3A_1519, %dma_wait3A_1520] : memref<64x1000000xf32, #tpu.memory_space<hbm>> -> memref<64x128xf32, #tpu.memory_space<hbm>>
      %dma_wait3A_1522 = arith.constant 0 : i32
      %dma_wait3A_1523 = arith.constant 0 : i32
      %dma_wait3A_1524 = tpu.memref_slice %arg8[%dma_wait3A_1514, %dma_wait3A_1522, %dma_wait3A_1523] : memref<8x64x128xf32, #tpu.memory_space<vmem>> -> memref<1x64x128xf32, #tpu.memory_space<vmem>>
      %dma_wait3A_1525 = tpu.memref_squeeze %dma_wait3A_1524 : memref<1x64x128xf32, #tpu.memory_space<vmem>> -> memref<64x128xf32, #tpu.memory_space<vmem>>
      %dma_wait3A_1526 = arith.constant 0 : i32
      %dma_wait3A_1527 = arith.constant 0 : i32
      %dma_wait3A_1528 = tpu.memref_slice %arg3[%dma_wait3A_1526, %dma_wait3A_1527] : memref<64x1000000xf32, #tpu.memory_space<hbm>> -> memref<64x128xf32, #tpu.memory_space<hbm>>
      tpu.wait_dma2 semaphore(%arg14 : memref<!tpu.dma_semaphore, #tpu.memory_space<semaphore_mem>>) src(%dma_wait3A_1528 : memref<64x128xf32, #tpu.memory_space<hbm>>) dst(%dma_wait3A_1525 : memref<64x128xf32, #tpu.memory_space<vmem>>)
      %iota3A_1529 = tpu.iota {dimensions = array<i32: 0>} : vector<16xi32>
      %add3A_1530 = arith.constant 0 : i32
      %add3A_1531 = vector.broadcast %add3A_1530 : i32 to vector<16xi32>
      %add3A_1532 = arith.addi %iota3A_1529, %add3A_1531 : vector<16xi32>
      %gather3A_1533 = arith.constant 4 : i32
      %gather3A_1534 = arith.constant 0 : i32
      %gather3A_1535 = arith.constant 0 : i32
      %gather3A_1536 = tpu.memref_slice %arg8[%gather3A_1533, %gather3A_1534, %gather3A_1535] : memref<8x64x128xf32, #tpu.memory_space<vmem>> -> memref<1x64x128xf32, #tpu.memory_space<vmem>>
      %gather3A_1537 = tpu.memref_squeeze %gather3A_1536 : memref<1x64x128xf32, #tpu.memory_space<vmem>> -> memref<64x128xf32, #tpu.memory_space<vmem>>
      %gather3A_1538 = tpu.vector_load_idx %gather3A_1537[%add3A_1532, %broadcast_in_dim3A_1512] : memref<64x128xf32, #tpu.memory_space<vmem>>[vector<16xi32>, vector<16xi32>], vector<16xf32>,
      tpu.vector_store_idx %arg7[%add3A_1532, %broadcast_in_dim3A_1513], %gather3A_1538 {add = true} : memref<64x256xf32, #tpu.memory_space<vmem>>[vector<16xi32>, vector<16xi32>], vector<16xf32>,
      %iota3A_1539 = tpu.iota {dimensions = array<i32: 0>} : vector<16xi32>
      %add3A_1540 = arith.constant 16 : i32
      %add3A_1541 = vector.broadcast %add3A_1540 : i32 to vector<16xi32>
      %add3A_1542 = arith.addi %iota3A_1539, %add3A_1541 : vector<16xi32>
      %gather3A_1543 = arith.constant 4 : i32
      %gather3A_1544 = arith.constant 0 : i32
      %gather3A_1545 = arith.constant 0 : i32
      %gather3A_1546 = tpu.memref_slice %arg8[%gather3A_1543, %gather3A_1544, %gather3A_1545] : memref<8x64x128xf32, #tpu.memory_space<vmem>> -> memref<1x64x128xf32, #tpu.memory_space<vmem>>
      %gather3A_1547 = tpu.memref_squeeze %gather3A_1546 : memref<1x64x128xf32, #tpu.memory_space<vmem>> -> memref<64x128xf32, #tpu.memory_space<vmem>>
      %gather3A_1548 = tpu.vector_load_idx %gather3A_1547[%add3A_1542, %broadcast_in_dim3A_1512] : memref<64x128xf32, #tpu.memory_space<vmem>>[vector<16xi32>, vector<16xi32>], vector<16xf32>,
      tpu.vector_store_idx %arg7[%add3A_1542, %broadcast_in_dim3A_1513], %gather3A_1548 {add = true} : memref<64x256xf32, #tpu.memory_space<vmem>>[vector<16xi32>, vector<16xi32>], vector<16xf32>,
      %iota3A_1549 = tpu.iota {dimensions = array<i32: 0>} : vector<16xi32>
      %add3A_1550 = arith.constant 32 : i32
      %add3A_1551 = vector.broadcast %add3A_1550 : i32 to vector<16xi32>
      %add3A_1552 = arith.addi %iota3A_1549, %add3A_1551 : vector<16xi32>
      %gather3A_1553 = arith.constant 4 : i32
      %gather3A_1554 = arith.constant 0 : i32
      %gather3A_1555 = arith.constant 0 : i32
      %gather3A_1556 = tpu.memref_slice %arg8[%gather3A_1553, %gather3A_1554, %gather3A_1555] : memref<8x64x128xf32, #tpu.memory_space<vmem>> -> memref<1x64x128xf32, #tpu.memory_space<vmem>>
      %gather3A_1557 = tpu.memref_squeeze %gather3A_1556 : memref<1x64x128xf32, #tpu.memory_space<vmem>> -> memref<64x128xf32, #tpu.memory_space<vmem>>
      %gather3A_1558 = tpu.vector_load_idx %gather3A_1557[%add3A_1552, %broadcast_in_dim3A_1512] : memref<64x128xf32, #tpu.memory_space<vmem>>[vector<16xi32>, vector<16xi32>], vector<16xf32>,
      tpu.vector_store_idx %arg7[%add3A_1552, %broadcast_in_dim3A_1513], %gather3A_1558 {add = true} : memref<64x256xf32, #tpu.memory_space<vmem>>[vector<16xi32>, vector<16xi32>], vector<16xf32>,
      %iota3A_1559 = tpu.iota {dimensions = array<i32: 0>} : vector<16xi32>
      %add3A_1560 = arith.constant 48 : i32
      %add3A_1561 = vector.broadcast %add3A_1560 : i32 to vector<16xi32>
      %add3A_1562 = arith.addi %iota3A_1559, %add3A_1561 : vector<16xi32>
      %gather3A_1563 = arith.constant 4 : i32
      %gather3A_1564 = arith.constant 0 : i32
      %gather3A_1565 = arith.constant 0 : i32
      %gather3A_1566 = tpu.memref_slice %arg8[%gather3A_1563, %gather3A_1564, %gather3A_1565] : memref<8x64x128xf32, #tpu.memory_space<vmem>> -> memref<1x64x128xf32, #tpu.memory_space<vmem>>
      %gather3A_1567 = tpu.memref_squeeze %gather3A_1566 : memref<1x64x128xf32, #tpu.memory_space<vmem>> -> memref<64x128xf32, #tpu.memory_space<vmem>>
      %gather3A_1568 = tpu.vector_load_idx %gather3A_1567[%add3A_1562, %broadcast_in_dim3A_1512] : memref<64x128xf32, #tpu.memory_space<vmem>>[vector<16xi32>, vector<16xi32>], vector<16xf32>,
      tpu.vector_store_idx %arg7[%add3A_1562, %broadcast_in_dim3A_1513], %gather3A_1568 {add = true} : memref<64x256xf32, #tpu.memory_space<vmem>>[vector<16xi32>, vector<16xi32>], vector<16xf32>,
      %add3A_1569 = arith.constant 16 : i32
      %add3A_1570 = arith.addi %mul3A_364, %add3A_1569 : i32
      %add3A_1571 = arith.constant 4 : i32
      %add3A_1572 = arith.addi %add3A_1570, %add3A_1571 : i32
      %lt3A_1573 = arith.constant 256 : i32
      %lt3A_1574 = arith.cmpi slt, %add3A_1572, %lt3A_1573 : i32
      %convert_element_type3A_1575 = arith.extui %lt3A_1574 : i1 to i32
      %cond3A_1576 = arith.constant 0 : i32
      %cond3A_1577 = arith.cmpi ne, %convert_element_type3A_1575, %cond3A_1576 : i32
      scf.if %cond3A_1577 {
        %slice3A_1800 = vector.extract_strided_slice %get3A_374 {offsets = [4], sizes = [1], strides = [1]} : vector<16xi32> to vector<1xi32>
        %squeeze3A_1801 = vector.extract %slice3A_1800[0] : i32 from vector<1xi32>
        %jit3A_1802 = arith.constant 128 : i32
        %div3A_1803 = arith.divsi %squeeze3A_1801, %jit3A_1802 : i32
        %sign3A_1804 = arith.constant 0 : i32
        %sign3A_1805 = arith.cmpi sgt, %squeeze3A_1801, %sign3A_1804 : i32
        %sign3A_1806 = arith.extui %sign3A_1805 : i1 to i32
        %sign3A_1807 = arith.constant 0 : i32
        %sign3A_1808 = arith.cmpi slt, %squeeze3A_1801, %sign3A_1807 : i32
        %sign3A_1809 = arith.extui %sign3A_1808 : i1 to i32
        %sign3A_1810 = arith.subi %sign3A_1806, %sign3A_1809 : i32
        %sign3A_1811 = arith.constant 0 : i32
        %sign3A_1812 = arith.cmpi sgt, %jit3A_1802, %sign3A_1811 : i32
        %sign3A_1813 = arith.extui %sign3A_1812 : i1 to i32
        %sign3A_1814 = arith.constant 0 : i32
        %sign3A_1815 = arith.cmpi slt, %jit3A_1802, %sign3A_1814 : i32
        %sign3A_1816 = arith.extui %sign3A_1815 : i1 to i32
        %sign3A_1817 = arith.subi %sign3A_1813, %sign3A_1816 : i32
        %ne3A_1818 = arith.cmpi ne, %sign3A_1810, %sign3A_1817 : i32
        %rem3A_1819 = arith.remsi %squeeze3A_1801, %jit3A_1802 : i32
        %ne3A_1820 = arith.constant 0 : i32
        %ne3A_1821 = arith.cmpi ne, %rem3A_1819, %ne3A_1820 : i32
        %and3A_1822 = arith.andi %ne3A_1818, %ne3A_1821 : i1
        %sub3A_1823 = arith.constant 1 : i32
        %sub3A_1824 = arith.subi %div3A_1803, %sub3A_1823 : i32
        %select_n3A_1825 = arith.select %and3A_1822, %sub3A_1824, %div3A_1803 : i32
        %mul3A_1826 = arith.constant 128 : i32
        %mul3A_1827 = arith.muli %select_n3A_1825, %mul3A_1826 : i32
        %multiple_of3A_1828 = tpu.assume_multiple %mul3A_1827, 128 : i32
        %dma_start3A_1829 = arith.constant 4 : i32
        %dma_start3A_1830 = arith.constant 0 : i32
        %dma_start3A_1831 = arith.constant 0 : i32
        %dma_start3A_1832 = tpu.memref_slice %arg8[%dma_start3A_1829, %dma_start3A_1830, %dma_start3A_1831] : memref<8x64x128xf32, #tpu.memory_space<vmem>> -> memref<1x64x128xf32, #tpu.memory_space<vmem>>
        %dma_start3A_1833 = tpu.memref_squeeze %dma_start3A_1832 : memref<1x64x128xf32, #tpu.memory_space<vmem>> -> memref<64x128xf32, #tpu.memory_space<vmem>>
        %dma_start3A_1834 = arith.constant 0 : i32
        %dma_start3A_1835 = tpu.memref_slice %arg3[%dma_start3A_1834, %multiple_of3A_1828] : memref<64x1000000xf32, #tpu.memory_space<hbm>> -> memref<64x128xf32, #tpu.memory_space<hbm>>
        %dma_start3A_1836 = arith.constant 0 : i32
        %dma_start3A_1837 = arith.constant 0 : i32
        %dma_start3A_1838 = tpu.memref_slice %arg8[%dma_start3A_1829, %dma_start3A_1836, %dma_start3A_1837] : memref<8x64x128xf32, #tpu.memory_space<vmem>> -> memref<1x64x128xf32, #tpu.memory_space<vmem>>
        %dma_start3A_1839 = tpu.memref_squeeze %dma_start3A_1838 : memref<1x64x128xf32, #tpu.memory_space<vmem>> -> memref<64x128xf32, #tpu.memory_space<vmem>>
        %dma_start3A_1840 = arith.constant 0 : i32
        %dma_start3A_1841 = tpu.memref_slice %arg3[%dma_start3A_1840, %multiple_of3A_1828] : memref<64x1000000xf32, #tpu.memory_space<hbm>> -> memref<64x128xf32, #tpu.memory_space<hbm>>
        tpu.enqueue_dma source(%dma_start3A_1841 : memref<64x128xf32, #tpu.memory_space<hbm>>) target(%dma_start3A_1839 : memref<64x128xf32, #tpu.memory_space<vmem>>) target_semaphore(%arg14 : memref<!tpu.dma_semaphore, #tpu.memory_space<semaphore_mem>>)
      } else {
      }
      %slice3A_1578 = vector.extract_strided_slice %get3A_368 {offsets = [13], sizes = [1], strides = [1]} : vector<16xi32> to vector<1xi32>
      %squeeze3A_1579 = vector.extract %slice3A_1578[0] : i32 from vector<1xi32>
      %add3A_1580 = arith.constant 8 : i32
      %add3A_1581 = arith.addi %mul3A_364, %add3A_1580 : i32
      %add3A_1582 = arith.constant 5 : i32
      %add3A_1583 = arith.addi %add3A_1581, %add3A_1582 : i32
      %rem3A_1584 = arith.constant 128 : i32
      %rem3A_1585 = arith.remsi %squeeze3A_1579, %rem3A_1584 : i32
      %broadcast_in_dim3A_1586 = vector.broadcast %rem3A_1585 : i32 to vector<16xi32>
      %broadcast_in_dim3A_1587 = vector.broadcast %add3A_1583 : i32 to vector<16xi32>
      %dma_wait3A_1588 = arith.constant 5 : i32
      %dma_wait3A_1589 = arith.constant 0 : i32
      %dma_wait3A_1590 = arith.constant 0 : i32
      %dma_wait3A_1591 = tpu.memref_slice %arg8[%dma_wait3A_1588, %dma_wait3A_1589, %dma_wait3A_1590] : memref<8x64x128xf32, #tpu.memory_space<vmem>> -> memref<1x64x128xf32, #tpu.memory_space<vmem>>
      %dma_wait3A_1592 = tpu.memref_squeeze %dma_wait3A_1591 : memref<1x64x128xf32, #tpu.memory_space<vmem>> -> memref<64x128xf32, #tpu.memory_space<vmem>>
      %dma_wait3A_1593 = arith.constant 0 : i32
      %dma_wait3A_1594 = arith.constant 0 : i32
      %dma_wait3A_1595 = tpu.memref_slice %arg3[%dma_wait3A_1593, %dma_wait3A_1594] : memref<64x1000000xf32, #tpu.memory_space<hbm>> -> memref<64x128xf32, #tpu.memory_space<hbm>>
      %dma_wait3A_1596 = arith.constant 0 : i32
      %dma_wait3A_1597 = arith.constant 0 : i32
      %dma_wait3A_1598 = tpu.memref_slice %arg8[%dma_wait3A_1588, %dma_wait3A_1596, %dma_wait3A_1597] : memref<8x64x128xf32, #tpu.memory_space<vmem>> -> memref<1x64x128xf32, #tpu.memory_space<vmem>>
      %dma_wait3A_1599 = tpu.memref_squeeze %dma_wait3A_1598 : memref<1x64x128xf32, #tpu.memory_space<vmem>> -> memref<64x128xf32, #tpu.memory_space<vmem>>
      %dma_wait3A_1600 = arith.constant 0 : i32
      %dma_wait3A_1601 = arith.constant 0 : i32
      %dma_wait3A_1602 = tpu.memref_slice %arg3[%dma_wait3A_1600, %dma_wait3A_1601] : memref<64x1000000xf32, #tpu.memory_space<hbm>> -> memref<64x128xf32, #tpu.memory_space<hbm>>
      tpu.wait_dma2 semaphore(%arg15 : memref<!tpu.dma_semaphore, #tpu.memory_space<semaphore_mem>>) src(%dma_wait3A_1602 : memref<64x128xf32, #tpu.memory_space<hbm>>) dst(%dma_wait3A_1599 : memref<64x128xf32, #tpu.memory_space<vmem>>)
      %iota3A_1603 = tpu.iota {dimensions = array<i32: 0>} : vector<16xi32>
      %add3A_1604 = arith.constant 0 : i32
      %add3A_1605 = vector.broadcast %add3A_1604 : i32 to vector<16xi32>
      %add3A_1606 = arith.addi %iota3A_1603, %add3A_1605 : vector<16xi32>
      %gather3A_1607 = arith.constant 5 : i32
      %gather3A_1608 = arith.constant 0 : i32
      %gather3A_1609 = arith.constant 0 : i32
      %gather3A_1610 = tpu.memref_slice %arg8[%gather3A_1607, %gather3A_1608, %gather3A_1609] : memref<8x64x128xf32, #tpu.memory_space<vmem>> -> memref<1x64x128xf32, #tpu.memory_space<vmem>>
      %gather3A_1611 = tpu.memref_squeeze %gather3A_1610 : memref<1x64x128xf32, #tpu.memory_space<vmem>> -> memref<64x128xf32, #tpu.memory_space<vmem>>
      %gather3A_1612 = tpu.vector_load_idx %gather3A_1611[%add3A_1606, %broadcast_in_dim3A_1586] : memref<64x128xf32, #tpu.memory_space<vmem>>[vector<16xi32>, vector<16xi32>], vector<16xf32>,
      tpu.vector_store_idx %arg7[%add3A_1606, %broadcast_in_dim3A_1587], %gather3A_1612 {add = true} : memref<64x256xf32, #tpu.memory_space<vmem>>[vector<16xi32>, vector<16xi32>], vector<16xf32>,
      %iota3A_1613 = tpu.iota {dimensions = array<i32: 0>} : vector<16xi32>
      %add3A_1614 = arith.constant 16 : i32
      %add3A_1615 = vector.broadcast %add3A_1614 : i32 to vector<16xi32>
      %add3A_1616 = arith.addi %iota3A_1613, %add3A_1615 : vector<16xi32>
      %gather3A_1617 = arith.constant 5 : i32
      %gather3A_1618 = arith.constant 0 : i32
      %gather3A_1619 = arith.constant 0 : i32
      %gather3A_1620 = tpu.memref_slice %arg8[%gather3A_1617, %gather3A_1618, %gather3A_1619] : memref<8x64x128xf32, #tpu.memory_space<vmem>> -> memref<1x64x128xf32, #tpu.memory_space<vmem>>
      %gather3A_1621 = tpu.memref_squeeze %gather3A_1620 : memref<1x64x128xf32, #tpu.memory_space<vmem>> -> memref<64x128xf32, #tpu.memory_space<vmem>>
      %gather3A_1622 = tpu.vector_load_idx %gather3A_1621[%add3A_1616, %broadcast_in_dim3A_1586] : memref<64x128xf32, #tpu.memory_space<vmem>>[vector<16xi32>, vector<16xi32>], vector<16xf32>,
      tpu.vector_store_idx %arg7[%add3A_1616, %broadcast_in_dim3A_1587], %gather3A_1622 {add = true} : memref<64x256xf32, #tpu.memory_space<vmem>>[vector<16xi32>, vector<16xi32>], vector<16xf32>,
      %iota3A_1623 = tpu.iota {dimensions = array<i32: 0>} : vector<16xi32>
      %add3A_1624 = arith.constant 32 : i32
      %add3A_1625 = vector.broadcast %add3A_1624 : i32 to vector<16xi32>
      %add3A_1626 = arith.addi %iota3A_1623, %add3A_1625 : vector<16xi32>
      %gather3A_1627 = arith.constant 5 : i32
      %gather3A_1628 = arith.constant 0 : i32
      %gather3A_1629 = arith.constant 0 : i32
      %gather3A_1630 = tpu.memref_slice %arg8[%gather3A_1627, %gather3A_1628, %gather3A_1629] : memref<8x64x128xf32, #tpu.memory_space<vmem>> -> memref<1x64x128xf32, #tpu.memory_space<vmem>>
      %gather3A_1631 = tpu.memref_squeeze %gather3A_1630 : memref<1x64x128xf32, #tpu.memory_space<vmem>> -> memref<64x128xf32, #tpu.memory_space<vmem>>
      %gather3A_1632 = tpu.vector_load_idx %gather3A_1631[%add3A_1626, %broadcast_in_dim3A_1586] : memref<64x128xf32, #tpu.memory_space<vmem>>[vector<16xi32>, vector<16xi32>], vector<16xf32>,
      tpu.vector_store_idx %arg7[%add3A_1626, %broadcast_in_dim3A_1587], %gather3A_1632 {add = true} : memref<64x256xf32, #tpu.memory_space<vmem>>[vector<16xi32>, vector<16xi32>], vector<16xf32>,
      %iota3A_1633 = tpu.iota {dimensions = array<i32: 0>} : vector<16xi32>
      %add3A_1634 = arith.constant 48 : i32
      %add3A_1635 = vector.broadcast %add3A_1634 : i32 to vector<16xi32>
      %add3A_1636 = arith.addi %iota3A_1633, %add3A_1635 : vector<16xi32>
      %gather3A_1637 = arith.constant 5 : i32
      %gather3A_1638 = arith.constant 0 : i32
      %gather3A_1639 = arith.constant 0 : i32
      %gather3A_1640 = tpu.memref_slice %arg8[%gather3A_1637, %gather3A_1638, %gather3A_1639] : memref<8x64x128xf32, #tpu.memory_space<vmem>> -> memref<1x64x128xf32, #tpu.memory_space<vmem>>
      %gather3A_1641 = tpu.memref_squeeze %gather3A_1640 : memref<1x64x128xf32, #tpu.memory_space<vmem>> -> memref<64x128xf32, #tpu.memory_space<vmem>>
      %gather3A_1642 = tpu.vector_load_idx %gather3A_1641[%add3A_1636, %broadcast_in_dim3A_1586] : memref<64x128xf32, #tpu.memory_space<vmem>>[vector<16xi32>, vector<16xi32>], vector<16xf32>,
      tpu.vector_store_idx %arg7[%add3A_1636, %broadcast_in_dim3A_1587], %gather3A_1642 {add = true} : memref<64x256xf32, #tpu.memory_space<vmem>>[vector<16xi32>, vector<16xi32>], vector<16xf32>,
      %add3A_1643 = arith.constant 16 : i32
      %add3A_1644 = arith.addi %mul3A_364, %add3A_1643 : i32
      %add3A_1645 = arith.constant 5 : i32
      %add3A_1646 = arith.addi %add3A_1644, %add3A_1645 : i32
      %lt3A_1647 = arith.constant 256 : i32
      %lt3A_1648 = arith.cmpi slt, %add3A_1646, %lt3A_1647 : i32
      %convert_element_type3A_1649 = arith.extui %lt3A_1648 : i1 to i32
      %cond3A_1650 = arith.constant 0 : i32
      %cond3A_1651 = arith.cmpi ne, %convert_element_type3A_1649, %cond3A_1650 : i32
      scf.if %cond3A_1651 {
        %slice3A_1800 = vector.extract_strided_slice %get3A_374 {offsets = [5], sizes = [1], strides = [1]} : vector<16xi32> to vector<1xi32>
        %squeeze3A_1801 = vector.extract %slice3A_1800[0] : i32 from vector<1xi32>
        %jit3A_1802 = arith.constant 128 : i32
        %div3A_1803 = arith.divsi %squeeze3A_1801, %jit3A_1802 : i32
        %sign3A_1804 = arith.constant 0 : i32
        %sign3A_1805 = arith.cmpi sgt, %squeeze3A_1801, %sign3A_1804 : i32
        %sign3A_1806 = arith.extui %sign3A_1805 : i1 to i32
        %sign3A_1807 = arith.constant 0 : i32
        %sign3A_1808 = arith.cmpi slt, %squeeze3A_1801, %sign3A_1807 : i32
        %sign3A_1809 = arith.extui %sign3A_1808 : i1 to i32
        %sign3A_1810 = arith.subi %sign3A_1806, %sign3A_1809 : i32
        %sign3A_1811 = arith.constant 0 : i32
        %sign3A_1812 = arith.cmpi sgt, %jit3A_1802, %sign3A_1811 : i32
        %sign3A_1813 = arith.extui %sign3A_1812 : i1 to i32
        %sign3A_1814 = arith.constant 0 : i32
        %sign3A_1815 = arith.cmpi slt, %jit3A_1802, %sign3A_1814 : i32
        %sign3A_1816 = arith.extui %sign3A_1815 : i1 to i32
        %sign3A_1817 = arith.subi %sign3A_1813, %sign3A_1816 : i32
        %ne3A_1818 = arith.cmpi ne, %sign3A_1810, %sign3A_1817 : i32
        %rem3A_1819 = arith.remsi %squeeze3A_1801, %jit3A_1802 : i32
        %ne3A_1820 = arith.constant 0 : i32
        %ne3A_1821 = arith.cmpi ne, %rem3A_1819, %ne3A_1820 : i32
        %and3A_1822 = arith.andi %ne3A_1818, %ne3A_1821 : i1
        %sub3A_1823 = arith.constant 1 : i32
        %sub3A_1824 = arith.subi %div3A_1803, %sub3A_1823 : i32
        %select_n3A_1825 = arith.select %and3A_1822, %sub3A_1824, %div3A_1803 : i32
        %mul3A_1826 = arith.constant 128 : i32
        %mul3A_1827 = arith.muli %select_n3A_1825, %mul3A_1826 : i32
        %multiple_of3A_1828 = tpu.assume_multiple %mul3A_1827, 128 : i32
        %dma_start3A_1829 = arith.constant 5 : i32
        %dma_start3A_1830 = arith.constant 0 : i32
        %dma_start3A_1831 = arith.constant 0 : i32
        %dma_start3A_1832 = tpu.memref_slice %arg8[%dma_start3A_1829, %dma_start3A_1830, %dma_start3A_1831] : memref<8x64x128xf32, #tpu.memory_space<vmem>> -> memref<1x64x128xf32, #tpu.memory_space<vmem>>
        %dma_start3A_1833 = tpu.memref_squeeze %dma_start3A_1832 : memref<1x64x128xf32, #tpu.memory_space<vmem>> -> memref<64x128xf32, #tpu.memory_space<vmem>>
        %dma_start3A_1834 = arith.constant 0 : i32
        %dma_start3A_1835 = tpu.memref_slice %arg3[%dma_start3A_1834, %multiple_of3A_1828] : memref<64x1000000xf32, #tpu.memory_space<hbm>> -> memref<64x128xf32, #tpu.memory_space<hbm>>
        %dma_start3A_1836 = arith.constant 0 : i32
        %dma_start3A_1837 = arith.constant 0 : i32
        %dma_start3A_1838 = tpu.memref_slice %arg8[%dma_start3A_1829, %dma_start3A_1836, %dma_start3A_1837] : memref<8x64x128xf32, #tpu.memory_space<vmem>> -> memref<1x64x128xf32, #tpu.memory_space<vmem>>
        %dma_start3A_1839 = tpu.memref_squeeze %dma_start3A_1838 : memref<1x64x128xf32, #tpu.memory_space<vmem>> -> memref<64x128xf32, #tpu.memory_space<vmem>>
        %dma_start3A_1840 = arith.constant 0 : i32
        %dma_start3A_1841 = tpu.memref_slice %arg3[%dma_start3A_1840, %multiple_of3A_1828] : memref<64x1000000xf32, #tpu.memory_space<hbm>> -> memref<64x128xf32, #tpu.memory_space<hbm>>
        tpu.enqueue_dma source(%dma_start3A_1841 : memref<64x128xf32, #tpu.memory_space<hbm>>) target(%dma_start3A_1839 : memref<64x128xf32, #tpu.memory_space<vmem>>) target_semaphore(%arg15 : memref<!tpu.dma_semaphore, #tpu.memory_space<semaphore_mem>>)
      } else {
      }
      %slice3A_1652 = vector.extract_strided_slice %get3A_368 {offsets = [14], sizes = [1], strides = [1]} : vector<16xi32> to vector<1xi32>
      %squeeze3A_1653 = vector.extract %slice3A_1652[0] : i32 from vector<1xi32>
      %add3A_1654 = arith.constant 8 : i32
      %add3A_1655 = arith.addi %mul3A_364, %add3A_1654 : i32
      %add3A_1656 = arith.constant 6 : i32
      %add3A_1657 = arith.addi %add3A_1655, %add3A_1656 : i32
      %rem3A_1658 = arith.constant 128 : i32
      %rem3A_1659 = arith.remsi %squeeze3A_1653, %rem3A_1658 : i32
      %broadcast_in_dim3A_1660 = vector.broadcast %rem3A_1659 : i32 to vector<16xi32>
      %broadcast_in_dim3A_1661 = vector.broadcast %add3A_1657 : i32 to vector<16xi32>
      %dma_wait3A_1662 = arith.constant 6 : i32
      %dma_wait3A_1663 = arith.constant 0 : i32
      %dma_wait3A_1664 = arith.constant 0 : i32
      %dma_wait3A_1665 = tpu.memref_slice %arg8[%dma_wait3A_1662, %dma_wait3A_1663, %dma_wait3A_1664] : memref<8x64x128xf32, #tpu.memory_space<vmem>> -> memref<1x64x128xf32, #tpu.memory_space<vmem>>
      %dma_wait3A_1666 = tpu.memref_squeeze %dma_wait3A_1665 : memref<1x64x128xf32, #tpu.memory_space<vmem>> -> memref<64x128xf32, #tpu.memory_space<vmem>>
      %dma_wait3A_1667 = arith.constant 0 : i32
      %dma_wait3A_1668 = arith.constant 0 : i32
      %dma_wait3A_1669 = tpu.memref_slice %arg3[%dma_wait3A_1667, %dma_wait3A_1668] : memref<64x1000000xf32, #tpu.memory_space<hbm>> -> memref<64x128xf32, #tpu.memory_space<hbm>>
      %dma_wait3A_1670 = arith.constant 0 : i32
      %dma_wait3A_1671 = arith.constant 0 : i32
      %dma_wait3A_1672 = tpu.memref_slice %arg8[%dma_wait3A_1662, %dma_wait3A_1670, %dma_wait3A_1671] : memref<8x64x128xf32, #tpu.memory_space<vmem>> -> memref<1x64x128xf32, #tpu.memory_space<vmem>>
      %dma_wait3A_1673 = tpu.memref_squeeze %dma_wait3A_1672 : memref<1x64x128xf32, #tpu.memory_space<vmem>> -> memref<64x128xf32, #tpu.memory_space<vmem>>
      %dma_wait3A_1674 = arith.constant 0 : i32
      %dma_wait3A_1675 = arith.constant 0 : i32
      %dma_wait3A_1676 = tpu.memref_slice %arg3[%dma_wait3A_1674, %dma_wait3A_1675] : memref<64x1000000xf32, #tpu.memory_space<hbm>> -> memref<64x128xf32, #tpu.memory_space<hbm>>
      tpu.wait_dma2 semaphore(%arg16 : memref<!tpu.dma_semaphore, #tpu.memory_space<semaphore_mem>>) src(%dma_wait3A_1676 : memref<64x128xf32, #tpu.memory_space<hbm>>) dst(%dma_wait3A_1673 : memref<64x128xf32, #tpu.memory_space<vmem>>)
      %iota3A_1677 = tpu.iota {dimensions = array<i32: 0>} : vector<16xi32>
      %add3A_1678 = arith.constant 0 : i32
      %add3A_1679 = vector.broadcast %add3A_1678 : i32 to vector<16xi32>
      %add3A_1680 = arith.addi %iota3A_1677, %add3A_1679 : vector<16xi32>
      %gather3A_1681 = arith.constant 6 : i32
      %gather3A_1682 = arith.constant 0 : i32
      %gather3A_1683 = arith.constant 0 : i32
      %gather3A_1684 = tpu.memref_slice %arg8[%gather3A_1681, %gather3A_1682, %gather3A_1683] : memref<8x64x128xf32, #tpu.memory_space<vmem>> -> memref<1x64x128xf32, #tpu.memory_space<vmem>>
      %gather3A_1685 = tpu.memref_squeeze %gather3A_1684 : memref<1x64x128xf32, #tpu.memory_space<vmem>> -> memref<64x128xf32, #tpu.memory_space<vmem>>
      %gather3A_1686 = tpu.vector_load_idx %gather3A_1685[%add3A_1680, %broadcast_in_dim3A_1660] : memref<64x128xf32, #tpu.memory_space<vmem>>[vector<16xi32>, vector<16xi32>], vector<16xf32>,
      tpu.vector_store_idx %arg7[%add3A_1680, %broadcast_in_dim3A_1661], %gather3A_1686 {add = true} : memref<64x256xf32, #tpu.memory_space<vmem>>[vector<16xi32>, vector<16xi32>], vector<16xf32>,
      %iota3A_1687 = tpu.iota {dimensions = array<i32: 0>} : vector<16xi32>
      %add3A_1688 = arith.constant 16 : i32
      %add3A_1689 = vector.broadcast %add3A_1688 : i32 to vector<16xi32>
      %add3A_1690 = arith.addi %iota3A_1687, %add3A_1689 : vector<16xi32>
      %gather3A_1691 = arith.constant 6 : i32
      %gather3A_1692 = arith.constant 0 : i32
      %gather3A_1693 = arith.constant 0 : i32
      %gather3A_1694 = tpu.memref_slice %arg8[%gather3A_1691, %gather3A_1692, %gather3A_1693] : memref<8x64x128xf32, #tpu.memory_space<vmem>> -> memref<1x64x128xf32, #tpu.memory_space<vmem>>
      %gather3A_1695 = tpu.memref_squeeze %gather3A_1694 : memref<1x64x128xf32, #tpu.memory_space<vmem>> -> memref<64x128xf32, #tpu.memory_space<vmem>>
      %gather3A_1696 = tpu.vector_load_idx %gather3A_1695[%add3A_1690, %broadcast_in_dim3A_1660] : memref<64x128xf32, #tpu.memory_space<vmem>>[vector<16xi32>, vector<16xi32>], vector<16xf32>,
      tpu.vector_store_idx %arg7[%add3A_1690, %broadcast_in_dim3A_1661], %gather3A_1696 {add = true} : memref<64x256xf32, #tpu.memory_space<vmem>>[vector<16xi32>, vector<16xi32>], vector<16xf32>,
      %iota3A_1697 = tpu.iota {dimensions = array<i32: 0>} : vector<16xi32>
      %add3A_1698 = arith.constant 32 : i32
      %add3A_1699 = vector.broadcast %add3A_1698 : i32 to vector<16xi32>
      %add3A_1700 = arith.addi %iota3A_1697, %add3A_1699 : vector<16xi32>
      %gather3A_1701 = arith.constant 6 : i32
      %gather3A_1702 = arith.constant 0 : i32
      %gather3A_1703 = arith.constant 0 : i32
      %gather3A_1704 = tpu.memref_slice %arg8[%gather3A_1701, %gather3A_1702, %gather3A_1703] : memref<8x64x128xf32, #tpu.memory_space<vmem>> -> memref<1x64x128xf32, #tpu.memory_space<vmem>>
      %gather3A_1705 = tpu.memref_squeeze %gather3A_1704 : memref<1x64x128xf32, #tpu.memory_space<vmem>> -> memref<64x128xf32, #tpu.memory_space<vmem>>
      %gather3A_1706 = tpu.vector_load_idx %gather3A_1705[%add3A_1700, %broadcast_in_dim3A_1660] : memref<64x128xf32, #tpu.memory_space<vmem>>[vector<16xi32>, vector<16xi32>], vector<16xf32>,
      tpu.vector_store_idx %arg7[%add3A_1700, %broadcast_in_dim3A_1661], %gather3A_1706 {add = true} : memref<64x256xf32, #tpu.memory_space<vmem>>[vector<16xi32>, vector<16xi32>], vector<16xf32>,
      %iota3A_1707 = tpu.iota {dimensions = array<i32: 0>} : vector<16xi32>
      %add3A_1708 = arith.constant 48 : i32
      %add3A_1709 = vector.broadcast %add3A_1708 : i32 to vector<16xi32>
      %add3A_1710 = arith.addi %iota3A_1707, %add3A_1709 : vector<16xi32>
      %gather3A_1711 = arith.constant 6 : i32
      %gather3A_1712 = arith.constant 0 : i32
      %gather3A_1713 = arith.constant 0 : i32
      %gather3A_1714 = tpu.memref_slice %arg8[%gather3A_1711, %gather3A_1712, %gather3A_1713] : memref<8x64x128xf32, #tpu.memory_space<vmem>> -> memref<1x64x128xf32, #tpu.memory_space<vmem>>
      %gather3A_1715 = tpu.memref_squeeze %gather3A_1714 : memref<1x64x128xf32, #tpu.memory_space<vmem>> -> memref<64x128xf32, #tpu.memory_space<vmem>>
      %gather3A_1716 = tpu.vector_load_idx %gather3A_1715[%add3A_1710, %broadcast_in_dim3A_1660] : memref<64x128xf32, #tpu.memory_space<vmem>>[vector<16xi32>, vector<16xi32>], vector<16xf32>,
      tpu.vector_store_idx %arg7[%add3A_1710, %broadcast_in_dim3A_1661], %gather3A_1716 {add = true} : memref<64x256xf32, #tpu.memory_space<vmem>>[vector<16xi32>, vector<16xi32>], vector<16xf32>,
      %add3A_1717 = arith.constant 16 : i32
      %add3A_1718 = arith.addi %mul3A_364, %add3A_1717 : i32
      %add3A_1719 = arith.constant 6 : i32
      %add3A_1720 = arith.addi %add3A_1718, %add3A_1719 : i32
      %lt3A_1721 = arith.constant 256 : i32
      %lt3A_1722 = arith.cmpi slt, %add3A_1720, %lt3A_1721 : i32
      %convert_element_type3A_1723 = arith.extui %lt3A_1722 : i1 to i32
      %cond3A_1724 = arith.constant 0 : i32
      %cond3A_1725 = arith.cmpi ne, %convert_element_type3A_1723, %cond3A_1724 : i32
      scf.if %cond3A_1725 {
        %slice3A_1800 = vector.extract_strided_slice %get3A_374 {offsets = [6], sizes = [1], strides = [1]} : vector<16xi32> to vector<1xi32>
        %squeeze3A_1801 = vector.extract %slice3A_1800[0] : i32 from vector<1xi32>
        %jit3A_1802 = arith.constant 128 : i32
        %div3A_1803 = arith.divsi %squeeze3A_1801, %jit3A_1802 : i32
        %sign3A_1804 = arith.constant 0 : i32
        %sign3A_1805 = arith.cmpi sgt, %squeeze3A_1801, %sign3A_1804 : i32
        %sign3A_1806 = arith.extui %sign3A_1805 : i1 to i32
        %sign3A_1807 = arith.constant 0 : i32
        %sign3A_1808 = arith.cmpi slt, %squeeze3A_1801, %sign3A_1807 : i32
        %sign3A_1809 = arith.extui %sign3A_1808 : i1 to i32
        %sign3A_1810 = arith.subi %sign3A_1806, %sign3A_1809 : i32
        %sign3A_1811 = arith.constant 0 : i32
        %sign3A_1812 = arith.cmpi sgt, %jit3A_1802, %sign3A_1811 : i32
        %sign3A_1813 = arith.extui %sign3A_1812 : i1 to i32
        %sign3A_1814 = arith.constant 0 : i32
        %sign3A_1815 = arith.cmpi slt, %jit3A_1802, %sign3A_1814 : i32
        %sign3A_1816 = arith.extui %sign3A_1815 : i1 to i32
        %sign3A_1817 = arith.subi %sign3A_1813, %sign3A_1816 : i32
        %ne3A_1818 = arith.cmpi ne, %sign3A_1810, %sign3A_1817 : i32
        %rem3A_1819 = arith.remsi %squeeze3A_1801, %jit3A_1802 : i32
        %ne3A_1820 = arith.constant 0 : i32
        %ne3A_1821 = arith.cmpi ne, %rem3A_1819, %ne3A_1820 : i32
        %and3A_1822 = arith.andi %ne3A_1818, %ne3A_1821 : i1
        %sub3A_1823 = arith.constant 1 : i32
        %sub3A_1824 = arith.subi %div3A_1803, %sub3A_1823 : i32
        %select_n3A_1825 = arith.select %and3A_1822, %sub3A_1824, %div3A_1803 : i32
        %mul3A_1826 = arith.constant 128 : i32
        %mul3A_1827 = arith.muli %select_n3A_1825, %mul3A_1826 : i32
        %multiple_of3A_1828 = tpu.assume_multiple %mul3A_1827, 128 : i32
        %dma_start3A_1829 = arith.constant 6 : i32
        %dma_start3A_1830 = arith.constant 0 : i32
        %dma_start3A_1831 = arith.constant 0 : i32
        %dma_start3A_1832 = tpu.memref_slice %arg8[%dma_start3A_1829, %dma_start3A_1830, %dma_start3A_1831] : memref<8x64x128xf32, #tpu.memory_space<vmem>> -> memref<1x64x128xf32, #tpu.memory_space<vmem>>
        %dma_start3A_1833 = tpu.memref_squeeze %dma_start3A_1832 : memref<1x64x128xf32, #tpu.memory_space<vmem>> -> memref<64x128xf32, #tpu.memory_space<vmem>>
        %dma_start3A_1834 = arith.constant 0 : i32
        %dma_start3A_1835 = tpu.memref_slice %arg3[%dma_start3A_1834, %multiple_of3A_1828] : memref<64x1000000xf32, #tpu.memory_space<hbm>> -> memref<64x128xf32, #tpu.memory_space<hbm>>
        %dma_start3A_1836 = arith.constant 0 : i32
        %dma_start3A_1837 = arith.constant 0 : i32
        %dma_start3A_1838 = tpu.memref_slice %arg8[%dma_start3A_1829, %dma_start3A_1836, %dma_start3A_1837] : memref<8x64x128xf32, #tpu.memory_space<vmem>> -> memref<1x64x128xf32, #tpu.memory_space<vmem>>
        %dma_start3A_1839 = tpu.memref_squeeze %dma_start3A_1838 : memref<1x64x128xf32, #tpu.memory_space<vmem>> -> memref<64x128xf32, #tpu.memory_space<vmem>>
        %dma_start3A_1840 = arith.constant 0 : i32
        %dma_start3A_1841 = tpu.memref_slice %arg3[%dma_start3A_1840, %multiple_of3A_1828] : memref<64x1000000xf32, #tpu.memory_space<hbm>> -> memref<64x128xf32, #tpu.memory_space<hbm>>
        tpu.enqueue_dma source(%dma_start3A_1841 : memref<64x128xf32, #tpu.memory_space<hbm>>) target(%dma_start3A_1839 : memref<64x128xf32, #tpu.memory_space<vmem>>) target_semaphore(%arg16 : memref<!tpu.dma_semaphore, #tpu.memory_space<semaphore_mem>>)
      } else {
      }
      %slice3A_1726 = vector.extract_strided_slice %get3A_368 {offsets = [15], sizes = [1], strides = [1]} : vector<16xi32> to vector<1xi32>
      %squeeze3A_1727 = vector.extract %slice3A_1726[0] : i32 from vector<1xi32>
      %add3A_1728 = arith.constant 8 : i32
      %add3A_1729 = arith.addi %mul3A_364, %add3A_1728 : i32
      %add3A_1730 = arith.constant 7 : i32
      %add3A_1731 = arith.addi %add3A_1729, %add3A_1730 : i32
      %rem3A_1732 = arith.constant 128 : i32
      %rem3A_1733 = arith.remsi %squeeze3A_1727, %rem3A_1732 : i32
      %broadcast_in_dim3A_1734 = vector.broadcast %rem3A_1733 : i32 to vector<16xi32>
      %broadcast_in_dim3A_1735 = vector.broadcast %add3A_1731 : i32 to vector<16xi32>
      %dma_wait3A_1736 = arith.constant 7 : i32
      %dma_wait3A_1737 = arith.constant 0 : i32
      %dma_wait3A_1738 = arith.constant 0 : i32
      %dma_wait3A_1739 = tpu.memref_slice %arg8[%dma_wait3A_1736, %dma_wait3A_1737, %dma_wait3A_1738] : memref<8x64x128xf32, #tpu.memory_space<vmem>> -> memref<1x64x128xf32, #tpu.memory_space<vmem>>
      %dma_wait3A_1740 = tpu.memref_squeeze %dma_wait3A_1739 : memref<1x64x128xf32, #tpu.memory_space<vmem>> -> memref<64x128xf32, #tpu.memory_space<vmem>>
      %dma_wait3A_1741 = arith.constant 0 : i32
      %dma_wait3A_1742 = arith.constant 0 : i32
      %dma_wait3A_1743 = tpu.memref_slice %arg3[%dma_wait3A_1741, %dma_wait3A_1742] : memref<64x1000000xf32, #tpu.memory_space<hbm>> -> memref<64x128xf32, #tpu.memory_space<hbm>>
      %dma_wait3A_1744 = arith.constant 0 : i32
      %dma_wait3A_1745 = arith.constant 0 : i32
      %dma_wait3A_1746 = tpu.memref_slice %arg8[%dma_wait3A_1736, %dma_wait3A_1744, %dma_wait3A_1745] : memref<8x64x128xf32, #tpu.memory_space<vmem>> -> memref<1x64x128xf32, #tpu.memory_space<vmem>>
      %dma_wait3A_1747 = tpu.memref_squeeze %dma_wait3A_1746 : memref<1x64x128xf32, #tpu.memory_space<vmem>> -> memref<64x128xf32, #tpu.memory_space<vmem>>
      %dma_wait3A_1748 = arith.constant 0 : i32
      %dma_wait3A_1749 = arith.constant 0 : i32
      %dma_wait3A_1750 = tpu.memref_slice %arg3[%dma_wait3A_1748, %dma_wait3A_1749] : memref<64x1000000xf32, #tpu.memory_space<hbm>> -> memref<64x128xf32, #tpu.memory_space<hbm>>
      tpu.wait_dma2 semaphore(%arg17 : memref<!tpu.dma_semaphore, #tpu.memory_space<semaphore_mem>>) src(%dma_wait3A_1750 : memref<64x128xf32, #tpu.memory_space<hbm>>) dst(%dma_wait3A_1747 : memref<64x128xf32, #tpu.memory_space<vmem>>)
      %iota3A_1751 = tpu.iota {dimensions = array<i32: 0>} : vector<16xi32>
      %add3A_1752 = arith.constant 0 : i32
      %add3A_1753 = vector.broadcast %add3A_1752 : i32 to vector<16xi32>
      %add3A_1754 = arith.addi %iota3A_1751, %add3A_1753 : vector<16xi32>
      %gather3A_1755 = arith.constant 7 : i32
      %gather3A_1756 = arith.constant 0 : i32
      %gather3A_1757 = arith.constant 0 : i32
      %gather3A_1758 = tpu.memref_slice %arg8[%gather3A_1755, %gather3A_1756, %gather3A_1757] : memref<8x64x128xf32, #tpu.memory_space<vmem>> -> memref<1x64x128xf32, #tpu.memory_space<vmem>>
      %gather3A_1759 = tpu.memref_squeeze %gather3A_1758 : memref<1x64x128xf32, #tpu.memory_space<vmem>> -> memref<64x128xf32, #tpu.memory_space<vmem>>
      %gather3A_1760 = tpu.vector_load_idx %gather3A_1759[%add3A_1754, %broadcast_in_dim3A_1734] : memref<64x128xf32, #tpu.memory_space<vmem>>[vector<16xi32>, vector<16xi32>], vector<16xf32>,
      tpu.vector_store_idx %arg7[%add3A_1754, %broadcast_in_dim3A_1735], %gather3A_1760 {add = true} : memref<64x256xf32, #tpu.memory_space<vmem>>[vector<16xi32>, vector<16xi32>], vector<16xf32>,
      %iota3A_1761 = tpu.iota {dimensions = array<i32: 0>} : vector<16xi32>
      %add3A_1762 = arith.constant 16 : i32
      %add3A_1763 = vector.broadcast %add3A_1762 : i32 to vector<16xi32>
      %add3A_1764 = arith.addi %iota3A_1761, %add3A_1763 : vector<16xi32>
      %gather3A_1765 = arith.constant 7 : i32
      %gather3A_1766 = arith.constant 0 : i32
      %gather3A_1767 = arith.constant 0 : i32
      %gather3A_1768 = tpu.memref_slice %arg8[%gather3A_1765, %gather3A_1766, %gather3A_1767] : memref<8x64x128xf32, #tpu.memory_space<vmem>> -> memref<1x64x128xf32, #tpu.memory_space<vmem>>
      %gather3A_1769 = tpu.memref_squeeze %gather3A_1768 : memref<1x64x128xf32, #tpu.memory_space<vmem>> -> memref<64x128xf32, #tpu.memory_space<vmem>>
      %gather3A_1770 = tpu.vector_load_idx %gather3A_1769[%add3A_1764, %broadcast_in_dim3A_1734] : memref<64x128xf32, #tpu.memory_space<vmem>>[vector<16xi32>, vector<16xi32>], vector<16xf32>,
      tpu.vector_store_idx %arg7[%add3A_1764, %broadcast_in_dim3A_1735], %gather3A_1770 {add = true} : memref<64x256xf32, #tpu.memory_space<vmem>>[vector<16xi32>, vector<16xi32>], vector<16xf32>,
      %iota3A_1771 = tpu.iota {dimensions = array<i32: 0>} : vector<16xi32>
      %add3A_1772 = arith.constant 32 : i32
      %add3A_1773 = vector.broadcast %add3A_1772 : i32 to vector<16xi32>
      %add3A_1774 = arith.addi %iota3A_1771, %add3A_1773 : vector<16xi32>
      %gather3A_1775 = arith.constant 7 : i32
      %gather3A_1776 = arith.constant 0 : i32
      %gather3A_1777 = arith.constant 0 : i32
      %gather3A_1778 = tpu.memref_slice %arg8[%gather3A_1775, %gather3A_1776, %gather3A_1777] : memref<8x64x128xf32, #tpu.memory_space<vmem>> -> memref<1x64x128xf32, #tpu.memory_space<vmem>>
      %gather3A_1779 = tpu.memref_squeeze %gather3A_1778 : memref<1x64x128xf32, #tpu.memory_space<vmem>> -> memref<64x128xf32, #tpu.memory_space<vmem>>
      %gather3A_1780 = tpu.vector_load_idx %gather3A_1779[%add3A_1774, %broadcast_in_dim3A_1734] : memref<64x128xf32, #tpu.memory_space<vmem>>[vector<16xi32>, vector<16xi32>], vector<16xf32>,
      tpu.vector_store_idx %arg7[%add3A_1774, %broadcast_in_dim3A_1735], %gather3A_1780 {add = true} : memref<64x256xf32, #tpu.memory_space<vmem>>[vector<16xi32>, vector<16xi32>], vector<16xf32>,
      %iota3A_1781 = tpu.iota {dimensions = array<i32: 0>} : vector<16xi32>
      %add3A_1782 = arith.constant 48 : i32
      %add3A_1783 = vector.broadcast %add3A_1782 : i32 to vector<16xi32>
      %add3A_1784 = arith.addi %iota3A_1781, %add3A_1783 : vector<16xi32>
      %gather3A_1785 = arith.constant 7 : i32
      %gather3A_1786 = arith.constant 0 : i32
      %gather3A_1787 = arith.constant 0 : i32
      %gather3A_1788 = tpu.memref_slice %arg8[%gather3A_1785, %gather3A_1786, %gather3A_1787] : memref<8x64x128xf32, #tpu.memory_space<vmem>> -> memref<1x64x128xf32, #tpu.memory_space<vmem>>
      %gather3A_1789 = tpu.memref_squeeze %gather3A_1788 : memref<1x64x128xf32, #tpu.memory_space<vmem>> -> memref<64x128xf32, #tpu.memory_space<vmem>>
      %gather3A_1790 = tpu.vector_load_idx %gather3A_1789[%add3A_1784, %broadcast_in_dim3A_1734] : memref<64x128xf32, #tpu.memory_space<vmem>>[vector<16xi32>, vector<16xi32>], vector<16xf32>,
      tpu.vector_store_idx %arg7[%add3A_1784, %broadcast_in_dim3A_1735], %gather3A_1790 {add = true} : memref<64x256xf32, #tpu.memory_space<vmem>>[vector<16xi32>, vector<16xi32>], vector<16xf32>,
      %add3A_1791 = arith.constant 16 : i32
      %add3A_1792 = arith.addi %mul3A_364, %add3A_1791 : i32
      %add3A_1793 = arith.constant 7 : i32
      %add3A_1794 = arith.addi %add3A_1792, %add3A_1793 : i32
      %lt3A_1795 = arith.constant 256 : i32
      %lt3A_1796 = arith.cmpi slt, %add3A_1794, %lt3A_1795 : i32
      %convert_element_type3A_1797 = arith.extui %lt3A_1796 : i1 to i32
      %cond3A_1798 = arith.constant 0 : i32
      %cond3A_1799 = arith.cmpi ne, %convert_element_type3A_1797, %cond3A_1798 : i32
      scf.if %cond3A_1799 {
        %slice3A_1800 = vector.extract_strided_slice %get3A_374 {offsets = [7], sizes = [1], strides = [1]} : vector<16xi32> to vector<1xi32>
        %squeeze3A_1801 = vector.extract %slice3A_1800[0] : i32 from vector<1xi32>
        %jit3A_1802 = arith.constant 128 : i32
        %div3A_1803 = arith.divsi %squeeze3A_1801, %jit3A_1802 : i32
        %sign3A_1804 = arith.constant 0 : i32
        %sign3A_1805 = arith.cmpi sgt, %squeeze3A_1801, %sign3A_1804 : i32
        %sign3A_1806 = arith.extui %sign3A_1805 : i1 to i32
        %sign3A_1807 = arith.constant 0 : i32
        %sign3A_1808 = arith.cmpi slt, %squeeze3A_1801, %sign3A_1807 : i32
        %sign3A_1809 = arith.extui %sign3A_1808 : i1 to i32
        %sign3A_1810 = arith.subi %sign3A_1806, %sign3A_1809 : i32
        %sign3A_1811 = arith.constant 0 : i32
        %sign3A_1812 = arith.cmpi sgt, %jit3A_1802, %sign3A_1811 : i32
        %sign3A_1813 = arith.extui %sign3A_1812 : i1 to i32
        %sign3A_1814 = arith.constant 0 : i32
        %sign3A_1815 = arith.cmpi slt, %jit3A_1802, %sign3A_1814 : i32
        %sign3A_1816 = arith.extui %sign3A_1815 : i1 to i32
        %sign3A_1817 = arith.subi %sign3A_1813, %sign3A_1816 : i32
        %ne3A_1818 = arith.cmpi ne, %sign3A_1810, %sign3A_1817 : i32
        %rem3A_1819 = arith.remsi %squeeze3A_1801, %jit3A_1802 : i32
        %ne3A_1820 = arith.constant 0 : i32
        %ne3A_1821 = arith.cmpi ne, %rem3A_1819, %ne3A_1820 : i32
        %and3A_1822 = arith.andi %ne3A_1818, %ne3A_1821 : i1
        %sub3A_1823 = arith.constant 1 : i32
        %sub3A_1824 = arith.subi %div3A_1803, %sub3A_1823 : i32
        %select_n3A_1825 = arith.select %and3A_1822, %sub3A_1824, %div3A_1803 : i32
        %mul3A_1826 = arith.constant 128 : i32
        %mul3A_1827 = arith.muli %select_n3A_1825, %mul3A_1826 : i32
        %multiple_of3A_1828 = tpu.assume_multiple %mul3A_1827, 128 : i32
        %dma_start3A_1829 = arith.constant 7 : i32
        %dma_start3A_1830 = arith.constant 0 : i32
        %dma_start3A_1831 = arith.constant 0 : i32
        %dma_start3A_1832 = tpu.memref_slice %arg8[%dma_start3A_1829, %dma_start3A_1830, %dma_start3A_1831] : memref<8x64x128xf32, #tpu.memory_space<vmem>> -> memref<1x64x128xf32, #tpu.memory_space<vmem>>
        %dma_start3A_1833 = tpu.memref_squeeze %dma_start3A_1832 : memref<1x64x128xf32, #tpu.memory_space<vmem>> -> memref<64x128xf32, #tpu.memory_space<vmem>>
        %dma_start3A_1834 = arith.constant 0 : i32
        %dma_start3A_1835 = tpu.memref_slice %arg3[%dma_start3A_1834, %multiple_of3A_1828] : memref<64x1000000xf32, #tpu.memory_space<hbm>> -> memref<64x128xf32, #tpu.memory_space<hbm>>
        %dma_start3A_1836 = arith.constant 0 : i32
        %dma_start3A_1837 = arith.constant 0 : i32
        %dma_start3A_1838 = tpu.memref_slice %arg8[%dma_start3A_1829, %dma_start3A_1836, %dma_start3A_1837] : memref<8x64x128xf32, #tpu.memory_space<vmem>> -> memref<1x64x128xf32, #tpu.memory_space<vmem>>
        %dma_start3A_1839 = tpu.memref_squeeze %dma_start3A_1838 : memref<1x64x128xf32, #tpu.memory_space<vmem>> -> memref<64x128xf32, #tpu.memory_space<vmem>>
        %dma_start3A_1840 = arith.constant 0 : i32
        %dma_start3A_1841 = tpu.memref_slice %arg3[%dma_start3A_1840, %multiple_of3A_1828] : memref<64x1000000xf32, #tpu.memory_space<hbm>> -> memref<64x128xf32, #tpu.memory_space<hbm>>
        tpu.enqueue_dma source(%dma_start3A_1841 : memref<64x128xf32, #tpu.memory_space<hbm>>) target(%dma_start3A_1839 : memref<64x128xf32, #tpu.memory_space<vmem>>) target_semaphore(%arg17 : memref<!tpu.dma_semaphore, #tpu.memory_space<semaphore_mem>>)
      } else {
      }
    }
    %scan3A_361 = arith.constant 16 : i32
    "tpu.region"() ({
      %run_scoped3A = tpu.sem_alloc : memref<!tpu.dma_semaphore, #tpu.memory_space<semaphore_mem>>
      %dma_start3A_362 = arith.constant 0 : i32
      %dma_start3A_363 = tpu.memref_slice %arg5[%select_n3A, %dma_start3A_362, %multiple_of3A] : memref<4x64x2048xf32, #tpu.memory_space<hbm>> -> memref<1x64x256xf32, #tpu.memory_space<hbm>>
      %dma_start3A_364 = tpu.memref_squeeze %dma_start3A_363 : memref<1x64x256xf32, #tpu.memory_space<hbm>> -> memref<64x256xf32, #tpu.memory_space<hbm>>
      %dma_start3A_365 = arith.constant 0 : i32
      %dma_start3A_366 = tpu.memref_slice %arg5[%select_n3A, %dma_start3A_365, %multiple_of3A] : memref<4x64x2048xf32, #tpu.memory_space<hbm>> -> memref<1x64x256xf32, #tpu.memory_space<hbm>>
      %dma_start3A_367 = tpu.memref_squeeze %dma_start3A_366 : memref<1x64x256xf32, #tpu.memory_space<hbm>> -> memref<64x256xf32, #tpu.memory_space<hbm>>
      tpu.enqueue_dma source(%arg7 : memref<64x256xf32, #tpu.memory_space<vmem>>) target(%dma_start3A_367 : memref<64x256xf32, #tpu.memory_space<hbm>>) target_semaphore(%run_scoped3A : memref<!tpu.dma_semaphore, #tpu.memory_space<semaphore_mem>>)
      %dma_wait3A = arith.constant 0 : i32
      %dma_wait3A_368 = tpu.memref_slice %arg5[%select_n3A, %dma_wait3A, %multiple_of3A] : memref<4x64x2048xf32, #tpu.memory_space<hbm>> -> memref<1x64x256xf32, #tpu.memory_space<hbm>>
      %dma_wait3A_369 = tpu.memref_squeeze %dma_wait3A_368 : memref<1x64x256xf32, #tpu.memory_space<hbm>> -> memref<64x256xf32, #tpu.memory_space<hbm>>
      %dma_wait3A_370 = arith.constant 0 : i32
      %dma_wait3A_371 = tpu.memref_slice %arg5[%select_n3A, %dma_wait3A_370, %multiple_of3A] : memref<4x64x2048xf32, #tpu.memory_space<hbm>> -> memref<1x64x256xf32, #tpu.memory_space<hbm>>
      %dma_wait3A_372 = tpu.memref_squeeze %dma_wait3A_371 : memref<1x64x256xf32, #tpu.memory_space<hbm>> -> memref<64x256xf32, #tpu.memory_space<hbm>>
      tpu.wait_dma2 semaphore(%run_scoped3A : memref<!tpu.dma_semaphore, #tpu.memory_space<semaphore_mem>>) src(%arg7 : memref<64x256xf32, #tpu.memory_space<vmem>>) dst(%dma_wait3A_372 : memref<64x256xf32, #tpu.memory_space<hbm>>)
      tpu.yield
    }) : () -> ()
    return
  }
}

</mosaic_0001>

<sc_bundles>
// kernel: kernel.3.cloned.1.call-start
scs
__scs_entry_jumppad:
0x0: {  	(pc) =	sbr.rel $0x88, $3  }
0x1: {  	(tag) =	ssettag $0x0;
	lr =	simm.s32 $0x1  }
0x2: {  	[smem:$0x3F9E] =	sst lr;
	_ =	strace $0xD0000000  }
0x3: {  	_ = 	snop  }
0x4: {  	_ = 	snop  }
0x5: {  	_ = 	snop  }
0x6: {  	_ = 	snop  }
0x7: {  	_ = 	snop  }
__scs_overlays_trampoline_lowered:
0x8: {  	[smem:$0x3FAD] =	sst s0  }
0x9: {  	[smem:$0x3FAE] =	sst s1  }
0xa: {  	[smem:$0x3FAF] =	sst s2  }
0xb: {  	[smem:$0x3FB0] =	sst s3  }
0xc: {  	[smem:$0x3FB1] =	sst s4  }
0xd: {  	[smem:$0x3FB2] =	sst s5  }
0xe: {  	[smem:$0x3FB3] =	sst s6  }
0xf: {  	[smem:$0x3FB4] =	sst s7  }
0x10: {  	[smem:$0x3FB5] =	sst s8  }
0x11: {  	[smem:$0x3FB6] =	sst s9;
	s0 =	simm.s32 @!p0 $0x0  }
0x12: {  	s1 =	sld [smem:$0x3F9C];
	s0 =	simm.s32 @p0 $0x1  }
0x13: {  	[smem:$0x3FB7] =	sst s0;
	s0 =	simm.s32 @!p1 $0x0  }
0x14: {  	s2 =	sld [smem:$0x3F9B];
	s0 =	simm.s32 @p1 $0x1  }
0x15: {  	[smem:$0x3FB8] =	sst s0;
	s0 =	simm.s32 @!p2 $0x0  }
0x16: {  	s3 =	sld [smem:$0x3FDB];
	s0 =	simm.s32 @p2 $0x1  }
0x17: {  	s4 =	simm.s32 $0x1BF5;
	[smem:$0x3FBA] =	sst s0  }
0x18: {  	s0 =	sld [smem:$0x3F9D];
	_ =	swait.ge [sflag:s4], $0x0  }
0x19: {  	s7 =	sld [smem:$0x3F9E]  }
0x1a: {  	s8 =	sadd.s32 $0xFFFFE003, lr  }
0x1b: {  	s9 =	sadd.s32 $0xFFFFFEF7, lr;
	s5 =	simm.s32 $0xFFFFFFFF;
	p2 =	slt.u32 s8, $0xFFFFF086  }
0x1c: {  	p1 =	slt.u32 s9, $0xF7A;
	s5 =	simm.s32 @!p2 $0x0  }
0x1d: {  	s5 =	simm.s32 @p1 $0x1;
	p0 =	seq.s32 s7, s2  }
0x1e: {  	s7 =	smul.u32 @!p0 $0xF7A, s2;
	p2 =	seq.s32 @!p0 s5, $0x0  }
0x1f: {  	s9 =	smul.u32 $0xF7A, s1;
	s8 =	simm.s32 @!p0 $0x1BF5;
	p2 =	por !p2, p0  }
0x20: {  	[sflag:s8] =	ssyncset.s32 @!p0 $0xFFFFF086;
	s6 =	sadd.s32 @!p0 s3, s7;
	s7 =	simm.s32 @!p0 $0x108  }
0x21: {  	s3 =	sadd.s32 s3, s9;
	s6 =	sadd.s32 @!p0 $0x88, s6;
	s7 =	simm.s32 @p2 $0x1082  }
0x22: {  	[simem:s7], [sflag:s8] =	dma.local @!p0 [hbm:s6], $0xF7A  }
0x23: {  	s9 =	sor.u32 $0xD0000000, s2;
	s6 =	simm.s32 $0x108;
	_ =	swait.ge @!p0 [sflag:s8], $0x0  }
0x24: {  	s3 =	sadd.s32 $0x88, s3;
	s6 =	simm.s32 @!p1 $0x1082;
	[sflag:s4] =	ssyncset.s32 $0xFFFFF086  }
0x25: {  	[simem:s6], [sflag:s4] =	dma.local [hbm:s3], $0xF7A  }
0x26: {  	[smem:$0x3F9E] =	sst s1;
	(tag) =	ssettag s2;
	_ =	strace s9  }
0x27: {  	s1 =	sld [smem:$0x3FAE]  }
0x28: {  	s2 =	sld [smem:$0x3FAF]  }
0x29: {  	s4 =	sld [smem:$0x3FB1]  }
0x2a: {  	p0 =	seq.s32 s5, $0x0;
	s5 =	sld [smem:$0x3FB2]  }
0x2b: {  	s6 =	sld [smem:$0x3FB3]  }
0x2c: {  	s7 =	sld [smem:$0x3FB4]  }
0x2d: {  	s3 =	simm.s32 $0x108;
	s8 =	sld [smem:$0x3FB5]  }
0x2e: {  	s3 =	simm.s32 @!p0 $0x1082;
	s9 =	sld [smem:$0x3FB6]  }
0x2f: {  	lr =	sadd.s32 s0, s3;
	s0 =	sld [smem:$0x3FAD]  }
0x30: {  	s3 =	sld [smem:$0x3FB0]  }
0x31: {  	[smem:$0x3FB9] =	sst s10  }
0x32: {  	s10 =	sld [smem:$0x3FB7];
	_ =	sdelay $0x3  }
0x33: {  	p0 =	seq.s32 s10, $0x1;
	s10 =	sld [smem:$0x3FB9];
	_ =	sdelay $0x3  }
0x34: {  	[smem:$0x3FB9] =	sst s10  }
0x35: {  	s10 =	sld [smem:$0x3FB8];
	_ =	sdelay $0x3  }
0x36: {  	p1 =	seq.s32 s10, $0x1;
	s10 =	sld [smem:$0x3FB9];
	_ =	sdelay $0x3  }
0x37: {  	[smem:$0x3FB9] =	sst s10  }
0x38: {  	s10 =	sld [smem:$0x3FBA]  }
0x39: {  	_ = 	snop;
	(pc) =	sbr.ind lr, $3  }
0x3a: {  	_ = 	snop  }
0x3b: {  	_ = 	snop  }
0x3c: {  	p2 =	seq.s32 s10, $0x1;
	s10 =	sld [smem:$0x3FB9]  }
0x3d: {  	_ =	shalt  }
0x3e: {  	_ =	shalt  }
0x3f: {  	_ =	shalt  }
0x40: {  	_ =	shalt  }
0x41: {  	_ =	shalt  }
0x42: {  	_ =	shalt  }
0x43: {  	_ =	shalt  }
0x44: {  	_ =	shalt  }
0x45: {  	_ =	shalt  }
0x46: {  	_ =	shalt  }
0x47: {  	_ =	shalt  }
0x48: {  	_ =	shalt  }
0x49: {  	_ =	shalt  }
0x4a: {  	_ =	shalt  }
0x4b: {  	_ =	shalt  }
0x4c: {  	_ =	shalt  }
0x4d: {  	_ =	shalt  }
0x4e: {  	_ =	shalt  }
0x4f: {  	_ =	shalt  }
0x50: {  	_ =	shalt  }
0x51: {  	_ =	shalt  }
0x52: {  	_ =	shalt  }
0x53: {  	_ =	shalt  }
0x54: {  	_ =	shalt  }
0x55: {  	_ =	shalt  }
0x56: {  	_ =	shalt  }
0x57: {  	_ =	shalt  }
0x58: {  	_ =	shalt  }
0x59: {  	_ =	shalt  }
0x5a: {  	_ =	shalt  }
0x5b: {  	_ =	shalt  }
0x5c: {  	_ =	shalt  }
0x5d: {  	_ =	shalt  }
0x5e: {  	_ =	shalt  }
0x5f: {  	_ =	shalt  }
0x60: {  	_ =	shalt  }
0x61: {  	_ =	shalt  }
0x62: {  	_ =	shalt  }
0x63: {  	_ =	shalt  }
0x64: {  	_ =	shalt  }
0x65: {  	_ =	shalt  }
0x66: {  	_ =	shalt  }
0x67: {  	_ =	shalt  }
0x68: {  	_ =	shalt  }
0x69: {  	_ =	shalt  }
0x6a: {  	_ =	shalt  }
0x6b: {  	_ =	shalt  }
0x6c: {  	_ =	shalt  }
0x6d: {  	_ =	shalt  }
0x6e: {  	_ =	shalt  }
0x6f: {  	_ =	shalt  }
0x70: {  	_ =	shalt  }
0x71: {  	_ =	shalt  }
0x72: {  	_ =	shalt  }
0x73: {  	_ =	shalt  }
0x74: {  	_ =	shalt  }
0x75: {  	_ =	shalt  }
0x76: {  	_ =	shalt  }
0x77: {  	_ =	shalt  }
0x78: {  	_ =	shalt  }
0x79: {  	_ =	shalt  }
0x7a: {  	_ =	shalt  }
0x7b: {  	_ =	shalt  }
0x7c: {  	_ =	shalt  }
0x7d: {  	_ =	shalt  }
0x7e: {  	_ =	shalt  }
0x7f: {  	_ =	shalt  }
0x80: {  	_ =	shalt  }
0x81: {  	_ =	shalt  }
0x82: {  	_ =	shalt  }
0x83: {  	_ =	shalt  }
0x84: {  	_ =	shalt  }
0x85: {  	_ =	shalt  }
0x86: {  	_ =	shalt  }
0x87: {  	_ =	shalt  }
.Lfunc_end0:
.L_simem_size_0:
called_computation_lowered:
.L_overlay_start_0:
0x88: {  	s2 =	sld [smem:$0x3FD9]  }
0x89: {  	s3 =	sld [smem:$0x3FFE];
	_ =	sdelay $0x1  }
0x8a: {  	s1 =	srdreg.scid  }
0x8b: {  	s0 =	sand.u32 $0x1, s1  }
0x8c: {  	s17 =	sshll.u32 s0, $0xA;
	s2 =	sadd.s32 s3, s2  }
0x8d: {  	s2 =	sadd.s32 s2, s17  }
0x8e: {  	[smem:$0x3FC5] =	sst s2  }
0x8f: {  	_ = 	snop  }
0x90: {  	s2 =	sld [smem:$0x3FC8]  }
0x91: {  	s18 =	sld [smem:$0x3FC7]  }
0x92: {  	s4 =	sld [smem:$0x3FD0];
	(tm) =	ssettm $0x1  }
0x93: {  	s5 =	sld [smem:$0x3FFB];
	_ =	sdelay $0x3  }
0x94: {  	_ =	strace s5  }
0x95: {  	s5 =	sld [smem:$0x3FFC];
	_ =	sdelay $0x3  }
0x96: {  	_ =	strace s5  }
0x97: {  	s5 =	sld [smem:$0x3FFD];
	_ =	sdelay $0x3  }
0x98: {  	_ =	strace s5  }
0x99: {  	_ =	strace $0x8FFFFFFF  }
0x9a: {  	s19 =	sld [smem:$0x3FDB];
	_ =	sdelay $0x1  }
0x9b: {  	s6 =	simm.s32 $_scs_section_size  }
0x9c: {  	s7 =	simm.s32 $_size__tile_overlayer_lowered;
	s8 =	simm.s32 $_tile_overlayer_lowered  }
0x9d: {  	s22 =	simm.s32 $0x1BFF;
	s21 =	sshll.u32 s8, $0x1;
	s5 =	sadd.s32 s6, s19  }
0x9e: {  	s9 =	simm.s32 $0x0;
	s20 =	sshll.u32 s7, $0x1;
	s7 =	sadd.s32 s21, s5  }
0x9f: {  	[timem:s9], [sflag:s22] =	dma.local [hbm:s7], s20  }
0xa0: {  	_ =	swait.ge [sflag:s22], s20  }
0xa1: {  	s6 =	ssub.s32 $0x0, s20;
	[sflag:s22] =	ssyncset.done $0x0  }
0xa2: {  	[sflag:s22] =	ssyncadd.s32 s6;
	_ =	sdelay $0x1  }
0xa3: {  	s23 =	simm.s32 $0x1B8B  }
0xa4: {  	_ =	swait.ge [sflag:s23], $0x1  }
0xa5: {  	[sflag:s23] =	ssyncset.done $0x0  }
0xa6: {  	s25 =	simm.s32 $0x1B8E;
	s24 =	sld [smem:$0x3FFE];
	[sflag:s23] =	ssyncadd.s32 $0xFFFFFFFF  }
0xa7: {  	s26 =	simm.s32 $execute0_lowered;
	[smem:$0x3FD2] =	sst s25  }
0xa8: {  	s7 =	sshll.u32 s26, $0x1;
	_ =	strace $0x80000046;
	[dreg:$0x1] =	wrdreg $0xFFFFFFFF  }
0xa9: {  	s28 =	simm.s32 $_size_execute0_lowered;
	s5 =	sadd.s32 s5, s7;
	[dreg:$0x0] =	wrdreg $0x0  }
0xaa: {  	s7 =	sshll.u32 s28, $0x1;
	[dreg:$0x2] =	wrdreg s5  }
0xab: {  	[dreg:$0x3] =	wrdreg s7  }
0xac: {  	[dreg:$0x4] =	wrdreg $0xC0  }
0xad: {  	_ =	task [dreg:s9], $0x5FFFF  }
0xae: {  	[dreg:$0x1] =	wrdreg $0xFFFFFFFF  }
0xaf: {  	[dreg:$0x0] =	wrdreg $0x60  }
0xb0: {  	[dreg:$0x2] =	wrdreg s24  }
0xb1: {  	[dreg:$0x3] =	wrdreg s2  }
0xb2: {  	[dreg:$0x4] =	wrdreg s18  }
0xb3: {  	[dreg:$0x5] =	wrdreg s4  }
0xb4: {  	[dreg:$0x6] =	wrdreg $0x9  }
0xb5: {  	_ =	task.clear_ibuf [dreg:s9], $0x7FFFF;
	_ =	strace $0x90000046  }
0xb6: {  	s29 =	simm.s32 $0x9;
	_ =	strace $0x80000048  }
0xb7: {  	_ =	swait.ge [sflag:s29], $0x1  }
0xb8: {  	[sflag:s29] =	ssyncadd.s32 $0xFFFFFFFF  }
0xb9: {  	_ =	strace $0x90000048  }
0xba: {  	_ =	sfence  }
0xbb: {  	s30 =	sld [smem:$0x0];
	_ =	sdelay $0x2  }
0xbc: {  	s31 =	sshll.u32 s1, $0xD;
	s1 =	sshrl.u32 s1, $0x2  }
0xbd: {  	s3 =	sand.u32 $0x4000, s31;
	s1 =	sadd.s32 s1, s30  }
0xbe: {  	s0 =	sor.u32 s3, s0;
	s1 =	sshll.u32 s1, $0x11  }
0xbf: {  	s0 =	sor.u32 s1, s0  }
0xc0: {  	s0 =	sadd.s32 $0x8F2B, s0  }
0xc1: {  	[sflag:s0] =	ssyncadd.remote.s32 $0x1  }
0xc2: {  	_ =	sfence.sel $0xFFFF  }
0xc3: {  	[dreg:$0x0] =	wrdreg $0xFFFFFFFF;
	(pc) =	sbr.abs _section_cstart, $3  }
0xc4: {  	[dreg:$0x1] =	wrdreg $0xFFFFFFFF  }
0xc5: {  	_ =	task.clear_ibuf [dreg:s9], $0x2FFFF;
	_ =	strace $0x9FFFFFFF  }
0xc6: {  	(tm) =	ssettm $0x7FFFFFFF  }
0xc7: {  	_ =	shalt  }
tec
execute0_lowered:
.L_overlay_start_1:
0x0: {  	(tag) =	ssettag $0x1  }
0x1: {  	v0 =	vimm.s32 $0xB80;
	vm14 =	vcmask $0x300;
	vm13 =	vcmask $0x704  }
0x2: {  	vm12 =	vcmask $0xB08;
	vm11 =	vcmask $0xF0C;
	vm10 =	vcmask $0x1310  }
0x3: {  	vm9 =	vcmask $0x1714;
	vm8 =	vcmask $0x1B18;
	vm7 =	vcmask $0x1F1C  }
0x4: {  	vm6 =	vcmask $0x2320;
	vm5 =	vcmask $0x2724;
	vm4 =	vcmask $0x2B28  }
0x5: {  	vm2 =	vcmask $0x2F2C;
	v1 =	vlaneseq.u32;
	vm3 =	vcmask $0x3330  }
0x6: {  	vm1 =	vcmask $0x3734;
	vm0 =	vcmask $0x3B38;
	v3 =	vimm.s32 $0x1B80  }
0x7: {  	v4 =	vimm.s32 $0x2B80;
	v5 =	vimm.s32 $0x3B80;
	v0 =	vsel vm14, $0x0, v0  }
0x8: {  	s1 =	rddreg [dreg:$0x0];
	v3 =	vsel vm14, $0x1000, v3;
	v4 =	vsel vm14, $0x2000, v4;
	v5 =	vsel vm14, $0x3000, v5  }
0x9: {  	s0 =	rddreg [dreg:$0x1];
	v0 =	vsel vm13, $0x80, v0;
	v3 =	vsel vm13, $0x1080, v3;
	v4 =	vsel vm13, $0x2080, v4  }
0xa: {  	s2 =	rddreg [dreg:$0x2];
	v5 =	vsel vm13, $0x3080, v5;
	v0 =	vsel vm12, $0x100, v0;
	v3 =	vsel vm12, $0x1100, v3  }
0xb: {  	s3 =	rddreg [dreg:$0x3];
	v4 =	vsel vm12, $0x2100, v4;
	v5 =	vsel vm12, $0x3100, v5;
	v0 =	vsel vm11, $0x180, v0  }
0xc: {  	s4 =	srdreg.scid;
	s7 =	stileid.u32;
	v3 =	vsel vm11, $0x1180, v3;
	v4 =	vsel vm11, $0x2180, v4;
	v5 =	vsel vm11, $0x3180, v5  }
0xd: {  	s6 =	simm.s32 $0x0;
	s11 =	simm.s32 $0x180;
	s15 =	simm.s32 $0x6180;
	v0 =	vsel vm10, $0x200, v0;
	v3 =	vsel vm10, $0x1200, v3;
	v4 =	vsel vm10, $0x2200, v4  }
0xe: {  	s9 =	simm.s32 $0xA180;
	s17 =	simm.s32 $0xC180;
	s13 =	simm.s32 $0xE180;
	v5 =	vsel vm10, $0x3200, v5;
	v0 =	vsel vm9, $0x280, v0;
	v3 =	vsel vm9, $0x1280, v3  }
0xf: {  	s8 =	simm.s32 $0x10180;
	s30 =	simm.s32 $0x12180;
	s18 =	simm.s32 $0x6180;
	v4 =	vsel vm9, $0x2280, v4;
	v5 =	vsel vm9, $0x3280, v5;
	v0 =	vsel vm8, $0x300, v0  }
0x10: {  	s10 =	simm.s32 $0x8180;
	s19 =	simm.s32 $0x8180;
	s12 =	simm.s32 $0x7A1400;
	v3 =	vsel vm8, $0x1300, v3;
	v4 =	vsel vm8, $0x2300, v4;
	v5 =	vsel vm8, $0x3300, v5  }
0x11: {  	s20 =	simm.s32 $0xA180;
	s21 =	simm.s32 $0xC180;
	s31 =	simm.s32 $0x6;
	v0 =	vsel vm7, $0x380, v0;
	v3 =	vsel vm7, $0x1380, v3;
	v4 =	vsel vm7, $0x2380, v4  }
0x12: {  	s14 =	simm.s32 $0xE180;
	s22 =	simm.s32 $0x10180;
	s16 =	simm.s32 $0x8;
	v5 =	vsel vm7, $0x3380, v5;
	v0 =	vsel vm6, $0x800, v0;
	v3 =	vsel vm6, $0x1800, v3  }
0x13: {  	s4 =	sand.u32 $0x1, s4;
	s5 =	sshll.u32 s7, $0x1;
	[smem:$0x7FF] =	sst s6;
	v4 =	vsel vm6, $0x2800, v4;
	v5 =	vsel vm6, $0x3800, v5;
	v0 =	vsel vm5, $0x880, v0  }
0x14: {  	s24 =	sshll.u32 s7, $0xC;
	s7 =	simm.s32 $0x7A1400;
	s5 =	sor.u32 s4, s5;
	v3 =	vsel vm5, $0x1880, v3;
	v4 =	vsel vm5, $0x2880, v4;
	v5 =	vsel vm5, $0x3880, v5  }
0x15: {  	_ =	strace $0x80000047;
	s4 =	ssub.s32 $0x2, s4;
	s6 =	sand.u32 $0xC000, s24;
	v0 =	vsel vm4, $0x900, v0;
	v3 =	vsel vm4, $0x1900, v3;
	v4 =	vsel vm4, $0x2900, v4  }
0x16: {  	s23 =	sshll.u32 s5, $0x5;
	s25 =	sshrl.u32 s4, $0x1;
	s5 =	sshll.u32 s5, $0x8;
	v5 =	vsel vm4, $0x3900, v5;
	v2 =	vsel vm2, $0x980, v0;
	v0 =	vmul.u32 $0x80, v1  }
0x17: {  	s3 =	sadd.s32 s3, s6;
	s6 =	simm.s32 $0x400;
	s1 =	sadd.s32 s23, s1;
	v3 =	vsel vm2, $0x1980, v3;
	v4 =	vsel vm2, $0x2980, v4;
	v5 =	vsel vm2, $0x3980, v5  }
.Ltmp0:
0x18: {  	s5 =	sand.u32 $0x700, s5;
	s1 =	sadd.s32 $0x400, s1;
	v1 =	vsel vm3, $0xA00, v2;
	v3 =	vsel vm3, $0x1A00, v3;
	v6 =	vsel vm3, $0x2A00, v4;
	(pc) =	sbr.rel .LBB2_1-.Ltmp0, $4  }
0x19: {  	s4 =	ssub.s32 s4, s25;
	s26 =	sadd.s32 s2, s5;
	[dreg:$0x5] =	wrdreg s1;
	v5 =	vsel vm3, $0x3A00, v5;
	v1 =	vsel vm1, $0xA80, v1;
	v2 =	vor.u32 $0x800, v0  }
0x1a: {  	s28 =	sadd.s32 s5, s3;
	s29 =	smax.u32 s4, $0x1;
	[dreg:$0x6] =	wrdreg s26;
	v3 =	vsel vm1, $0x1A80, v3;
	v4 =	vor.u32 $0x1000, v0;
	v6 =	vsel vm1, $0x2A80, v6  }
0x1b: {  	s3 =	simm.s32 $0x9;
	s4 =	simm.s32 $0x800;
	[dreg:$0x7] =	wrdreg s28;
	v7 =	vsel vm1, $0x3A80, v5;
	v1 =	vsel vm0, $0xB00, v1;
	v3 =	vsel vm0, $0x1B00, v3  }
0x1c: {  	s5 =	simm.s32 $0x4000;
	s2 =	simm.s32 $0x0;
	[dreg:$0x8] =	wrdreg s29;
	v5 =	vsel vm0, $0x2B00, v6;
	v6 =	vor.u32 $0x1800, v0;
	v7 =	vsel vm0, $0x3B00, v7  }
.LBB2_4:
0x1d: {  	s1 =	rddreg [dreg:$0x7]  }
0x1e: {  	s4 =	simm.s32 $0x800;
	s5 =	simm.s32 $0x4000;
	s3 =	simm.s32 $0x9  }
0x1f: {  	[hbm4b:s1+s4] =	stream.strided.scatter [tilespmem:s11], [sflag:$0x9], $0x4000, s5, s4, $0x38;
	[tilespmem:$0x14180] =	vst v63  }
0x20: {  	_ =	swait.ge [sflag:s3], $0x4000  }
0x21: {  	s2 =	rddreg [dreg:$0x9]  }
0x22: {  	s29 =	rddreg [dreg:$0x8];
	s2 =	sadd.s32 $0x1, s2  }
0x23: {  	p0 =	sne.s32 s2, s29  }
.Ltmp1:
0x24: {  	_ = 	snop;
	(pc) =	sbr.rel @!p0 .LBB2_5-.Ltmp1, $3  }
0x25: {  	_ =	sdelay $0x1  }
0x26: {  	[sflag:s3] =	ssyncset.done $0x0  }
0x27: {  	s6 =	simm.s32 $0x400;
	s7 =	simm.s32 $0x7A1400;
	[sflag:s3] =	ssyncadd.s32 $0xFFFFC000  }
.LBB2_1:
0x28: {  	[dreg:$0x9] =	wrdreg s2  }
0x29: {  	s1 =	simm.s32 $0x0;
	s24 =	rddreg [dreg:$0x5]  }
0x2a: {  	[tilespmem:s1], [sflag:$0x9] =	stream.linear.gather [hbm4b:s24+s1], $0x100, $0x38;
	[tilespmem:$0x14180] =	vst v63  }
0x2b: {  	_ =	swait.ge [sflag:s3], $0x100  }
0x2c: {  	[sflag:s3] =	ssyncset.done $0x0  }
0x2d: {  	s25 =	rddreg [dreg:$0x6];
	[sflag:s3] =	ssyncadd.s32 $0xFFFFFF00  }
0x2e: {  	[tilespmem:s11], [sflag:$0x9] =	stream.strided.gather [hbm4b:s25+s4], $0x4000, s5, s4, $0x38;
	[tilespmem:$0x14180] =	vst v63  }
0x2f: {  	_ =	swait.ge [sflag:s3], $0x4000  }
0x30: {  	[sflag:s3] =	ssyncset.done $0x0  }
0x31: {  	[sflag:s3] =	ssyncadd.s32 $0xFFFFC000  }
0x32: {  	v8 =	vld [tilespmem:$0x0];
	_ =	sdelay $0x4  }
0x33: {  	(v2sf) =	vpush v8, $0x0;
	_ =	sdelay $0x5  }
0x34: {  	(v2sf) =	vpush v8, $0x1;
	_ =	sdelay $0x8  }
0x35: {  	s26 =	spop (v2sf)  }
0x36: {  	(v2sf) =	vpush v8, $0x2;
	s28 =	sand.u32 $0x7F, s26  }
0x37: {  	s29 =	sshra.s32 s26, $0x1F;
	p1 =	slt.s32 s26, $0x1;
	p0 =	sne.s32 s28, $0x0  }
0x38: {  	s2 =	sshrl.u32 s29, $0x19;
	p0 =	por !p1, !p0  }
0x39: {  	s1 =	sadd.s32 s2, s26;
	s2 =	simm.s32 $0x1;
	p0 =	por !p0, !p0  }
0x3a: {  	s1 =	sshrl.u32 s1, $0x7;
	s2 =	simm.s32 @!p0 $0x0  }
0x3b: {  	s3 =	simm.s32 $0x4180;
	s4 =	spop (v2sf);
	s1 =	ssub.s32 s1, s2  }
0x3c: {  	s5 =	sand.u32 $0x7F, s4;
	s23 =	sshra.s32 s4, $0x1F;
	s1 =	sshll.u32 s1, $0x7  }
0x3d: {  	(v2sf) =	vpush v8, $0x3;
	p6 =	slt.s32 s4, $0x1;
	p5 =	sne.s32 s5, $0x0;
	s1 =	sand.u32 $0x1FFFFF80, s1  }
0x3e: {  	p0 =	por !p6, !p5;
	s2 =	sshrl.u32 s23, $0x19;
	s1 =	sadd.s32 s0, s1  }
0x3f: {  	[tilespmem:s3], [sflag:$0x1] =	stream.strided.gather [hbm4b:s1+s6], $0x2000, s7, s6, $0x38;
	[tilespmem:$0x14180] =	vst v63  }
0x40: {  	p0 =	por !p0, !p0;
	s1 =	sadd.s32 s2, s4;
	s2 =	simm.s32 $0x1  }
0x41: {  	s1 =	sshrl.u32 s1, $0x7;
	s2 =	simm.s32 @!p0 $0x0  }
0x42: {  	s1 =	ssub.s32 s1, s2  }
0x43: {  	s1 =	sshll.u32 s1, $0x7  }
0x44: {  	s1 =	sand.u32 $0x1FFFFF80, s1  }
0x45: {  	s1 =	sadd.s32 s0, s1;
	s24 =	spop (v2sf)  }
0x46: {  	[tilespmem:s15], [sflag:$0x2] =	stream.strided.gather [hbm4b:s1+s6], $0x2000, s7, s6, $0x38;
	[tilespmem:$0x14180] =	vst v63  }
0x47: {  	(v2sf) =	vpush v8, $0x4;
	s25 =	sand.u32 $0x7F, s24  }
0x48: {  	s26 =	sshra.s32 s24, $0x1F;
	p2 =	slt.s32 s24, $0x1;
	p1 =	sne.s32 s25, $0x0  }
0x49: {  	s2 =	sshrl.u32 s26, $0x19;
	p0 =	por !p2, !p1  }
0x4a: {  	s1 =	sadd.s32 s2, s24;
	s2 =	simm.s32 $0x1;
	p0 =	por !p0, !p0  }
0x4b: {  	s1 =	sshrl.u32 s1, $0x7;
	s2 =	simm.s32 @!p0 $0x0  }
0x4c: {  	s28 =	spop (v2sf);
	s1 =	ssub.s32 s1, s2  }
0x4d: {  	s29 =	sand.u32 $0x7F, s28;
	s3 =	sshra.s32 s28, $0x1F;
	s1 =	sshll.u32 s1, $0x7  }
0x4e: {  	p4 =	slt.s32 s28, $0x1;
	p3 =	sne.s32 s29, $0x0;
	s1 =	sand.u32 $0x1FFFFF80, s1  }
0x4f: {  	p0 =	por !p4, !p3;
	s2 =	sshrl.u32 s3, $0x19;
	s1 =	sadd.s32 s0, s1  }
0x50: {  	(v2sf) =	vpush v8, $0x5;
	[tilespmem:s10], [sflag:$0x3] =	stream.strided.gather [hbm4b:s1+s6], $0x2000, s7, s6, $0x38;
	[tilespmem:$0x14180] =	vst v63  }
0x51: {  	p0 =	por !p0, !p0;
	s1 =	sadd.s32 s2, s28;
	s2 =	simm.s32 $0x1  }
0x52: {  	s1 =	sshrl.u32 s1, $0x7;
	s2 =	simm.s32 @!p0 $0x0  }
0x53: {  	s1 =	ssub.s32 s1, s2  }
0x54: {  	s1 =	sshll.u32 s1, $0x7  }
0x55: {  	s1 =	sand.u32 $0x1FFFFF80, s1  }
0x56: {  	s1 =	sadd.s32 s0, s1;
	s4 =	spop (v2sf)  }
0x57: {  	[tilespmem:s9], [sflag:$0x4] =	stream.strided.gather [hbm4b:s1+s6], $0x2000, s7, s6, $0x38;
	[tilespmem:$0x14180] =	vst v63  }
0x58: {  	(v2sf) =	vpush v8, $0x6;
	s5 =	sand.u32 $0x7F, s4  }
0x59: {  	s9 =	sshra.s32 s4, $0x1F;
	p6 =	slt.s32 s4, $0x1;
	p5 =	sne.s32 s5, $0x0  }
0x5a: {  	s2 =	sshrl.u32 s9, $0x19;
	p0 =	por !p6, !p5  }
0x5b: {  	s1 =	sadd.s32 s2, s4;
	s2 =	simm.s32 $0x1;
	p0 =	por !p0, !p0  }
0x5c: {  	s1 =	sshrl.u32 s1, $0x7;
	s2 =	simm.s32 @!p0 $0x0  }
0x5d: {  	s1 =	ssub.s32 s1, s2  }
0x5e: {  	s1 =	sshll.u32 s1, $0x7  }
0x5f: {  	s10 =	spop (v2sf);
	(v2sf) =	vpush v8, $0x7;
	s1 =	sand.u32 $0x1FFFFF80, s1  }
0x60: {  	s15 =	sand.u32 $0x7F, s10;
	s1 =	sadd.s32 s0, s1  }
0x61: {  	[tilespmem:s17], [sflag:$0x5] =	stream.strided.gather [hbm4b:s1+s6], $0x2000, s7, s6, $0x38;
	[tilespmem:$0x14180] =	vst v63  }
0x62: {  	p2 =	slt.s32 s10, $0x1;
	p1 =	sne.s32 s15, $0x0;
	s17 =	sshra.s32 s10, $0x1F  }
0x63: {  	p0 =	por !p2, !p1;
	s2 =	sshrl.u32 s17, $0x19  }
0x64: {  	p0 =	por !p0, !p0;
	s1 =	sadd.s32 s2, s10;
	s2 =	simm.s32 $0x1  }
0x65: {  	s1 =	sshrl.u32 s1, $0x7;
	s2 =	simm.s32 @!p0 $0x0  }
0x66: {  	s1 =	ssub.s32 s1, s2  }
0x67: {  	s1 =	sshll.u32 s1, $0x7;
	s23 =	spop (v2sf)  }
0x68: {  	s1 =	sand.u32 $0x1FFFFF80, s1;
	s24 =	sand.u32 $0x7F, s23;
	s25 =	sshra.s32 s23, $0x1F  }
0x69: {  	p4 =	slt.s32 s23, $0x1;
	s1 =	sadd.s32 s0, s1;
	p3 =	sne.s32 s24, $0x0  }
0x6a: {  	[tilespmem:s13], [sflag:$0x6] =	stream.strided.gather [hbm4b:s1+s6], $0x2000, s7, s6, $0x38;
	[tilespmem:$0x14180] =	vst v63  }
0x6b: {  	s1 =	sshrl.u32 s25, $0x19;
	p0 =	por !p4, !p3  }
0x6c: {  	s2 =	simm.s32 $0x1;
	s1 =	sadd.s32 s1, s23;
	p0 =	por !p0, !p0  }
0x6d: {  	s1 =	sshrl.u32 s1, $0x7;
	s2 =	simm.s32 @!p0 $0x0  }
0x6e: {  	s26 =	spop (v2sf);
	s1 =	ssub.s32 s1, s2  }
0x6f: {  	s28 =	sand.u32 $0x7F, s26;
	s29 =	sshra.s32 s26, $0x1F;
	s1 =	sshll.u32 s1, $0x7  }
0x70: {  	p6 =	slt.s32 s26, $0x1;
	p5 =	sne.s32 s28, $0x0;
	s1 =	sand.u32 $0x1FFFFF80, s1  }
0x71: {  	p0 =	por !p6, !p5;
	s2 =	sshrl.u32 s29, $0x19;
	s1 =	sadd.s32 s0, s1  }
0x72: {  	[tilespmem:s8], [sflag:$0x7] =	stream.strided.gather [hbm4b:s1+s6], $0x2000, s7, s6, $0x38;
	[tilespmem:$0x14180] =	vst v63  }
0x73: {  	p0 =	por !p0, !p0;
	s1 =	sadd.s32 s2, s26;
	s2 =	simm.s32 $0x1  }
0x74: {  	s1 =	sshrl.u32 s1, $0x7;
	s2 =	simm.s32 @!p0 $0x0  }
0x75: {  	s1 =	ssub.s32 s1, s2  }
0x76: {  	s1 =	sshll.u32 s1, $0x7  }
0x77: {  	s1 =	sand.u32 $0x1FFFFF80, s1  }
0x78: {  	s1 =	sadd.s32 s0, s1  }
0x79: {  	[tilespmem:s30], [sflag:$0x8] =	stream.strided.gather [hbm4b:s1+s6], $0x2000, s7, s6, $0x38;
	[tilespmem:$0x14180] =	vst v63  }
0x7a: {  	s2 =	simm.s32 $0x10;
	s1 =	simm.s32 $0xF  }
.LBB2_2:
0x7b: {  	v9 =	vld [tilespmem:s2+$0xFFFFFFF0];
	_ =	sdelay $0x4  }
0x7c: {  	(v2sf) =	vpush v9, $0x0;
	_ =	sdelay $0xe  }
0x7d: {  	s3 =	spop (v2sf)  }
0x7e: {  	s4 =	sshra.s32 s3, $0x1F  }
0x7f: {  	s4 =	sshrl.u32 s4, $0x19  }
0x80: {  	s4 =	sadd.s32 s4, s3  }
0x81: {  	s4 =	sand.u32 $0xFFFFFF80, s4  }
0x82: {  	[dreg:$0xa] =	wrdreg s2;
	s5 =	simm.s32 $0x1;
	s4 =	ssub.s32 s3, s4  }
0x83: {  	v8 =	vld [tilespmem:s2+$0x0];
	s2 =	sadd.s32 $0xFFFFFFF1, s1;
	_ =	swait.ge [sflag:s5], $0x2000;
	v10 =	vadd.s32 s4, v0  }
0x84: {  	v11 =	vmov s2;
	(v2sf) =	vpush v9, $0x8  }
0x85: {  	v12 =	vshll.u32 v11, $0x3  }
0x86: {  	v11 =	vand.u32 $0x70, v11;
	v12 =	vand.u32 $0x400, v12;
	[sflag:s5] =	ssyncset.done $0x0  }
0x87: {  	s17 =	simm.s32 $0x4180;
	v11 =	vor.u32 v11, v12;
	[sflag:s5] =	ssyncadd.s32 $0xFFFFE000  }
0x88: {  	v12 =	vor.u32 v1, v11;
	v10 =	vld.idx.msk [tilespmem:v10+s17+$0x0], $0xffff  }
0x89: {  	v13 =	vadd.s32 s4, v2;
	_ =	sdelay $0x2  }
0x8a: {  	(v2sf) =	vpush v9, $0x1  }
0x8b: {  	[tilespmem:v12+s11+$0x0] =	vst.idx.add.f32.msk $0xffff, v10  }
0x8c: {  	v45 =	vor.u32 v3, v11;
	v10 =	vld.idx.msk [tilespmem:v13+s17+$0x0], $0xffff  }
0x8d: {  	v46 =	vadd.s32 s4, v4;
	_ =	sdelay $0x3  }
0x8e: {  	s3 =	spop (v2sf);
	[tilespmem:v45+s11+$0x0] =	vst.idx.add.f32.msk $0xffff, v10  }
0x8f: {  	v47 =	vor.u32 v5, v11;
	s5 =	sshra.s32 s3, $0x1F;
	v10 =	vld.idx.msk [tilespmem:v46+s17+$0x0], $0xffff  }
0x90: {  	v48 =	vadd.s32 s4, v6;
	s8 =	sshrl.u32 s5, $0x19  }
0x91: {  	s4 =	sadd.s32 s8, s3  }
0x92: {  	s10 =	sand.u32 $0xFFFFFF80, s4  }
0x93: {  	p0 =	slt.s32 s3, $0x1;
	p1 =	sne.s32 s3, s10  }
0x94: {  	p0 =	por !p0, !p1;
	[tilespmem:v47+s11+$0x0] =	vst.idx.add.f32.msk $0xffff, v10  }
0x95: {  	v11 =	vor.u32 v7, v11;
	s5 =	simm.s32 $0x1;
	p0 =	por !p0, !p0;
	v10 =	vld.idx.msk [tilespmem:v48+s17+$0x0], $0xffff  }
0x96: {  	s9 =	spop (v2sf);
	s4 =	sshrl.u32 s4, $0x7;
	s5 =	simm.s32 @!p0 $0x0  }
0x97: {  	s13 =	sshra.s32 s9, $0x1F;
	s4 =	ssub.s32 s4, s5  }
0x98: {  	s5 =	sshrl.u32 s13, $0x19;
	s4 =	sshll.u32 s4, $0x7  }
0x99: {  	s5 =	sadd.s32 s5, s9;
	s4 =	sand.u32 $0x1FFFFF80, s4  }
0x9a: {  	s5 =	sand.u32 $0xFFFFFF80, s5;
	s4 =	sadd.s32 s0, s4;
	[tilespmem:v11+s11+$0x0] =	vst.idx.add.f32.msk $0xffff, v10  }
0x9b: {  	[tilespmem:s17], [sflag:$0x1] =	stream.strided.gather [hbm4b:s4+s6], $0x2000, s7, s6, $0x38;
	[tilespmem:$0x14180] =	vst v63  }
0x9c: {  	s23 =	simm.s32 $0x2;
	s4 =	ssub.s32 s9, s5  }
0x9d: {  	s15 =	sadd.s32 $0xFFFFFFF2, s1;
	_ =	swait.ge [sflag:s23], $0x2000;
	v10 =	vadd.s32 s4, v0  }
0x9e: {  	v11 =	vmov s15;
	(v2sf) =	vpush v9, $0x9  }
0x9f: {  	v49 =	vshll.u32 v11, $0x3  }
0xa0: {  	v11 =	vand.u32 $0x71, v11;
	v12 =	vand.u32 $0x400, v49;
	[sflag:s23] =	ssyncset.done $0x0  }
0xa1: {  	v11 =	vor.u32 v11, v12;
	[sflag:s23] =	ssyncadd.s32 $0xFFFFE000  }
0xa2: {  	v12 =	vor.u32 v1, v11;
	v10 =	vld.idx.msk [tilespmem:v10+s18+$0x0], $0xffff  }
0xa3: {  	v50 =	vadd.s32 s4, v2;
	_ =	sdelay $0x2  }
0xa4: {  	(v2sf) =	vpush v9, $0x2  }
0xa5: {  	[tilespmem:v12+s11+$0x0] =	vst.idx.add.f32.msk $0xffff, v10  }
0xa6: {  	v51 =	vor.u32 v3, v11;
	v10 =	vld.idx.msk [tilespmem:v50+s18+$0x0], $0xffff  }
0xa7: {  	v52 =	vadd.s32 s4, v4;
	_ =	sdelay $0x3  }
0xa8: {  	[tilespmem:v51+s11+$0x0] =	vst.idx.add.f32.msk $0xffff, v10;
	s9 =	spop (v2sf)  }
0xa9: {  	v53 =	vor.u32 v5, v11;
	v10 =	vld.idx.msk [tilespmem:v52+s18+$0x0], $0xffff;
	s24 =	sshra.s32 s9, $0x1F  }
0xaa: {  	v54 =	vadd.s32 s4, v6;
	s25 =	sshrl.u32 s24, $0x19  }
0xab: {  	s4 =	sadd.s32 s25, s9  }
0xac: {  	s26 =	sand.u32 $0xFFFFFF80, s4  }
0xad: {  	p5 =	slt.s32 s9, $0x1;
	p6 =	sne.s32 s9, s26  }
0xae: {  	[tilespmem:v53+s11+$0x0] =	vst.idx.add.f32.msk $0xffff, v10;
	p0 =	por !p5, !p6  }
0xaf: {  	s6 =	simm.s32 $0x1;
	v11 =	vor.u32 v7, v11;
	v10 =	vld.idx.msk [tilespmem:v54+s18+$0x0], $0xffff;
	p0 =	por !p0, !p0  }
0xb0: {  	s28 =	spop (v2sf);
	s4 =	sshrl.u32 s4, $0x7;
	s6 =	simm.s32 @!p0 $0x0  }
0xb1: {  	s29 =	sshra.s32 s28, $0x1F;
	s4 =	ssub.s32 s4, s6  }
0xb2: {  	s6 =	sshrl.u32 s29, $0x19;
	s4 =	sshll.u32 s4, $0x7  }
0xb3: {  	s6 =	sadd.s32 s6, s28;
	s4 =	sand.u32 $0x1FFFFF80, s4  }
0xb4: {  	s5 =	simm.s32 $0x400;
	s6 =	sand.u32 $0xFFFFFF80, s6;
	[tilespmem:v11+s11+$0x0] =	vst.idx.add.f32.msk $0xffff, v10;
	s4 =	sadd.s32 s0, s4  }
0xb5: {  	[tilespmem:s18], [sflag:$0x2] =	stream.strided.gather [hbm4b:s4+s5], $0x2000, s7, s5, $0x38;
	[tilespmem:$0x14180] =	vst v63  }
0xb6: {  	[dreg:$0xb] =	wrdreg s26;
	s6 =	ssub.s32 s28, s6;
	s7 =	simm.s32 $0x3  }
0xb7: {  	s2 =	sadd.s32 $0xFFFFFFF3, s1;
	v10 =	vadd.s32 s6, v0;
	_ =	swait.ge [sflag:s7], $0x2000  }
0xb8: {  	v11 =	vmov s2;
	(v2sf) =	vpush v9, $0xA  }
0xb9: {  	v55 =	vshll.u32 v11, $0x3  }
0xba: {  	v11 =	vand.u32 $0x72, v11;
	v12 =	vand.u32 $0x400, v55;
	[sflag:s7] =	ssyncset.done $0x0  }
0xbb: {  	v11 =	vor.u32 v11, v12;
	[sflag:s7] =	ssyncadd.s32 $0xFFFFE000  }
0xbc: {  	v12 =	vor.u32 v1, v11;
	v10 =	vld.idx.msk [tilespmem:v10+s19+$0x0], $0xffff  }
0xbd: {  	v56 =	vadd.s32 s6, v2;
	_ =	sdelay $0x1  }
0xbe: {  	(v2sf) =	vpush v9, $0x3;
	_ =	sdelay $0x1  }
0xbf: {  	[tilespmem:v12+s11+$0x0] =	vst.idx.add.f32.msk $0xffff, v10  }
0xc0: {  	v57 =	vor.u32 v3, v11;
	v10 =	vld.idx.msk [tilespmem:v56+s19+$0x0], $0xffff  }
0xc1: {  	v58 =	vadd.s32 s6, v4;
	_ =	sdelay $0x3  }
0xc2: {  	[tilespmem:v57+s11+$0x0] =	vst.idx.add.f32.msk $0xffff, v10;
	s4 =	spop (v2sf)  }
0xc3: {  	v59 =	vor.u32 v5, v11;
	v10 =	vld.idx.msk [tilespmem:v58+s19+$0x0], $0xffff;
	s8 =	sshra.s32 s4, $0x1F  }
0xc4: {  	v60 =	vadd.s32 s6, v6;
	s13 =	sshrl.u32 s8, $0x19  }
0xc5: {  	s6 =	sadd.s32 s13, s4  }
0xc6: {  	s7 =	sand.u32 $0xFFFFFF80, s6  }
0xc7: {  	p1 =	slt.s32 s4, $0x1;
	p2 =	sne.s32 s4, s7  }
0xc8: {  	[tilespmem:v59+s11+$0x0] =	vst.idx.add.f32.msk $0xffff, v10;
	p0 =	por !p1, !p2  }
0xc9: {  	v11 =	vor.u32 v7, v11;
	s15 =	spop (v2sf);
	s8 =	simm.s32 $0x1;
	v10 =	vld.idx.msk [tilespmem:v60+s19+$0x0], $0xffff;
	p0 =	por !p0, !p0  }
0xca: {  	s23 =	sshra.s32 s15, $0x1F;
	s6 =	sshrl.u32 s6, $0x7;
	s8 =	simm.s32 @!p0 $0x0  }
0xcb: {  	s6 =	ssub.s32 s6, s8;
	s8 =	sshrl.u32 s23, $0x19  }
0xcc: {  	s6 =	sshll.u32 s6, $0x7;
	s8 =	sadd.s32 s8, s15  }
0xcd: {  	s6 =	sand.u32 $0x1FFFFF80, s6;
	s8 =	sand.u32 $0xFFFFFF80, s8  }
0xce: {  	s25 =	simm.s32 $0x4;
	[tilespmem:v11+s11+$0x0] =	vst.idx.add.f32.msk $0xffff, v10;
	s6 =	sadd.s32 s0, s6;
	s8 =	ssub.s32 s15, s8  }
0xcf: {  	[tilespmem:s19], [sflag:$0x3] =	stream.strided.gather [hbm4b:s6+s5], $0x2000, s12, s5, $0x38;
	[tilespmem:$0x14180] =	vst v63  }
0xd0: {  	s24 =	sadd.s32 $0xFFFFFFF4, s1;
	v10 =	vadd.s32 s8, v0;
	_ =	swait.ge [sflag:s25], $0x2000  }
0xd1: {  	v11 =	vmov s24;
	(v2sf) =	vpush v9, $0xB  }
0xd2: {  	v61 =	vshll.u32 v11, $0x3  }
0xd3: {  	v11 =	vand.u32 $0x73, v11;
	v12 =	vand.u32 $0x400, v61;
	[sflag:s25] =	ssyncset.done $0x0  }
0xd4: {  	v11 =	vor.u32 v11, v12;
	[sflag:s25] =	ssyncadd.s32 $0xFFFFE000  }
0xd5: {  	v12 =	vor.u32 v1, v11;
	v10 =	vld.idx.msk [tilespmem:v10+s20+$0x0], $0xffff  }
0xd6: {  	v62 =	vadd.s32 s8, v2;
	_ =	sdelay $0x1  }
0xd7: {  	(v2sf) =	vpush v9, $0x4;
	_ =	sdelay $0x1  }
0xd8: {  	[tilespmem:v12+s11+$0x0] =	vst.idx.add.f32.msk $0xffff, v10  }
0xd9: {  	v63 =	vor.u32 v3, v11;
	v10 =	vld.idx.msk [tilespmem:v62+s20+$0x0], $0xffff  }
0xda: {  	v16 =	vadd.s32 s8, v4;
	_ =	sdelay $0x3  }
0xdb: {  	[tilespmem:v63+s11+$0x0] =	vst.idx.add.f32.msk $0xffff, v10;
	s6 =	spop (v2sf)  }
0xdc: {  	v17 =	vor.u32 v5, v11;
	v10 =	vld.idx.msk [tilespmem:v16+s20+$0x0], $0xffff;
	s13 =	sshra.s32 s6, $0x1F  }
0xdd: {  	v18 =	vadd.s32 s8, v6;
	s26 =	sshrl.u32 s13, $0x19  }
0xde: {  	s8 =	sadd.s32 s26, s6  }
0xdf: {  	s28 =	sand.u32 $0xFFFFFF80, s8  }
0xe0: {  	p3 =	slt.s32 s6, $0x1;
	p4 =	sne.s32 s6, s28  }
0xe1: {  	[tilespmem:v17+s11+$0x0] =	vst.idx.add.f32.msk $0xffff, v10;
	p0 =	por !p3, !p4  }
0xe2: {  	v11 =	vor.u32 v7, v11;
	s29 =	spop (v2sf);
	s13 =	simm.s32 $0x1;
	v10 =	vld.idx.msk [tilespmem:v18+s20+$0x0], $0xffff;
	p0 =	por !p0, !p0  }
0xe3: {  	s2 =	sshra.s32 s29, $0x1F;
	s8 =	sshrl.u32 s8, $0x7;
	s13 =	simm.s32 @!p0 $0x0  }
0xe4: {  	s8 =	ssub.s32 s8, s13;
	s13 =	sshrl.u32 s2, $0x19  }
0xe5: {  	s8 =	sshll.u32 s8, $0x7;
	s13 =	sadd.s32 s13, s29  }
0xe6: {  	s23 =	simm.s32 $0x5;
	s8 =	sand.u32 $0x1FFFFF80, s8;
	s13 =	sand.u32 $0xFFFFFF80, s13  }
0xe7: {  	[dreg:$0xc] =	wrdreg s28;
	[tilespmem:v11+s11+$0x0] =	vst.idx.add.f32.msk $0xffff, v10;
	s8 =	sadd.s32 s0, s8;
	s13 =	ssub.s32 s29, s13  }
0xe8: {  	[tilespmem:s20], [sflag:$0x4] =	stream.strided.gather [hbm4b:s8+s5], $0x2000, s12, s5, $0x38;
	[tilespmem:$0x14180] =	vst v63  }
0xe9: {  	s15 =	sadd.s32 $0xFFFFFFF5, s1;
	v10 =	vadd.s32 s13, v0;
	_ =	swait.ge [sflag:s23], $0x2000  }
0xea: {  	v11 =	vmov s15;
	(v2sf) =	vpush v9, $0xC  }
0xeb: {  	v19 =	vshll.u32 v11, $0x3  }
0xec: {  	v11 =	vand.u32 $0x74, v11;
	v12 =	vand.u32 $0x400, v19;
	[sflag:s23] =	ssyncset.done $0x0  }
0xed: {  	v11 =	vor.u32 v11, v12;
	[sflag:s23] =	ssyncadd.s32 $0xFFFFE000  }
0xee: {  	v12 =	vor.u32 v1, v11;
	v10 =	vld.idx.msk [tilespmem:v10+s21+$0x0], $0xffff  }
0xef: {  	v20 =	vadd.s32 s13, v2;
	_ =	sdelay $0x1  }
0xf0: {  	(v2sf) =	vpush v9, $0x5;
	_ =	sdelay $0x1  }
0xf1: {  	[tilespmem:v12+s11+$0x0] =	vst.idx.add.f32.msk $0xffff, v10  }
0xf2: {  	v21 =	vor.u32 v3, v11;
	v10 =	vld.idx.msk [tilespmem:v20+s21+$0x0], $0xffff  }
0xf3: {  	v22 =	vadd.s32 s13, v4;
	_ =	sdelay $0x3  }
0xf4: {  	[tilespmem:v21+s11+$0x0] =	vst.idx.add.f32.msk $0xffff, v10;
	s8 =	spop (v2sf)  }
0xf5: {  	v23 =	vor.u32 v5, v11;
	v10 =	vld.idx.msk [tilespmem:v22+s21+$0x0], $0xffff;
	s23 =	sshra.s32 s8, $0x1F  }
0xf6: {  	v24 =	vadd.s32 s13, v6;
	s24 =	sshrl.u32 s23, $0x19  }
0xf7: {  	s13 =	sadd.s32 s24, s8  }
0xf8: {  	s25 =	sand.u32 $0xFFFFFF80, s13  }
0xf9: {  	p5 =	slt.s32 s8, $0x1;
	p6 =	sne.s32 s8, s25  }
0xfa: {  	[tilespmem:v23+s11+$0x0] =	vst.idx.add.f32.msk $0xffff, v10;
	p0 =	por !p5, !p6  }
0xfb: {  	v11 =	vor.u32 v7, v11;
	s26 =	spop (v2sf);
	s24 =	simm.s32 $0x1;
	v10 =	vld.idx.msk [tilespmem:v24+s21+$0x0], $0xffff;
	p0 =	por !p0, !p0  }
0xfc: {  	s28 =	sshra.s32 s26, $0x1F;
	s13 =	sshrl.u32 s13, $0x7;
	s24 =	simm.s32 @!p0 $0x0  }
0xfd: {  	s13 =	ssub.s32 s13, s24;
	s24 =	sshrl.u32 s28, $0x19  }
0xfe: {  	s13 =	sshll.u32 s13, $0x7;
	s24 =	sadd.s32 s24, s26  }
0xff: {  	s13 =	sand.u32 $0x1FFFFF80, s13;
	s24 =	sand.u32 $0xFFFFFF80, s24  }
0x100: {  	[dreg:$0xd] =	wrdreg s25;
	[tilespmem:v11+s11+$0x0] =	vst.idx.add.f32.msk $0xffff, v10;
	s13 =	sadd.s32 s0, s13;
	s24 =	ssub.s32 s26, s24  }
0x101: {  	[tilespmem:s21], [sflag:$0x5] =	stream.strided.gather [hbm4b:s13+s5], $0x2000, s12, s5, $0x38;
	[tilespmem:$0x14180] =	vst v63  }
0x102: {  	s29 =	sadd.s32 $0xFFFFFFF6, s1;
	v10 =	vadd.s32 s24, v0;
	_ =	swait.ge [sflag:s31], $0x2000  }
0x103: {  	v11 =	vmov s29;
	(v2sf) =	vpush v9, $0xD  }
0x104: {  	v25 =	vshll.u32 v11, $0x3  }
0x105: {  	v11 =	vand.u32 $0x75, v11;
	v12 =	vand.u32 $0x400, v25;
	[sflag:s31] =	ssyncset.done $0x0  }
0x106: {  	v11 =	vor.u32 v11, v12;
	[sflag:s31] =	ssyncadd.s32 $0xFFFFE000  }
0x107: {  	v12 =	vor.u32 v1, v11;
	v10 =	vld.idx.msk [tilespmem:v10+s14+$0x0], $0xffff  }
0x108: {  	v26 =	vadd.s32 s24, v2;
	_ =	sdelay $0x1  }
0x109: {  	(v2sf) =	vpush v9, $0x6;
	_ =	sdelay $0x1  }
0x10a: {  	[tilespmem:v12+s11+$0x0] =	vst.idx.add.f32.msk $0xffff, v10  }
0x10b: {  	v27 =	vor.u32 v3, v11;
	v10 =	vld.idx.msk [tilespmem:v26+s14+$0x0], $0xffff  }
0x10c: {  	v28 =	vadd.s32 s24, v4;
	_ =	sdelay $0x3  }
0x10d: {  	[tilespmem:v27+s11+$0x0] =	vst.idx.add.f32.msk $0xffff, v10;
	s13 =	spop (v2sf)  }
0x10e: {  	v29 =	vor.u32 v5, v11;
	v10 =	vld.idx.msk [tilespmem:v28+s14+$0x0], $0xffff;
	s25 =	sshra.s32 s13, $0x1F  }
0x10f: {  	v30 =	vadd.s32 s24, v6;
	s2 =	sshrl.u32 s25, $0x19  }
0x110: {  	s24 =	sadd.s32 s2, s13  }
0x111: {  	s25 =	sand.u32 $0xFFFFFF80, s24  }
0x112: {  	p1 =	slt.s32 s13, $0x1;
	p2 =	sne.s32 s13, s25  }
0x113: {  	[tilespmem:v29+s11+$0x0] =	vst.idx.add.f32.msk $0xffff, v10;
	p0 =	por !p1, !p2  }
0x114: {  	s26 =	simm.s32 $0x1;
	v11 =	vor.u32 v7, v11;
	s15 =	spop (v2sf);
	v10 =	vld.idx.msk [tilespmem:v30+s14+$0x0], $0xffff;
	p0 =	por !p0, !p0  }
0x115: {  	s23 =	sshra.s32 s15, $0x1F;
	s24 =	sshrl.u32 s24, $0x7;
	s26 =	simm.s32 @!p0 $0x0  }
0x116: {  	s24 =	ssub.s32 s24, s26;
	s26 =	sshrl.u32 s23, $0x19  }
0x117: {  	s24 =	sshll.u32 s24, $0x7;
	s26 =	sadd.s32 s26, s15  }
0x118: {  	s24 =	sand.u32 $0x1FFFFF80, s24;
	s26 =	sand.u32 $0xFFFFFF80, s26  }
0x119: {  	s23 =	simm.s32 $0x7;
	[tilespmem:v11+s11+$0x0] =	vst.idx.add.f32.msk $0xffff, v10;
	s24 =	sadd.s32 s0, s24;
	s26 =	ssub.s32 s15, s26  }
0x11a: {  	[tilespmem:s14], [sflag:$0x6] =	stream.strided.gather [hbm4b:s24+s5], $0x2000, s12, s5, $0x38;
	[tilespmem:$0x14180] =	vst v63  }
0x11b: {  	s28 =	sadd.s32 $0xFFFFFFF7, s1;
	v10 =	vadd.s32 s26, v0;
	_ =	swait.ge [sflag:s23], $0x2000  }
0x11c: {  	v11 =	vmov s28;
	(v2sf) =	vpush v9, $0xE  }
0x11d: {  	v31 =	vshll.u32 v11, $0x3  }
0x11e: {  	v11 =	vand.u32 $0x76, v11;
	v12 =	vand.u32 $0x400, v31;
	[sflag:s23] =	ssyncset.done $0x0  }
0x11f: {  	v11 =	vor.u32 v11, v12;
	[sflag:s23] =	ssyncadd.s32 $0xFFFFE000  }
0x120: {  	v12 =	vor.u32 v1, v11;
	v10 =	vld.idx.msk [tilespmem:v10+s22+$0x0], $0xffff  }
0x121: {  	v32 =	vadd.s32 s26, v2;
	_ =	sdelay $0x1  }
0x122: {  	(v2sf) =	vpush v9, $0x7;
	_ =	sdelay $0x1  }
0x123: {  	[tilespmem:v12+s11+$0x0] =	vst.idx.add.f32.msk $0xffff, v10  }
0x124: {  	v33 =	vor.u32 v3, v11;
	v10 =	vld.idx.msk [tilespmem:v32+s22+$0x0], $0xffff  }
0x125: {  	v34 =	vadd.s32 s26, v4;
	_ =	sdelay $0x3  }
0x126: {  	[tilespmem:v33+s11+$0x0] =	vst.idx.add.f32.msk $0xffff, v10;
	s24 =	spop (v2sf)  }
0x127: {  	v35 =	vor.u32 v5, v11;
	v10 =	vld.idx.msk [tilespmem:v34+s22+$0x0], $0xffff;
	s28 =	sshra.s32 s24, $0x1F  }
0x128: {  	v36 =	vadd.s32 s26, v6;
	s29 =	sshrl.u32 s28, $0x19  }
0x129: {  	s26 =	sadd.s32 s29, s24  }
0x12a: {  	s28 =	sand.u32 $0xFFFFFF80, s26  }
0x12b: {  	p3 =	slt.s32 s24, $0x1;
	p4 =	sne.s32 s24, s28  }
0x12c: {  	[tilespmem:v35+s11+$0x0] =	vst.idx.add.f32.msk $0xffff, v10;
	p0 =	por !p3, !p4  }
0x12d: {  	v11 =	vor.u32 v7, v11;
	s2 =	spop (v2sf);
	s29 =	simm.s32 $0x1;
	v10 =	vld.idx.msk [tilespmem:v36+s22+$0x0], $0xffff;
	p0 =	por !p0, !p0  }
0x12e: {  	s15 =	sshra.s32 s2, $0x1F;
	s26 =	sshrl.u32 s26, $0x7;
	s29 =	simm.s32 @!p0 $0x0  }
0x12f: {  	s26 =	ssub.s32 s26, s29;
	s29 =	sshrl.u32 s15, $0x19  }
0x130: {  	s26 =	sshll.u32 s26, $0x7;
	s29 =	sadd.s32 s29, s2  }
0x131: {  	s26 =	sand.u32 $0x1FFFFF80, s26;
	s29 =	sand.u32 $0xFFFFFF80, s29  }
0x132: {  	[tilespmem:v11+s11+$0x0] =	vst.idx.add.f32.msk $0xffff, v10;
	s26 =	sadd.s32 s0, s26;
	s29 =	ssub.s32 s2, s29  }
0x133: {  	[tilespmem:s22], [sflag:$0x7] =	stream.strided.gather [hbm4b:s26+s5], $0x2000, s12, s5, $0x38;
	[tilespmem:$0x14180] =	vst v63  }
0x134: {  	s2 =	sadd.s32 $0xFFFFFFF8, s1;
	v10 =	vadd.s32 s29, v0;
	_ =	swait.ge [sflag:s16], $0x2000  }
0x135: {  	v11 =	vmov s2;
	(v2sf) =	vpush v9, $0xF  }
0x136: {  	v9 =	vshll.u32 v11, $0x3  }
0x137: {  	[sflag:s16] =	ssyncset.done $0x0;
	v11 =	vand.u32 $0x77, v11;
	v9 =	vand.u32 $0x400, v9  }
0x138: {  	[sflag:s16] =	ssyncadd.s32 $0xFFFFE000;
	v9 =	vor.u32 v11, v9  }
0x139: {  	v10 =	vld.idx.msk [tilespmem:v10+s30+$0x0], $0xffff;
	v11 =	vor.u32 v1, v9  }
0x13a: {  	v37 =	vadd.s32 s29, v2;
	_ =	sdelay $0x3  }
0x13b: {  	[tilespmem:v11+s11+$0x0] =	vst.idx.add.f32.msk $0xffff, v10  }
0x13c: {  	v11 =	vor.u32 v3, v9;
	v10 =	vld.idx.msk [tilespmem:v37+s30+$0x0], $0xffff  }
0x13d: {  	v38 =	vadd.s32 s29, v4;
	_ =	sdelay $0x3  }
0x13e: {  	[tilespmem:v11+s11+$0x0] =	vst.idx.add.f32.msk $0xffff, v10;
	s26 =	spop (v2sf)  }
0x13f: {  	v11 =	vor.u32 v5, v9;
	v10 =	vld.idx.msk [tilespmem:v38+s30+$0x0], $0xffff;
	s30 =	sshra.s32 s26, $0x1F  }
0x140: {  	v39 =	vadd.s32 s29, v6;
	s15 =	sshrl.u32 s30, $0x19  }
0x141: {  	s30 =	sadd.s32 s15, s26  }
0x142: {  	s29 =	sand.u32 $0xFFFFFF80, s30  }
0x143: {  	p5 =	slt.s32 s26, $0x1;
	p6 =	sne.s32 s26, s29  }
0x144: {  	s2 =	simm.s32 $0x12180;
	[tilespmem:v11+s11+$0x0] =	vst.idx.add.f32.msk $0xffff, v10;
	p0 =	por !p5, !p6  }
0x145: {  	v9 =	vor.u32 v7, v9;
	s15 =	simm.s32 $0x1;
	v10 =	vld.idx.msk [tilespmem:v39+s2+$0x0], $0xffff;
	p0 =	por !p0, !p0  }
0x146: {  	s30 =	sshrl.u32 s30, $0x7;
	s15 =	simm.s32 @!p0 $0x0  }
0x147: {  	s15 =	ssub.s32 s30, s15  }
0x148: {  	s15 =	sshll.u32 s15, $0x7  }
0x149: {  	s15 =	sand.u32 $0x1FFFFF80, s15  }
0x14a: {  	s3 =	ssub.s32 s3, s10;
	[tilespmem:v9+s11+$0x0] =	vst.idx.add.f32.msk $0xffff, v10;
	s15 =	sadd.s32 s0, s15  }
0x14b: {  	[tilespmem:s2], [sflag:$0x8] =	stream.strided.gather [hbm4b:s15+s5], $0x2000, s12, s5, $0x38;
	[tilespmem:$0x14180] =	vst v63  }
0x14c: {  	v9 =	vadd.s32 s3, v0;
	s5 =	sadd.s32 $0xFFFFFFF9, s1  }
0x14d: {  	s15 =	simm.s32 $0x1;
	v10 =	vmov s5  }
0x14e: {  	p0 =	seq.s32 s1, $0xFF;
	_ =	swait.ge [sflag:s15], $0x2000;
	v11 =	vshll.u32 v10, $0x3  }
0x14f: {  	s10 =	simm.s32 $0x1;
	(v2sf) =	vpush @!p0 v8, $0x0;
	[sflag:s15] =	ssyncset.done $0x0;
	v10 =	vand.u32 $0x78, v10;
	v11 =	vand.u32 $0x400, v11  }
0x150: {  	[sflag:s10] =	ssyncadd.s32 $0xFFFFE000;
	v10 =	vor.u32 v10, v11  }
0x151: {  	v9 =	vld.idx.msk [tilespmem:v9+s17+$0x0], $0xffff;
	v11 =	vor.u32 v1, v10  }
0x152: {  	v40 =	vadd.s32 s3, v2;
	_ =	sdelay $0x3  }
0x153: {  	[tilespmem:v11+s11+$0x0] =	vst.idx.add.f32.msk $0xffff, v9  }
0x154: {  	v11 =	vor.u32 v3, v10;
	v9 =	vld.idx.msk [tilespmem:v40+s17+$0x0], $0xffff  }
0x155: {  	v41 =	vadd.s32 s3, v4;
	_ =	sdelay $0x3  }
0x156: {  	[tilespmem:v11+s11+$0x0] =	vst.idx.add.f32.msk $0xffff, v9  }
0x157: {  	v11 =	vor.u32 v5, v10;
	v9 =	vld.idx.msk [tilespmem:v41+s17+$0x0], $0xffff  }
0x158: {  	v42 =	vadd.s32 s3, v6;
	s10 =	spop @!p0 (v2sf)  }
0x159: {  	s3 =	sand.u32 @!p0 $0x7F, s10  }
0x15a: {  	p1 =	slt.s32 @!p0 s10, $0x1;
	p2 =	sne.s32 @!p0 s3, $0x0  }
0x15b: {  	s3 =	sshra.s32 @!p0 s10, $0x1F;
	p1 =	por @!p0 !p1, !p2  }
0x15c: {  	s3 =	sshrl.u32 @!p0 s3, $0x19;
	p1 =	por @!p0 !p1, !p1;
	[tilespmem:v11+s11+$0x0] =	vst.idx.add.f32.msk $0xffff, v9  }
0x15d: {  	v10 =	vor.u32 v7, v10;
	s3 =	sadd.s32 @!p0 s3, s10;
	s10 =	simm.s32 @!p0 $0x1;
	p1 =	por !p1, p0;
	v9 =	vld.idx.msk [tilespmem:v42+s17+$0x0], $0xffff  }
0x15e: {  	s3 =	sshrl.u32 @!p0 s3, $0x7;
	s10 =	simm.s32 @p1 $0x0  }
0x15f: {  	s30 =	sadd.s32 $0xFFFFFFFA, s1;
	s3 =	ssub.s32 @!p0 s3, s10  }
0x160: {  	s5 =	simm.s32 @!p0 $0x7A1400;
	s15 =	rddreg [dreg:$0xb];
	s3 =	sshll.u32 @!p0 s3, $0x7  }
0x161: {  	s9 =	ssub.s32 s9, s15;
	s15 =	simm.s32 @!p0 $0x4180;
	s3 =	sand.u32 @!p0 $0x1FFFFF80, s3  }
0x162: {  	s17 =	simm.s32 $0x2;
	s10 =	sadd.s32 @!p0 s0, s3;
	s3 =	simm.s32 @!p0 $0x400;
	[tilespmem:v10+s11+$0x0] =	vst.idx.add.f32.msk $0xffff, v9;
	v9 =	vadd.s32 s9, v0  }
0x163: {  	v10 =	vmov s30;
	[tilespmem:s15], [sflag:$0x1] =	stream.strided.gather @!p0 [hbm4b:s10+s3], $0x2000, s5, s3, $0x38;
	[tilespmem:$0x14180] =	vst v63  }
0x164: {  	v11 =	vshll.u32 v10, $0x3;
	_ =	swait.ge [sflag:s17], $0x2000  }
0x165: {  	s15 =	simm.s32 $0x2;
	v10 =	vand.u32 $0x79, v10;
	v11 =	vand.u32 $0x400, v11;
	[sflag:s17] =	ssyncset.done $0x0;
	(v2sf) =	vpush @!p0 v8, $0x1  }
0x166: {  	v10 =	vor.u32 v10, v11;
	[sflag:s15] =	ssyncadd.s32 $0xFFFFE000  }
0x167: {  	v11 =	vor.u32 v1, v10;
	v9 =	vld.idx.msk [tilespmem:v9+s18+$0x0], $0xffff  }
0x168: {  	v43 =	vadd.s32 s9, v2;
	_ =	sdelay $0x3  }
0x169: {  	[tilespmem:v11+s11+$0x0] =	vst.idx.add.f32.msk $0xffff, v9  }
0x16a: {  	v11 =	vor.u32 v3, v10;
	v9 =	vld.idx.msk [tilespmem:v43+s18+$0x0], $0xffff  }
0x16b: {  	v44 =	vadd.s32 s9, v4;
	_ =	sdelay $0x3  }
0x16c: {  	[tilespmem:v11+s11+$0x0] =	vst.idx.add.f32.msk $0xffff, v9  }
0x16d: {  	v11 =	vor.u32 v5, v10;
	v9 =	vld.idx.msk [tilespmem:v44+s18+$0x0], $0xffff  }
0x16e: {  	v45 =	vadd.s32 s9, v6;
	s9 =	spop @!p0 (v2sf)  }
0x16f: {  	s10 =	sand.u32 @!p0 $0x7F, s9  }
0x170: {  	p1 =	slt.s32 @!p0 s9, $0x1;
	p2 =	sne.s32 @!p0 s10, $0x0  }
0x171: {  	s10 =	sshra.s32 @!p0 s9, $0x1F;
	p1 =	por @!p0 !p1, !p2  }
0x172: {  	s10 =	sshrl.u32 @!p0 s10, $0x19;
	[tilespmem:v11+s11+$0x0] =	vst.idx.add.f32.msk $0xffff, v9;
	p1 =	por @!p0 !p1, !p1  }
0x173: {  	v10 =	vor.u32 v7, v10;
	s9 =	sadd.s32 @!p0 s10, s9;
	s10 =	simm.s32 @!p0 $0x1;
	v9 =	vld.idx.msk [tilespmem:v45+s18+$0x0], $0xffff;
	p1 =	por !p1, p0  }
0x174: {  	s9 =	sshrl.u32 @!p0 s9, $0x7;
	s10 =	simm.s32 @p1 $0x0  }
0x175: {  	s9 =	ssub.s32 @!p0 s9, s10  }
0x176: {  	s9 =	sshll.u32 @!p0 s9, $0x7  }
0x177: {  	s4 =	ssub.s32 s4, s7;
	s17 =	sadd.s32 $0xFFFFFFFB, s1;
	s7 =	sand.u32 @!p0 $0x1FFFFF80, s9  }
0x178: {  	s10 =	simm.s32 $0x3;
	s9 =	simm.s32 @!p0 $0x6180;
	[tilespmem:v10+s11+$0x0] =	vst.idx.add.f32.msk $0xffff, v9;
	s7 =	sadd.s32 @!p0 s0, s7;
	v9 =	vadd.s32 s4, v0  }
0x179: {  	v10 =	vmov s17;
	[tilespmem:s9], [sflag:$0x2] =	stream.strided.gather @!p0 [hbm4b:s7+s3], $0x2000, s5, s3, $0x38;
	[tilespmem:$0x14180] =	vst v63  }
0x17a: {  	v11 =	vshll.u32 v10, $0x3;
	_ =	swait.ge [sflag:s10], $0x2000  }
0x17b: {  	s17 =	simm.s32 $0x3;
	v10 =	vand.u32 $0x7A, v10;
	v11 =	vand.u32 $0x400, v11;
	[sflag:s10] =	ssyncset.done $0x0;
	(v2sf) =	vpush @!p0 v8, $0x2  }
0x17c: {  	v10 =	vor.u32 v10, v11;
	[sflag:s17] =	ssyncadd.s32 $0xFFFFE000  }
0x17d: {  	v11 =	vor.u32 v1, v10;
	v9 =	vld.idx.msk [tilespmem:v9+s19+$0x0], $0xffff  }
0x17e: {  	v46 =	vadd.s32 s4, v2;
	_ =	sdelay $0x3  }
0x17f: {  	[tilespmem:v11+s11+$0x0] =	vst.idx.add.f32.msk $0xffff, v9  }
0x180: {  	v11 =	vor.u32 v3, v10;
	v9 =	vld.idx.msk [tilespmem:v46+s19+$0x0], $0xffff  }
0x181: {  	v47 =	vadd.s32 s4, v4;
	_ =	sdelay $0x3  }
0x182: {  	[tilespmem:v11+s11+$0x0] =	vst.idx.add.f32.msk $0xffff, v9  }
0x183: {  	v11 =	vor.u32 v5, v10;
	v9 =	vld.idx.msk [tilespmem:v47+s19+$0x0], $0xffff  }
0x184: {  	v48 =	vadd.s32 s4, v6;
	s4 =	spop @!p0 (v2sf)  }
0x185: {  	s7 =	sand.u32 @!p0 $0x7F, s4  }
0x186: {  	p1 =	slt.s32 @!p0 s4, $0x1;
	p2 =	sne.s32 @!p0 s7, $0x0  }
0x187: {  	s7 =	sshra.s32 @!p0 s4, $0x1F;
	p1 =	por @!p0 !p1, !p2  }
0x188: {  	s7 =	sshrl.u32 @!p0 s7, $0x19;
	[tilespmem:v11+s11+$0x0] =	vst.idx.add.f32.msk $0xffff, v9;
	p1 =	por @!p0 !p1, !p1  }
0x189: {  	v10 =	vor.u32 v7, v10;
	s4 =	sadd.s32 @!p0 s7, s4;
	s7 =	simm.s32 @!p0 $0x1;
	v9 =	vld.idx.msk [tilespmem:v48+s19+$0x0], $0xffff;
	p1 =	por !p1, p0  }
0x18a: {  	s4 =	sshrl.u32 @!p0 s4, $0x7;
	s7 =	simm.s32 @p1 $0x0  }
0x18b: {  	s4 =	ssub.s32 @!p0 s4, s7  }
0x18c: {  	s9 =	rddreg [dreg:$0xc];
	s4 =	sshll.u32 @!p0 s4, $0x7  }
0x18d: {  	s6 =	ssub.s32 s6, s9;
	s17 =	sadd.s32 $0xFFFFFFFC, s1;
	s4 =	sand.u32 @!p0 $0x1FFFFF80, s4  }
0x18e: {  	s9 =	simm.s32 $0x4;
	s7 =	simm.s32 @!p0 $0x8180;
	[tilespmem:v10+s11+$0x0] =	vst.idx.add.f32.msk $0xffff, v9;
	s4 =	sadd.s32 @!p0 s0, s4;
	v9 =	vadd.s32 s6, v0  }
0x18f: {  	v10 =	vmov s17;
	[tilespmem:s7], [sflag:$0x3] =	stream.strided.gather @!p0 [hbm4b:s4+s3], $0x2000, s5, s3, $0x38;
	[tilespmem:$0x14180] =	vst v63  }
0x190: {  	v11 =	vshll.u32 v10, $0x3;
	_ =	swait.ge [sflag:s9], $0x2000  }
0x191: {  	s17 =	simm.s32 $0x4;
	v10 =	vand.u32 $0x7B, v10;
	v11 =	vand.u32 $0x400, v11;
	[sflag:s9] =	ssyncset.done $0x0;
	(v2sf) =	vpush @!p0 v8, $0x3  }
0x192: {  	v10 =	vor.u32 v10, v11;
	[sflag:s17] =	ssyncadd.s32 $0xFFFFE000  }
0x193: {  	v11 =	vor.u32 v1, v10;
	v9 =	vld.idx.msk [tilespmem:v9+s20+$0x0], $0xffff  }
0x194: {  	v49 =	vadd.s32 s6, v2;
	_ =	sdelay $0x3  }
0x195: {  	[tilespmem:v11+s11+$0x0] =	vst.idx.add.f32.msk $0xffff, v9  }
0x196: {  	v11 =	vor.u32 v3, v10;
	v9 =	vld.idx.msk [tilespmem:v49+s20+$0x0], $0xffff  }
0x197: {  	v50 =	vadd.s32 s6, v4;
	_ =	sdelay $0x3  }
0x198: {  	[tilespmem:v11+s11+$0x0] =	vst.idx.add.f32.msk $0xffff, v9  }
0x199: {  	v11 =	vor.u32 v5, v10;
	v9 =	vld.idx.msk [tilespmem:v50+s20+$0x0], $0xffff  }
0x19a: {  	v51 =	vadd.s32 s6, v6;
	s4 =	spop @!p0 (v2sf)  }
0x19b: {  	s6 =	sand.u32 @!p0 $0x7F, s4  }
0x19c: {  	p1 =	slt.s32 @!p0 s4, $0x1;
	p2 =	sne.s32 @!p0 s6, $0x0  }
0x19d: {  	s6 =	sshra.s32 @!p0 s4, $0x1F;
	p1 =	por @!p0 !p1, !p2  }
0x19e: {  	s6 =	sshrl.u32 @!p0 s6, $0x19;
	[tilespmem:v11+s11+$0x0] =	vst.idx.add.f32.msk $0xffff, v9;
	p1 =	por @!p0 !p1, !p1  }
0x19f: {  	v10 =	vor.u32 v7, v10;
	s4 =	sadd.s32 @!p0 s6, s4;
	s6 =	simm.s32 @!p0 $0x1;
	v9 =	vld.idx.msk [tilespmem:v51+s20+$0x0], $0xffff;
	p1 =	por !p1, p0  }
0x1a0: {  	s4 =	sshrl.u32 @!p0 s4, $0x7;
	s6 =	simm.s32 @p1 $0x0  }
0x1a1: {  	s4 =	ssub.s32 @!p0 s4, s6  }
0x1a2: {  	s7 =	rddreg [dreg:$0xd];
	s4 =	sshll.u32 @!p0 s4, $0x7  }
0x1a3: {  	s17 =	sadd.s32 $0xFFFFFFFD, s1;
	s6 =	ssub.s32 s8, s7;
	s4 =	sand.u32 @!p0 $0x1FFFFF80, s4  }
0x1a4: {  	s7 =	simm.s32 @!p0 $0xA180;
	s8 =	simm.s32 $0x5;
	[tilespmem:v10+s11+$0x0] =	vst.idx.add.f32.msk $0xffff, v9;
	s4 =	sadd.s32 @!p0 s0, s4;
	v9 =	vadd.s32 s6, v0  }
0x1a5: {  	v10 =	vmov s17;
	[tilespmem:s7], [sflag:$0x4] =	stream.strided.gather @!p0 [hbm4b:s4+s3], $0x2000, s5, s3, $0x38;
	[tilespmem:$0x14180] =	vst v63  }
0x1a6: {  	v11 =	vshll.u32 v10, $0x3;
	_ =	swait.ge [sflag:s8], $0x2000  }
0x1a7: {  	s17 =	simm.s32 $0x5;
	v10 =	vand.u32 $0x7C, v10;
	v11 =	vand.u32 $0x400, v11;
	[sflag:s8] =	ssyncset.done $0x0;
	(v2sf) =	vpush @!p0 v8, $0x4  }
0x1a8: {  	v10 =	vor.u32 v10, v11;
	[sflag:s17] =	ssyncadd.s32 $0xFFFFE000  }
0x1a9: {  	v11 =	vor.u32 v1, v10;
	v9 =	vld.idx.msk [tilespmem:v9+s21+$0x0], $0xffff  }
0x1aa: {  	v52 =	vadd.s32 s6, v2;
	_ =	sdelay $0x3  }
0x1ab: {  	[tilespmem:v11+s11+$0x0] =	vst.idx.add.f32.msk $0xffff, v9  }
0x1ac: {  	v11 =	vor.u32 v3, v10;
	v9 =	vld.idx.msk [tilespmem:v52+s21+$0x0], $0xffff  }
0x1ad: {  	v53 =	vadd.s32 s6, v4;
	_ =	sdelay $0x3  }
0x1ae: {  	[tilespmem:v11+s11+$0x0] =	vst.idx.add.f32.msk $0xffff, v9  }
0x1af: {  	v11 =	vor.u32 v5, v10;
	v9 =	vld.idx.msk [tilespmem:v53+s21+$0x0], $0xffff  }
0x1b0: {  	v54 =	vadd.s32 s6, v6;
	s4 =	spop @!p0 (v2sf)  }
0x1b1: {  	s6 =	sand.u32 @!p0 $0x7F, s4  }
0x1b2: {  	p1 =	slt.s32 @!p0 s4, $0x1;
	p2 =	sne.s32 @!p0 s6, $0x0  }
0x1b3: {  	s6 =	sshra.s32 @!p0 s4, $0x1F;
	p1 =	por @!p0 !p1, !p2  }
0x1b4: {  	s6 =	sshrl.u32 @!p0 s6, $0x19;
	[tilespmem:v11+s11+$0x0] =	vst.idx.add.f32.msk $0xffff, v9;
	p1 =	por @!p0 !p1, !p1  }
0x1b5: {  	v10 =	vor.u32 v7, v10;
	s4 =	sadd.s32 @!p0 s6, s4;
	s6 =	simm.s32 @!p0 $0x1;
	v9 =	vld.idx.msk [tilespmem:v54+s21+$0x0], $0xffff;
	p1 =	por !p1, p0  }
0x1b6: {  	s4 =	sshrl.u32 @!p0 s4, $0x7;
	s6 =	simm.s32 @p1 $0x0  }
0x1b7: {  	s4 =	ssub.s32 @!p0 s4, s6  }
0x1b8: {  	s4 =	sshll.u32 @!p0 s4, $0x7  }
0x1b9: {  	s25 =	ssub.s32 s13, s25;
	s4 =	sand.u32 @!p0 $0x1FFFFF80, s4  }
0x1ba: {  	s13 =	sadd.s32 $0xFFFFFFFE, s1;
	s7 =	simm.s32 @!p0 $0xC180;
	[tilespmem:v10+s11+$0x0] =	vst.idx.add.f32.msk $0xffff, v9;
	s4 =	sadd.s32 @!p0 s0, s4;
	v9 =	vadd.s32 s25, v0  }
0x1bb: {  	v10 =	vmov s13;
	[tilespmem:s7], [sflag:$0x5] =	stream.strided.gather @!p0 [hbm4b:s4+s3], $0x2000, s5, s3, $0x38;
	[tilespmem:$0x14180] =	vst v63  }
0x1bc: {  	v11 =	vshll.u32 v10, $0x3;
	_ =	swait.ge [sflag:s31], $0x2000  }
0x1bd: {  	v10 =	vand.u32 $0x7D, v10;
	v11 =	vand.u32 $0x400, v11;
	[sflag:s31] =	ssyncset.done $0x0;
	(v2sf) =	vpush @!p0 v8, $0x5  }
0x1be: {  	v10 =	vor.u32 v10, v11;
	[sflag:s31] =	ssyncadd.s32 $0xFFFFE000  }
0x1bf: {  	v11 =	vor.u32 v1, v10;
	v9 =	vld.idx.msk [tilespmem:v9+s14+$0x0], $0xffff  }
0x1c0: {  	v55 =	vadd.s32 s25, v2;
	_ =	sdelay $0x3  }
0x1c1: {  	[tilespmem:v11+s11+$0x0] =	vst.idx.add.f32.msk $0xffff, v9  }
0x1c2: {  	v11 =	vor.u32 v3, v10;
	v9 =	vld.idx.msk [tilespmem:v55+s14+$0x0], $0xffff  }
0x1c3: {  	v56 =	vadd.s32 s25, v4;
	_ =	sdelay $0x3  }
0x1c4: {  	[tilespmem:v11+s11+$0x0] =	vst.idx.add.f32.msk $0xffff, v9  }
0x1c5: {  	v11 =	vor.u32 v5, v10;
	v9 =	vld.idx.msk [tilespmem:v56+s14+$0x0], $0xffff  }
0x1c6: {  	v57 =	vadd.s32 s25, v6;
	s4 =	spop @!p0 (v2sf)  }
0x1c7: {  	s6 =	sand.u32 @!p0 $0x7F, s4  }
0x1c8: {  	p1 =	slt.s32 @!p0 s4, $0x1;
	p2 =	sne.s32 @!p0 s6, $0x0  }
0x1c9: {  	s6 =	sshra.s32 @!p0 s4, $0x1F;
	p1 =	por @!p0 !p1, !p2  }
0x1ca: {  	s6 =	sshrl.u32 @!p0 s6, $0x19;
	[tilespmem:v11+s11+$0x0] =	vst.idx.add.f32.msk $0xffff, v9;
	p1 =	por @!p0 !p1, !p1  }
0x1cb: {  	v10 =	vor.u32 v7, v10;
	s4 =	sadd.s32 @!p0 s6, s4;
	s6 =	simm.s32 @!p0 $0x1;
	v9 =	vld.idx.msk [tilespmem:v57+s14+$0x0], $0xffff;
	p1 =	por !p1, p0  }
0x1cc: {  	s4 =	sshrl.u32 @!p0 s4, $0x7;
	s6 =	simm.s32 @p1 $0x0  }
0x1cd: {  	s4 =	ssub.s32 @!p0 s4, s6  }
0x1ce: {  	s4 =	sshll.u32 @!p0 s4, $0x7  }
0x1cf: {  	s25 =	ssub.s32 s24, s28;
	s4 =	sand.u32 @!p0 $0x1FFFFF80, s4  }
0x1d0: {  	s28 =	sadd.s32 $0xFFFFFFFF, s1;
	s7 =	simm.s32 @!p0 $0xE180;
	[tilespmem:v10+s11+$0x0] =	vst.idx.add.f32.msk $0xffff, v9;
	s4 =	sadd.s32 @!p0 s0, s4;
	v9 =	vadd.s32 s25, v0  }
0x1d1: {  	v10 =	vmov s28;
	[tilespmem:s7], [sflag:$0x6] =	stream.strided.gather @!p0 [hbm4b:s4+s3], $0x2000, s5, s3, $0x38;
	[tilespmem:$0x14180] =	vst v63  }
0x1d2: {  	v11 =	vshll.u32 v10, $0x3;
	_ =	swait.ge [sflag:s23], $0x2000  }
0x1d3: {  	v10 =	vand.u32 $0x7E, v10;
	v11 =	vand.u32 $0x400, v11;
	[sflag:s23] =	ssyncset.done $0x0;
	(v2sf) =	vpush @!p0 v8, $0x6  }
0x1d4: {  	v10 =	vor.u32 v10, v11;
	[sflag:s23] =	ssyncadd.s32 $0xFFFFE000  }
0x1d5: {  	v11 =	vor.u32 v1, v10;
	v9 =	vld.idx.msk [tilespmem:v9+s22+$0x0], $0xffff  }
0x1d6: {  	v58 =	vadd.s32 s25, v2;
	_ =	sdelay $0x3  }
0x1d7: {  	[tilespmem:v11+s11+$0x0] =	vst.idx.add.f32.msk $0xffff, v9  }
0x1d8: {  	v11 =	vor.u32 v3, v10;
	v9 =	vld.idx.msk [tilespmem:v58+s22+$0x0], $0xffff  }
0x1d9: {  	v59 =	vadd.s32 s25, v4;
	_ =	sdelay $0x3  }
0x1da: {  	[tilespmem:v11+s11+$0x0] =	vst.idx.add.f32.msk $0xffff, v9  }
0x1db: {  	v11 =	vor.u32 v5, v10;
	v9 =	vld.idx.msk [tilespmem:v59+s22+$0x0], $0xffff  }
0x1dc: {  	v60 =	vadd.s32 s25, v6;
	s4 =	spop @!p0 (v2sf)  }
0x1dd: {  	s6 =	sand.u32 @!p0 $0x7F, s4  }
0x1de: {  	p1 =	slt.s32 @!p0 s4, $0x1;
	p2 =	sne.s32 @!p0 s6, $0x0  }
0x1df: {  	s6 =	sshra.s32 @!p0 s4, $0x1F;
	p1 =	por @!p0 !p1, !p2  }
0x1e0: {  	s6 =	sshrl.u32 @!p0 s6, $0x19;
	[tilespmem:v11+s11+$0x0] =	vst.idx.add.f32.msk $0xffff, v9;
	p1 =	por @!p0 !p1, !p1  }
0x1e1: {  	v10 =	vor.u32 v7, v10;
	s4 =	sadd.s32 @!p0 s6, s4;
	s6 =	simm.s32 @!p0 $0x1;
	v9 =	vld.idx.msk [tilespmem:v60+s22+$0x0], $0xffff;
	p1 =	por !p1, p0  }
0x1e2: {  	s4 =	sshrl.u32 @!p0 s4, $0x7;
	s6 =	simm.s32 @p1 $0x0  }
0x1e3: {  	s4 =	ssub.s32 @!p0 s4, s6  }
0x1e4: {  	s4 =	sshll.u32 @!p0 s4, $0x7  }
0x1e5: {  	s29 =	ssub.s32 s26, s29;
	s4 =	sand.u32 @!p0 $0x1FFFFF80, s4  }
0x1e6: {  	s7 =	simm.s32 @!p0 $0x10180;
	[tilespmem:v10+s11+$0x0] =	vst.idx.add.f32.msk $0xffff, v9;
	s4 =	sadd.s32 @!p0 s0, s4;
	v9 =	vadd.s32 s29, v0  }
0x1e7: {  	v10 =	vmov s1;
	[tilespmem:s7], [sflag:$0x7] =	stream.strided.gather @!p0 [hbm4b:s4+s3], $0x2000, s5, s3, $0x38;
	[tilespmem:$0x14180] =	vst v63  }
0x1e8: {  	v11 =	vshll.u32 v10, $0x3;
	_ =	swait.ge [sflag:s16], $0x2000  }
0x1e9: {  	v10 =	vand.u32 $0x7F, v10;
	v11 =	vand.u32 $0x400, v11;
	[sflag:s16] =	ssyncset.done $0x0  }
0x1ea: {  	s30 =	simm.s32 $0x12180;
	v10 =	vor.u32 v10, v11;
	[sflag:s16] =	ssyncadd.s32 $0xFFFFE000  }
0x1eb: {  	v11 =	vor.u32 v1, v10;
	v9 =	vld.idx.msk [tilespmem:v9+s30+$0x0], $0xffff  }
0x1ec: {  	v61 =	vadd.s32 s29, v2;
	_ =	sdelay $0x3  }
0x1ed: {  	[tilespmem:v11+s11+$0x0] =	vst.idx.add.f32.msk $0xffff, v9  }
0x1ee: {  	v11 =	vor.u32 v3, v10;
	v9 =	vld.idx.msk [tilespmem:v61+s30+$0x0], $0xffff  }
0x1ef: {  	v62 =	vadd.s32 s29, v4;
	_ =	sdelay $0x3  }
0x1f0: {  	[tilespmem:v11+s11+$0x0] =	vst.idx.add.f32.msk $0xffff, v9  }
0x1f1: {  	v11 =	vor.u32 v5, v10;
	v9 =	vld.idx.msk [tilespmem:v62+s30+$0x0], $0xffff  }
0x1f2: {  	v63 =	vadd.s32 s29, v6;
	_ =	sdelay $0x3  }
0x1f3: {  	[tilespmem:v11+s11+$0x0] =	vst.idx.add.f32.msk $0xffff, v9  }
0x1f4: {  	v10 =	vor.u32 v7, v10;
	v9 =	vld.idx.msk [tilespmem:v63+s30+$0x0], $0xffff  }
.Ltmp2:
0x1f5: {  	_ = 	snop;
	(pc) =	sbr.rel @p0 .LBB2_4-.Ltmp2, $4  }
0x1f6: {  	_ = 	snop  }
0x1f7: {  	s2 =	simm.s32 $0x400  }
0x1f8: {  	s15 =	simm.s32 $0x6180;
	s10 =	simm.s32 $0x8180;
	s9 =	simm.s32 $0xA180  }
0x1f9: {  	s8 =	simm.s32 $0x10180;
	s17 =	simm.s32 $0xC180;
	s13 =	simm.s32 $0xE180;
	[tilespmem:v10+s11+$0x0] =	vst.idx.add.f32.msk $0xffff, v9  }
0x1fa: {  	(v2sf) =	vpush v8, $0x7;
	_ =	sdelay $0xe  }
0x1fb: {  	s3 =	spop (v2sf)  }
0x1fc: {  	s4 =	sand.u32 $0x7F, s3  }
0x1fd: {  	s26 =	sshra.s32 s3, $0x1F;
	p1 =	slt.s32 s3, $0x1;
	p0 =	sne.s32 s4, $0x0  }
0x1fe: {  	s4 =	sshrl.u32 s26, $0x19;
	p0 =	por !p1, !p0  }
0x1ff: {  	s3 =	sadd.s32 s4, s3;
	s4 =	simm.s32 $0x1;
	p0 =	por !p0, !p0  }
0x200: {  	s3 =	sshrl.u32 s3, $0x7;
	s4 =	simm.s32 @!p0 $0x0  }
0x201: {  	s3 =	ssub.s32 s3, s4  }
.Ltmp3:
0x202: {  	s3 =	sshll.u32 s3, $0x7;
	(pc) =	sbr.rel .LBB2_2-.Ltmp3, $4  }
0x203: {  	s28 =	simm.s32 $0x7A1400;
	s3 =	sand.u32 $0x1FFFFF80, s3  }
0x204: {  	s1 =	sadd.s32 $0x10, s1;
	s29 =	rddreg [dreg:$0xa];
	s3 =	sadd.s32 s0, s3  }
0x205: {  	[tilespmem:s30], [sflag:$0x8] =	stream.strided.gather [hbm4b:s3+s2], $0x2000, s28, s2, $0x38;
	[tilespmem:$0x14180] =	vst v63  }
0x206: {  	s6 =	simm.s32 $0x400;
	s7 =	simm.s32 $0x7A1400;
	s2 =	sadd.s32 $0x10, s29  }
.LBB2_5:
0x207: {  	_ =	sfence.sel $0x180000  }
0x208: {  	[bflag:$0x0] =	sbarrier.arrive $0xFFFF  }
0x209: {  	_ =	strace $0x90000047  }
0x20a: {  	s0 =	stileid.u32;
	[bflag:$0x2] =	sbarrier.arrive $0xFFFF  }
0x20b: {  	p0 =	sne.s32 s0, $0x0;
	s0 =	rddreg [dreg:$0x4]  }
0x20c: {  	s0 =	sadd.s32 @!p0 $0x100000, s0  }
0x20d: {  	[sflag:s0] =	ssyncadd.tile.s32 @!p0 $0x1;
	_ =	shalt  }
.Lfunc_end2:
_tile_overlayer_lowered:
.L_overlay_start_2:
0x20e: {  	(tag) =	ssettag $0x2  }
0x20f: {  	s0 =	rddreg [dreg:$0x0];
	s2 =	stileid.u32  }
0x210: {  	s1 =	rddreg [dreg:$0x1];
	p0 =	sne.s32 s2, $0x0  }
0x211: {  	s3 =	rddreg [dreg:$0x2];
	[bflag:$0x3] =	sbarrier.arrive $0xFFFF;
	s2 =	simm.s32 @!p0 $0x1C09  }
0x212: {  	[timem:s3], [sflag:s2] =	dma.local @!p0 [hbm:s0], s1  }
0x213: {  	s0 =	simm.s32 @!p0 $0x9  }
0x214: {  	_ =	swait.ge @!p0 [sflag:s0], s1  }
0x215: {  	s1 =	ssub.s32 @!p0 $0x0, s1;
	[sflag:s0] =	ssyncset.done @!p0 $0x0  }
0x216: {  	[sflag:s0] =	ssyncadd.s32 @!p0 s1  }
0x217: {  	[bflag:$0x3] =	sbarrier.arrive $0xFFFF  }
0x218: {  	_ =	shalt  }

</sc_bundles>
